<compile_context>
chip_gen: v7x
topology: tpu7x:2x2x1
jax: 0.10.2.dev20260603
libtpu: 0.0.44.dev20260713+nightly
codegen_flags: <defaults>
</compile_context>

<pallas_src>
import functools

import jax
import jax.numpy as jnp
from jax import lax
from jax.experimental import pallas as pl
from jax.experimental.pallas import tpu as pltpu
from jax.experimental.pallas import tpu_sc as plsc

NC = 2
NS = 16
NW = NC * NS
LANES = 16
G = 80


def _silu(x):
    return x * (1.0 / (1.0 + jnp.exp(-x)))


def _prep_body(nf_ref, w_ref, eb1_ref, a_ref, b_ref):
    p = jnp.dot(nf_ref[...], w_ref[...], preferred_element_type=jnp.float32)
    d = nf_ref.shape[1]
    a_ref[...] = p[:, :d].astype(jnp.bfloat16)
    b_ref[...] = (p[:, d:] + eb1_ref[...]).astype(jnp.bfloat16)


def _make_gather(E, N, D, W):
    EW = E // NW
    CH = EW // G
    mesh = plsc.VectorSubcoreMesh(
        core_axis_name="c", subcore_axis_name="s", num_cores=NC, num_subcores=NS)

    @functools.partial(
        pl.kernel,
        out_type=(jax.ShapeDtypeStruct((E, W), jnp.bfloat16),
                  jax.ShapeDtypeStruct((E, W), jnp.bfloat16),
                  jax.ShapeDtypeStruct((2 * NW * G, W), jnp.bfloat16),
                  jax.ShapeDtypeStruct((2 * NW * G, W), jnp.bfloat16)),
        mesh=mesh,
        compiler_params=pltpu.CompilerParams(use_tc_tiling_on_sc=False),
        scratch_types=[
            pltpu.VMEM((2, G), jnp.int32),
            pltpu.VMEM((2, G), jnp.int32),
            pltpu.VMEM((2, G, W), jnp.bfloat16),
            pltpu.VMEM((2, G, W), jnp.bfloat16),
            pltpu.VMEM_SHARED((N, W), jnp.bfloat16),
            pltpu.VMEM_SHARED((N, W), jnp.bfloat16),
            pltpu.SemaphoreType.DMA,
            pltpu.SemaphoreType.DMA,
            pltpu.SemaphoreType.DMA,
            pltpu.SemaphoreType.DMA,
            pltpu.SemaphoreType.DMA,
        ],
    )
    def k(a_hbm, b_hbm, src_hbm, dst_hbm, pa_hbm, pb_hbm, dpa_hbm, dpb_hbm,
          idxs, idxd, bufa, bufb, ta, tb,
          semi0, semi1, semg, semw0, semw1):
        s = lax.axis_index("s")
        wid = s * NC + lax.axis_index("c")
        base0 = wid * EW
        semis = (semi0, semi1)
        semws = (semw0, semw1)
        RPN = N // NS
        pltpu.sync_copy(a_hbm.at[pl.ds(s * RPN, RPN)],
                        ta.at[pl.ds(s * RPN, RPN)])
        pltpu.sync_copy(b_hbm.at[pl.ds(s * RPN, RPN)],
                        tb.at[pl.ds(s * RPN, RPN)])
        plsc.subcore_barrier()
        for b in (0, 1):
            pltpu.async_copy(bufa.at[b],
                             dpa_hbm.at[pl.ds((2 * wid + b) * G, G)], semws[b])
            pltpu.async_copy(bufb.at[b],
                             dpb_hbm.at[pl.ds((2 * wid + b) * G, G)], semws[b])

        def issue(kk, b):
            base = base0 + kk * G
            pltpu.async_copy(src_hbm.at[pl.ds(base, G)], idxs.at[b], semis[b])
            pltpu.async_copy(dst_hbm.at[pl.ds(base, G)], idxd.at[b], semis[b])

        def consume(kk, b):
            pltpu.make_async_copy(bufa.at[b], pa_hbm.at[pl.ds(0, G)],
                                  semws[b]).wait()
            pltpu.make_async_copy(bufb.at[b], pb_hbm.at[pl.ds(0, G)],
                                  semws[b]).wait()
            pltpu.make_async_copy(src_hbm.at[pl.ds(0, G)], idxs.at[b],
                                  semis[b]).wait()
            pltpu.make_async_copy(src_hbm.at[pl.ds(0, G)], idxd.at[b],
                                  semis[b]).wait()
            pltpu.async_copy(ta.at[idxs.at[b]], bufa.at[b], semg)
            pltpu.async_copy(tb.at[idxd.at[b]], bufb.at[b], semg)
            pltpu.make_async_copy(ta.at[pl.ds(0, G)], bufa.at[b], semg).wait()
            pltpu.make_async_copy(ta.at[pl.ds(0, G)], bufb.at[b], semg).wait()

            base = base0 + kk * G
            pltpu.async_copy(bufa.at[b], pa_hbm.at[pl.ds(base, G)], semws[b])
            pltpu.async_copy(bufb.at[b], pb_hbm.at[pl.ds(base, G)], semws[b])

        issue(0, 0)

        def pair(i, carry):
            k0 = 2 * i
            issue(k0 + 1, 1)
            consume(k0, 0)
            issue(k0 + 2, 0)
            consume(k0 + 1, 1)
            return carry

        lax.fori_loop(0, (CH - 1) // 2, pair, 0)
        consume(CH - 1, 0)
        for b in (0, 1):
            pltpu.make_async_copy(bufa.at[b], pa_hbm.at[pl.ds(0, G)],
                                  semws[b]).wait()
            pltpu.make_async_copy(bufb.at[b], pb_hbm.at[pl.ds(0, G)],
                                  semws[b]).wait()

    return k


def _edge_body(pa_ref, pb_ref, w1c_ref, ew2_ref, eb2_ref, cw1_ref, cb1_ref,
               cw2t_ref, mh_ref, mx_ref):
    d = mh_ref.shape[1]
    pa = pa_ref[...].astype(jnp.float32)
    pb = pb_ref[...].astype(jnp.float32)
    pm = pa[:, :d] + pb[:, :d]
    xd = pa[:, d:] - pb[:, d:]
    d2 = jnp.sum(xd * xd, axis=1, keepdims=True)
    dist = jnp.sqrt(d2)
    msg1 = pm + dist * w1c_ref[...]
    h1 = _silu(msg1).astype(jnp.bfloat16)
    mh = _silu(jnp.dot(h1, ew2_ref[...], preferred_element_type=jnp.float32)
               + eb2_ref[...])
    t = _silu(jnp.dot(mh.astype(jnp.bfloat16), cw1_ref[...],
                      preferred_element_type=jnp.float32)
              + cb1_ref[...])
    phi = jnp.sum(t * cw2t_ref[...], axis=1, keepdims=True)
    scale = phi / (dist + 1e-7)
    mx = scale * xd
    lane = lax.broadcasted_iota(jnp.int32, mx.shape, 1)
    mh_ref[...] = mh
    mx_ref[...] = jnp.where(lane == 1, 1.0, mx)


def _make_scatter(E, N, D):
    EW = E // NW
    CH = EW // G
    RPS = N // NS
    mesh = plsc.VectorSubcoreMesh(
        core_axis_name="c", subcore_axis_name="s", num_cores=NC, num_subcores=NS)

    @functools.partial(
        pl.kernel,
        out_type=(jax.ShapeDtypeStruct((2 * N, D), jnp.float32),
                  jax.ShapeDtypeStruct((2 * N, 32), jnp.float32)),
        mesh=mesh,
        compiler_params=pltpu.CompilerParams(use_tc_tiling_on_sc=False),
        scratch_types=[
            pltpu.VMEM((2, G), jnp.int32),
            pltpu.VMEM((2, G, D), jnp.float32),
            pltpu.VMEM((2, G, 32), jnp.float32),
            pltpu.VMEM_SHARED((N, D), jnp.float32),
            pltpu.VMEM_SHARED((N, 32), jnp.float32),
            pltpu.SemaphoreType.DMA,
            pltpu.SemaphoreType.DMA,
        ],
    )
    def k(mh_hbm, mx_hbm, dst_hbm, zh_hbm, zx_hbm, hp_hbm, xp_hbm,
          idx, mh, mx, acch, accx, sem0, sem1):
        c = lax.axis_index("c")
        s = lax.axis_index("s")
        wid = s * NC + c
        base0 = wid * EW
        pltpu.sync_copy(zh_hbm, acch.at[pl.ds(s * RPS, RPS)])
        pltpu.sync_copy(zx_hbm, accx.at[pl.ds(s * RPS, RPS)])
        plsc.subcore_barrier()
        sems = (sem0, sem1)

        def issue(kk, b):
            base = base0 + kk * G
            pltpu.async_copy(dst_hbm.at[pl.ds(base, G)], idx.at[b], sems[b])
            pltpu.async_copy(mh_hbm.at[pl.ds(base, G)], mh.at[b], sems[b])
            pltpu.async_copy(mx_hbm.at[pl.ds(base, G)], mx.at[b], sems[b])

        def consume(kk, b):
            pltpu.make_async_copy(dst_hbm.at[pl.ds(0, G)], idx.at[b],
                                  sems[b]).wait()
            pltpu.make_async_copy(mh_hbm.at[pl.ds(0, G)], mh.at[b],
                                  sems[b]).wait()
            pltpu.make_async_copy(mx_hbm.at[pl.ds(0, G)], mx.at[b],
                                  sems[b]).wait()
            pltpu.sync_copy(mh.at[b], acch.at[idx.at[b]], add=True)
            pltpu.sync_copy(mx.at[b], accx.at[idx.at[b]], add=True)

        issue(0, 0)

        def pair(i, carry):
            k0 = 2 * i
            issue(k0 + 1, 1)
            consume(k0, 0)
            issue(k0 + 2, 0)
            consume(k0 + 1, 1)
            return carry

        lax.fori_loop(0, (CH - 1) // 2, pair, 0)
        consume(CH - 1, 0)
        plsc.subcore_barrier()
        pltpu.sync_copy(acch.at[pl.ds(s * RPS, RPS)],
                        hp_hbm.at[pl.ds(c * N + s * RPS, RPS)])
        pltpu.sync_copy(accx.at[pl.ds(s * RPS, RPS)],
                        xp_hbm.at[pl.ds(c * N + s * RPS, RPS)])

    return k


def _node_body(nf_ref, cp_ref, h0_ref, h1_ref, x0_ref, x1_ref,
               nw1a_ref, nw1b_ref, nb1_ref, nw2_ref, nb2_ref, h_ref, x_ref):
    hn = h0_ref[...] + h1_ref[...]
    u = _silu(jnp.dot(nf_ref[...], nw1a_ref[...], preferred_element_type=jnp.float32)
              + jnp.dot(hn, nw1b_ref[...], preferred_element_type=jnp.float32)
              + nb1_ref[...])
    h_ref[...] = (jnp.dot(u, nw2_ref[...], preferred_element_type=jnp.float32)
                  + nb2_ref[...])
    xs = x0_ref[...] + x1_ref[...]
    deg = jnp.maximum(xs[:, 1:2], 1.0)
    x_ref[...] = cp_ref[...] + xs / deg


def kernel(node_feat, coord_feat, edge_index, ew1, eb1, ew2, eb2,
           nw1, nb1, nw2, nb2, cw1, cb1, cw2):
    f32 = jnp.float32
    N, D = node_feat.shape
    E = edge_index.shape[1]
    H = ew2.shape[0]
    OUT = nw2.shape[1]
    W = D + 32

    src = edge_index[0].astype(jnp.int32)
    dst = edge_index[1].astype(jnp.int32)
    cpi = jnp.zeros((N, 32), jnp.bfloat16).at[:, 0:5:2].set(
        coord_feat.astype(jnp.bfloat16))
    cp32 = jnp.zeros((N, 32), f32).at[:, 0:5:2].set(coord_feat)
    w_ab = jnp.concatenate([ew1[:D], ew1[D:2 * D]], axis=1)
    w1c = ew1[2 * D].reshape(1, H)

    BN = 1000
    a_ext, b_ext = pl.pallas_call(
        _prep_body,
        grid=(N // BN,),
        in_specs=[
            pl.BlockSpec((BN, D), lambda i: (i, 0)),
            pl.BlockSpec((D, 2 * D), lambda i: (0, 0)),
            pl.BlockSpec((1, H), lambda i: (0, 0)),
        ],
        out_specs=[pl.BlockSpec((BN, D), lambda i: (i, 0))] * 2,
        out_shape=[jax.ShapeDtypeStruct((N, D), jnp.bfloat16)] * 2,
    )(node_feat, w_ab, eb1.reshape(1, H))

    a_pack = jnp.concatenate([a_ext, cpi], axis=1)
    b_pack = jnp.concatenate([b_ext, cpi], axis=1)
    pa_rows, pb_rows, _, _ = _make_gather(E, N, D, W)(a_pack, b_pack, src, dst)

    BE = 512
    msg_h, msg_x = pl.pallas_call(
        _edge_body,
        grid=(E // BE,),
        in_specs=[
            pl.BlockSpec((BE, W), lambda i: (i, 0)),
            pl.BlockSpec((BE, W), lambda i: (i, 0)),
            pl.BlockSpec((1, H), lambda i: (0, 0)),
            pl.BlockSpec((H, H), lambda i: (0, 0)),
            pl.BlockSpec((1, H), lambda i: (0, 0)),
            pl.BlockSpec((H, H), lambda i: (0, 0)),
            pl.BlockSpec((1, H), lambda i: (0, 0)),
            pl.BlockSpec((1, H), lambda i: (0, 0)),
        ],
        out_specs=[pl.BlockSpec((BE, H), lambda i: (i, 0)),
                   pl.BlockSpec((BE, 32), lambda i: (i, 0))],
        out_shape=[jax.ShapeDtypeStruct((E, H), f32),
                   jax.ShapeDtypeStruct((E, 32), f32)],
    )(pa_rows, pb_rows, w1c, ew2.astype(jnp.bfloat16), eb2.reshape(1, H),
      cw1.astype(jnp.bfloat16), cb1.reshape(1, H), cw2.reshape(1, H))

    zh = jnp.zeros((N // NS, H), f32)
    zx = jnp.zeros((N // NS, 32), f32)
    hpart, xpart = _make_scatter(E, N, H)(msg_h, msg_x, dst, zh, zx)

    h_out, x4 = pl.pallas_call(
        _node_body,
        grid=(N // BN,),
        in_specs=[
            pl.BlockSpec((BN, D), lambda i: (i, 0)),
            pl.BlockSpec((BN, 32), lambda i: (i, 0)),
            pl.BlockSpec((BN, H), lambda i: (i, 0)),
            pl.BlockSpec((BN, H), lambda i: (i, 0)),
            pl.BlockSpec((BN, 32), lambda i: (i, 0)),
            pl.BlockSpec((BN, 32), lambda i: (i, 0)),
            pl.BlockSpec((D, H), lambda i: (0, 0)),
            pl.BlockSpec((H, H), lambda i: (0, 0)),
            pl.BlockSpec((1, H), lambda i: (0, 0)),
            pl.BlockSpec((H, OUT), lambda i: (0, 0)),
            pl.BlockSpec((1, OUT), lambda i: (0, 0)),
        ],
        out_specs=[pl.BlockSpec((BN, OUT), lambda i: (i, 0)),
                   pl.BlockSpec((BN, 32), lambda i: (i, 0))],
        out_shape=[jax.ShapeDtypeStruct((N, OUT), f32),
                   jax.ShapeDtypeStruct((N, 32), f32)],
    )(node_feat, cp32, hpart[:N], hpart[N:], xpart[:N], xpart[N:],
      nw1[:D], nw1[D:], nb1.reshape(1, H), nw2, nb2.reshape(1, OUT))

    return (h_out, x4[:, 0:5:2])

# --- scband reference (transcript-rebuilt; emitter-appended) ---
"""Pipeline reference for scband-egnnconv-42511586296497 (READ-ONLY COPY).

The authoritative reference and input builder live on the scoring server;
editing this copy changes nothing except your own understanding.
"""

import jax, jax.numpy as jnp
import numpy as np

N = 10000
E = 320000
D = 128   # in_size
H = 128   # hidden_size
OUT = 128 # out_size


def silu(x):
    return x * jax.nn.sigmoid(x)


def setup_inputs(seed: int = 0) -> dict:
    key = jax.random.key(seed)
    ks = jax.random.split(key, 16)

    def lin_w(k, fin, fout):
        return jax.random.normal(k, (fin, fout), dtype=jnp.float32) / np.sqrt(fin)

    node_feat = jax.random.normal(ks[0], (N, D), dtype=jnp.float32)
    coord_feat = jax.random.normal(ks[1], (N, 3), dtype=jnp.float32)
    edge_index = jax.random.randint(ks[2], (2, E), 0, N)

    return {
        "node_feat": node_feat,
        "coord_feat": coord_feat,
        "edge_index": edge_index,
        # edge_mlp: Linear(2*D+1 -> H), SiLU, Dropout(0), Linear(H -> H), SiLU
        "ew1": lin_w(ks[3], 2 * D + 1, H),
        "eb1": jnp.zeros((H,), dtype=jnp.float32),
        "ew2": lin_w(ks[4], H, H),
        "eb2": jnp.zeros((H,), dtype=jnp.float32),
        # node_mlp: Linear(D+H -> H), SiLU, Dropout(0), Linear(H -> OUT)
        "nw1": lin_w(ks[5], D + H, H),
        "nb1": jnp.zeros((H,), dtype=jnp.float32),
        "nw2": lin_w(ks[6], H, OUT),
        "nb2": jnp.zeros((OUT,), dtype=jnp.float32),
        # coord_mlp: Linear(H -> H), SiLU, Linear(H -> 1, bias=False)
        "cw1": lin_w(ks[7], H, H),
        "cb1": jnp.zeros((H,), dtype=jnp.float32),
        "cw2": lin_w(ks[8], H, 1),
    }


def reference(node_feat, coord_feat, edge_index,
              ew1, eb1, ew2, eb2,
              nw1, nb1, nw2, nb2,
              cw1, cb1, cw2):
    src = edge_index[0]
    dst = edge_index[1]

    # u_sub_v: x_diff = x_src - x_dst
    x_diff = coord_feat[src] - coord_feat[dst]
    dist = jnp.sqrt(jnp.sum(jnp.square(x_diff), axis=1, keepdims=True))
    x_diff = x_diff / (dist + 1e-07)

    # message: f = [h_src, h_dst, dist]
    f = jnp.concatenate([node_feat[src], node_feat[dst], dist], axis=-1)
    msg_h = silu(silu(f @ ew1 + eb1) @ ew2 + eb2)
    phi_x = silu(msg_h @ cw1 + cb1) @ cw2  # (E, 1)
    msg_x = phi_x * x_diff                 # (E, 3)

    # aggregate onto dst nodes: mean for msg_x, sum for msg_h
    x_sum = jax.ops.segment_sum(msg_x, dst, num_segments=N)
    counts = jax.ops.segment_sum(jnp.ones((E,), dtype=jnp.float32), dst, num_segments=N)
    deg = jnp.maximum(counts, 1.0)[:, None]
    x_neigh = x_sum / deg
    h_neigh = jax.ops.segment_sum(msg_h, dst, num_segments=N)

    h = silu(jnp.concatenate([node_feat, h_neigh], axis=-1) @ nw1 + nb1) @ nw2 + nb2
    return (h, coord_feat + x_neigh)

if __name__ == "__main__":
    import jax
    _d = setup_inputs()
    print(jax.jit(kernel)(*tuple(_d.values())))

</pallas_src>

<mosaic_0001>
#map = affine_map<(d0, d1) -> (0, 0)>
#map1 = affine_map<(d0, d1) -> (0)>
module attributes {stable_mosaic.version = 14 : i64} {
  func.func @k(%arg0: i32, %arg1: i32, %arg2: memref<10000x160xbf16, #tpu.memory_space<hbm>>, %arg3: memref<10000x160xbf16, #tpu.memory_space<hbm>>, %arg4: memref<320000xi32, #tpu.memory_space<hbm>>, %arg5: memref<320000xi32, #tpu.memory_space<hbm>>, %arg6: memref<320000x160xbf16, #tpu.memory_space<hbm>>, %arg7: memref<320000x160xbf16, #tpu.memory_space<hbm>>, %arg8: memref<5120x160xbf16, #tpu.memory_space<hbm>>, %arg9: memref<5120x160xbf16, #tpu.memory_space<hbm>>, %arg10: memref<2x80xi32, #tpu.memory_space<vmem>>, %arg11: memref<2x80xi32, #tpu.memory_space<vmem>>, %arg12: memref<2x80x160xbf16, #tpu.memory_space<vmem>>, %arg13: memref<2x80x160xbf16, #tpu.memory_space<vmem>>, %arg14: memref<10000x160xbf16, #tpu.memory_space<vmem_shared>>, %arg15: memref<10000x160xbf16, #tpu.memory_space<vmem_shared>>, %arg16: memref<!tpu.dma_semaphore, #tpu.memory_space<semaphore_mem>>, %arg17: memref<!tpu.dma_semaphore, #tpu.memory_space<semaphore_mem>>, %arg18: memref<!tpu.dma_semaphore, #tpu.memory_space<semaphore_mem>>, %arg19: memref<!tpu.dma_semaphore, #tpu.memory_space<semaphore_mem>>, %arg20: memref<!tpu.dma_semaphore, #tpu.memory_space<semaphore_mem>>) attributes {dimension_semantics = [#tpu.dimension_semantics<core_parallel>, #tpu.dimension_semantics<subcore_parallel>], iteration_bounds = array<i64: 2, 16>, scalar_prefetch = 0 : i64, scratch_operands = 11 : i64, tpu.core_type = #tpu.core_type<sc_vector_subcore>, window_params = [{transform_indices = #map}, {transform_indices = #map}, {transform_indices = #map1}, {transform_indices = #map1}, {transform_indices = #map}, {transform_indices = #map}, {transform_indices = #map}, {transform_indices = #map}]} {
    %mul3A = arith.constant 2 : i32
    %mul3A_0 = arith.muli %arg1, %mul3A : i32
    %add3A = arith.addi %mul3A_0, %arg0 : i32
    %mul3A_1 = arith.constant 10000 : i32
    %mul3A_2 = arith.muli %add3A, %mul3A_1 : i32
    %mul3A_3 = arith.constant 625 : i32
    %mul3A_4 = arith.muli %arg1, %mul3A_3 : i32
    %mul3A_5 = arith.constant 625 : i32
    %mul3A_6 = arith.muli %arg1, %mul3A_5 : i32
    "tpu.region"() ({
      %run_scoped3A = tpu.sem_alloc : memref<!tpu.dma_semaphore, #tpu.memory_space<semaphore_mem>>
      %dma_start3A_304 = arith.constant 0 : i32
      %dma_start3A_305 = tpu.memref_slice %arg14[%mul3A_6, %dma_start3A_304] : memref<10000x160xbf16, #tpu.memory_space<vmem_shared>> -> memref<625x160xbf16, #tpu.memory_space<vmem_shared>>
      %dma_start3A_306 = arith.constant 0 : i32
      %dma_start3A_307 = tpu.memref_slice %arg2[%mul3A_4, %dma_start3A_306] : memref<10000x160xbf16, #tpu.memory_space<hbm>> -> memref<625x160xbf16, #tpu.memory_space<hbm>>
      tpu.enqueue_dma source(%dma_start3A_307 : memref<625x160xbf16, #tpu.memory_space<hbm>>) target(%dma_start3A_305 : memref<625x160xbf16, #tpu.memory_space<vmem_shared>>) target_semaphore(%run_scoped3A : memref<!tpu.dma_semaphore, #tpu.memory_space<semaphore_mem>>)
      %dma_wait3A_308 = arith.constant 0 : i32
      %dma_wait3A_309 = tpu.memref_slice %arg14[%mul3A_6, %dma_wait3A_308] : memref<10000x160xbf16, #tpu.memory_space<vmem_shared>> -> memref<625x160xbf16, #tpu.memory_space<vmem_shared>>
      %dma_wait3A_310 = arith.constant 0 : i32
      %dma_wait3A_311 = tpu.memref_slice %arg2[%mul3A_4, %dma_wait3A_310] : memref<10000x160xbf16, #tpu.memory_space<hbm>> -> memref<625x160xbf16, #tpu.memory_space<hbm>>
      tpu.wait_dma2 semaphore(%run_scoped3A : memref<!tpu.dma_semaphore, #tpu.memory_space<semaphore_mem>>) src(%dma_wait3A_311 : memref<625x160xbf16, #tpu.memory_space<hbm>>) dst(%dma_wait3A_309 : memref<625x160xbf16, #tpu.memory_space<vmem_shared>>)
      tpu.yield
    }) : () -> ()
    %mul3A_7 = arith.constant 625 : i32
    %mul3A_8 = arith.muli %arg1, %mul3A_7 : i32
    %mul3A_9 = arith.constant 625 : i32
    %mul3A_10 = arith.muli %arg1, %mul3A_9 : i32
    "tpu.region"() ({
      %run_scoped3A = tpu.sem_alloc : memref<!tpu.dma_semaphore, #tpu.memory_space<semaphore_mem>>
      %dma_start3A_304 = arith.constant 0 : i32
      %dma_start3A_305 = tpu.memref_slice %arg15[%mul3A_10, %dma_start3A_304] : memref<10000x160xbf16, #tpu.memory_space<vmem_shared>> -> memref<625x160xbf16, #tpu.memory_space<vmem_shared>>
      %dma_start3A_306 = arith.constant 0 : i32
      %dma_start3A_307 = tpu.memref_slice %arg3[%mul3A_8, %dma_start3A_306] : memref<10000x160xbf16, #tpu.memory_space<hbm>> -> memref<625x160xbf16, #tpu.memory_space<hbm>>
      tpu.enqueue_dma source(%dma_start3A_307 : memref<625x160xbf16, #tpu.memory_space<hbm>>) target(%dma_start3A_305 : memref<625x160xbf16, #tpu.memory_space<vmem_shared>>) target_semaphore(%run_scoped3A : memref<!tpu.dma_semaphore, #tpu.memory_space<semaphore_mem>>)
      %dma_wait3A_308 = arith.constant 0 : i32
      %dma_wait3A_309 = tpu.memref_slice %arg15[%mul3A_10, %dma_wait3A_308] : memref<10000x160xbf16, #tpu.memory_space<vmem_shared>> -> memref<625x160xbf16, #tpu.memory_space<vmem_shared>>
      %dma_wait3A_310 = arith.constant 0 : i32
      %dma_wait3A_311 = tpu.memref_slice %arg3[%mul3A_8, %dma_wait3A_310] : memref<10000x160xbf16, #tpu.memory_space<hbm>> -> memref<625x160xbf16, #tpu.memory_space<hbm>>
      tpu.wait_dma2 semaphore(%run_scoped3A : memref<!tpu.dma_semaphore, #tpu.memory_space<semaphore_mem>>) src(%dma_wait3A_311 : memref<625x160xbf16, #tpu.memory_space<hbm>>) dst(%dma_wait3A_309 : memref<625x160xbf16, #tpu.memory_space<vmem_shared>>)
      tpu.yield
    }) : () -> ()
    %barrier3A = arith.constant 0 : index
    tpu.barrier barrier_id(%barrier3A)
    %mul3A_11 = arith.constant 2 : i32
    %mul3A_12 = arith.muli %mul3A_11, %add3A : i32
    %add3A_13 = arith.constant 0 : i32
    %add3A_14 = arith.addi %mul3A_12, %add3A_13 : i32
    %mul3A_15 = arith.constant 80 : i32
    %mul3A_16 = arith.muli %add3A_14, %mul3A_15 : i32
    %dma_start3A = arith.constant 0 : i32
    %dma_start3A_17 = arith.constant 0 : i32
    %dma_start3A_18 = arith.constant 0 : i32
    %dma_start3A_19 = tpu.memref_slice %arg12[%dma_start3A, %dma_start3A_17, %dma_start3A_18] : memref<2x80x160xbf16, #tpu.memory_space<vmem>> -> memref<1x80x160xbf16, #tpu.memory_space<vmem>>
    %dma_start3A_20 = tpu.memref_squeeze %dma_start3A_19 : memref<1x80x160xbf16, #tpu.memory_space<vmem>> -> memref<80x160xbf16, #tpu.memory_space<vmem>>
    %dma_start3A_21 = arith.constant 0 : i32
    %dma_start3A_22 = tpu.memref_slice %arg8[%mul3A_16, %dma_start3A_21] : memref<5120x160xbf16, #tpu.memory_space<hbm>> -> memref<80x160xbf16, #tpu.memory_space<hbm>>
    %dma_start3A_23 = arith.constant 0 : i32
    %dma_start3A_24 = tpu.memref_slice %arg8[%mul3A_16, %dma_start3A_23] : memref<5120x160xbf16, #tpu.memory_space<hbm>> -> memref<80x160xbf16, #tpu.memory_space<hbm>>
    %dma_start3A_25 = arith.constant 0 : i32
    %dma_start3A_26 = arith.constant 0 : i32
    %dma_start3A_27 = tpu.memref_slice %arg12[%dma_start3A, %dma_start3A_25, %dma_start3A_26] : memref<2x80x160xbf16, #tpu.memory_space<vmem>> -> memref<1x80x160xbf16, #tpu.memory_space<vmem>>
    %dma_start3A_28 = tpu.memref_squeeze %dma_start3A_27 : memref<1x80x160xbf16, #tpu.memory_space<vmem>> -> memref<80x160xbf16, #tpu.memory_space<vmem>>
    tpu.enqueue_dma source(%dma_start3A_28 : memref<80x160xbf16, #tpu.memory_space<vmem>>) target(%dma_start3A_24 : memref<80x160xbf16, #tpu.memory_space<hbm>>) target_semaphore(%arg19 : memref<!tpu.dma_semaphore, #tpu.memory_space<semaphore_mem>>)
    %mul3A_29 = arith.constant 2 : i32
    %mul3A_30 = arith.muli %mul3A_29, %add3A : i32
    %add3A_31 = arith.constant 0 : i32
    %add3A_32 = arith.addi %mul3A_30, %add3A_31 : i32
    %mul3A_33 = arith.constant 80 : i32
    %mul3A_34 = arith.muli %add3A_32, %mul3A_33 : i32
    %dma_start3A_35 = arith.constant 0 : i32
    %dma_start3A_36 = arith.constant 0 : i32
    %dma_start3A_37 = arith.constant 0 : i32
    %dma_start3A_38 = tpu.memref_slice %arg13[%dma_start3A_35, %dma_start3A_36, %dma_start3A_37] : memref<2x80x160xbf16, #tpu.memory_space<vmem>> -> memref<1x80x160xbf16, #tpu.memory_space<vmem>>
    %dma_start3A_39 = tpu.memref_squeeze %dma_start3A_38 : memref<1x80x160xbf16, #tpu.memory_space<vmem>> -> memref<80x160xbf16, #tpu.memory_space<vmem>>
    %dma_start3A_40 = arith.constant 0 : i32
    %dma_start3A_41 = tpu.memref_slice %arg9[%mul3A_34, %dma_start3A_40] : memref<5120x160xbf16, #tpu.memory_space<hbm>> -> memref<80x160xbf16, #tpu.memory_space<hbm>>
    %dma_start3A_42 = arith.constant 0 : i32
    %dma_start3A_43 = tpu.memref_slice %arg9[%mul3A_34, %dma_start3A_42] : memref<5120x160xbf16, #tpu.memory_space<hbm>> -> memref<80x160xbf16, #tpu.memory_space<hbm>>
    %dma_start3A_44 = arith.constant 0 : i32
    %dma_start3A_45 = arith.constant 0 : i32
    %dma_start3A_46 = tpu.memref_slice %arg13[%dma_start3A_35, %dma_start3A_44, %dma_start3A_45] : memref<2x80x160xbf16, #tpu.memory_space<vmem>> -> memref<1x80x160xbf16, #tpu.memory_space<vmem>>
    %dma_start3A_47 = tpu.memref_squeeze %dma_start3A_46 : memref<1x80x160xbf16, #tpu.memory_space<vmem>> -> memref<80x160xbf16, #tpu.memory_space<vmem>>
    tpu.enqueue_dma source(%dma_start3A_47 : memref<80x160xbf16, #tpu.memory_space<vmem>>) target(%dma_start3A_43 : memref<80x160xbf16, #tpu.memory_space<hbm>>) target_semaphore(%arg19 : memref<!tpu.dma_semaphore, #tpu.memory_space<semaphore_mem>>)
    %mul3A_48 = arith.constant 2 : i32
    %mul3A_49 = arith.muli %mul3A_48, %add3A : i32
    %add3A_50 = arith.constant 1 : i32
    %add3A_51 = arith.addi %mul3A_49, %add3A_50 : i32
    %mul3A_52 = arith.constant 80 : i32
    %mul3A_53 = arith.muli %add3A_51, %mul3A_52 : i32
    %dma_start3A_54 = arith.constant 1 : i32
    %dma_start3A_55 = arith.constant 0 : i32
    %dma_start3A_56 = arith.constant 0 : i32
    %dma_start3A_57 = tpu.memref_slice %arg12[%dma_start3A_54, %dma_start3A_55, %dma_start3A_56] : memref<2x80x160xbf16, #tpu.memory_space<vmem>> -> memref<1x80x160xbf16, #tpu.memory_space<vmem>>
    %dma_start3A_58 = tpu.memref_squeeze %dma_start3A_57 : memref<1x80x160xbf16, #tpu.memory_space<vmem>> -> memref<80x160xbf16, #tpu.memory_space<vmem>>
    %dma_start3A_59 = arith.constant 0 : i32
    %dma_start3A_60 = tpu.memref_slice %arg8[%mul3A_53, %dma_start3A_59] : memref<5120x160xbf16, #tpu.memory_space<hbm>> -> memref<80x160xbf16, #tpu.memory_space<hbm>>
    %dma_start3A_61 = arith.constant 0 : i32
    %dma_start3A_62 = tpu.memref_slice %arg8[%mul3A_53, %dma_start3A_61] : memref<5120x160xbf16, #tpu.memory_space<hbm>> -> memref<80x160xbf16, #tpu.memory_space<hbm>>
    %dma_start3A_63 = arith.constant 0 : i32
    %dma_start3A_64 = arith.constant 0 : i32
    %dma_start3A_65 = tpu.memref_slice %arg12[%dma_start3A_54, %dma_start3A_63, %dma_start3A_64] : memref<2x80x160xbf16, #tpu.memory_space<vmem>> -> memref<1x80x160xbf16, #tpu.memory_space<vmem>>
    %dma_start3A_66 = tpu.memref_squeeze %dma_start3A_65 : memref<1x80x160xbf16, #tpu.memory_space<vmem>> -> memref<80x160xbf16, #tpu.memory_space<vmem>>
    tpu.enqueue_dma source(%dma_start3A_66 : memref<80x160xbf16, #tpu.memory_space<vmem>>) target(%dma_start3A_62 : memref<80x160xbf16, #tpu.memory_space<hbm>>) target_semaphore(%arg20 : memref<!tpu.dma_semaphore, #tpu.memory_space<semaphore_mem>>)
    %mul3A_67 = arith.constant 2 : i32
    %mul3A_68 = arith.muli %mul3A_67, %add3A : i32
    %add3A_69 = arith.constant 1 : i32
    %add3A_70 = arith.addi %mul3A_68, %add3A_69 : i32
    %mul3A_71 = arith.constant 80 : i32
    %mul3A_72 = arith.muli %add3A_70, %mul3A_71 : i32
    %dma_start3A_73 = arith.constant 1 : i32
    %dma_start3A_74 = arith.constant 0 : i32
    %dma_start3A_75 = arith.constant 0 : i32
    %dma_start3A_76 = tpu.memref_slice %arg13[%dma_start3A_73, %dma_start3A_74, %dma_start3A_75] : memref<2x80x160xbf16, #tpu.memory_space<vmem>> -> memref<1x80x160xbf16, #tpu.memory_space<vmem>>
    %dma_start3A_77 = tpu.memref_squeeze %dma_start3A_76 : memref<1x80x160xbf16, #tpu.memory_space<vmem>> -> memref<80x160xbf16, #tpu.memory_space<vmem>>
    %dma_start3A_78 = arith.constant 0 : i32
    %dma_start3A_79 = tpu.memref_slice %arg9[%mul3A_72, %dma_start3A_78] : memref<5120x160xbf16, #tpu.memory_space<hbm>> -> memref<80x160xbf16, #tpu.memory_space<hbm>>
    %dma_start3A_80 = arith.constant 0 : i32
    %dma_start3A_81 = tpu.memref_slice %arg9[%mul3A_72, %dma_start3A_80] : memref<5120x160xbf16, #tpu.memory_space<hbm>> -> memref<80x160xbf16, #tpu.memory_space<hbm>>
    %dma_start3A_82 = arith.constant 0 : i32
    %dma_start3A_83 = arith.constant 0 : i32
    %dma_start3A_84 = tpu.memref_slice %arg13[%dma_start3A_73, %dma_start3A_82, %dma_start3A_83] : memref<2x80x160xbf16, #tpu.memory_space<vmem>> -> memref<1x80x160xbf16, #tpu.memory_space<vmem>>
    %dma_start3A_85 = tpu.memref_squeeze %dma_start3A_84 : memref<1x80x160xbf16, #tpu.memory_space<vmem>> -> memref<80x160xbf16, #tpu.memory_space<vmem>>
    tpu.enqueue_dma source(%dma_start3A_85 : memref<80x160xbf16, #tpu.memory_space<vmem>>) target(%dma_start3A_81 : memref<80x160xbf16, #tpu.memory_space<hbm>>) target_semaphore(%arg20 : memref<!tpu.dma_semaphore, #tpu.memory_space<semaphore_mem>>)
    %add3A_86 = arith.constant 0 : i32
    %add3A_87 = arith.addi %mul3A_2, %add3A_86 : i32
    %dma_start3A_88 = arith.constant 0 : i32
    %dma_start3A_89 = arith.constant 0 : i32
    %dma_start3A_90 = tpu.memref_slice %arg10[%dma_start3A_88, %dma_start3A_89] : memref<2x80xi32, #tpu.memory_space<vmem>> -> memref<1x80xi32, #tpu.memory_space<vmem>>
    %dma_start3A_91 = tpu.memref_squeeze %dma_start3A_90 : memref<1x80xi32, #tpu.memory_space<vmem>> -> memref<80xi32, #tpu.memory_space<vmem>>
    %dma_start3A_92 = tpu.memref_slice %arg4[%add3A_87] : memref<320000xi32, #tpu.memory_space<hbm>> -> memref<80xi32, #tpu.memory_space<hbm>>
    %dma_start3A_93 = arith.constant 0 : i32
    %dma_start3A_94 = tpu.memref_slice %arg10[%dma_start3A_88, %dma_start3A_93] : memref<2x80xi32, #tpu.memory_space<vmem>> -> memref<1x80xi32, #tpu.memory_space<vmem>>
    %dma_start3A_95 = tpu.memref_squeeze %dma_start3A_94 : memref<1x80xi32, #tpu.memory_space<vmem>> -> memref<80xi32, #tpu.memory_space<vmem>>
    %dma_start3A_96 = tpu.memref_slice %arg4[%add3A_87] : memref<320000xi32, #tpu.memory_space<hbm>> -> memref<80xi32, #tpu.memory_space<hbm>>
    tpu.enqueue_dma source(%dma_start3A_96 : memref<80xi32, #tpu.memory_space<hbm>>) target(%dma_start3A_95 : memref<80xi32, #tpu.memory_space<vmem>>) target_semaphore(%arg16 : memref<!tpu.dma_semaphore, #tpu.memory_space<semaphore_mem>>)
    %dma_start3A_97 = arith.constant 0 : i32
    %dma_start3A_98 = arith.constant 0 : i32
    %dma_start3A_99 = tpu.memref_slice %arg11[%dma_start3A_97, %dma_start3A_98] : memref<2x80xi32, #tpu.memory_space<vmem>> -> memref<1x80xi32, #tpu.memory_space<vmem>>
    %dma_start3A_100 = tpu.memref_squeeze %dma_start3A_99 : memref<1x80xi32, #tpu.memory_space<vmem>> -> memref<80xi32, #tpu.memory_space<vmem>>
    %dma_start3A_101 = tpu.memref_slice %arg5[%add3A_87] : memref<320000xi32, #tpu.memory_space<hbm>> -> memref<80xi32, #tpu.memory_space<hbm>>
    %dma_start3A_102 = arith.constant 0 : i32
    %dma_start3A_103 = tpu.memref_slice %arg11[%dma_start3A_97, %dma_start3A_102] : memref<2x80xi32, #tpu.memory_space<vmem>> -> memref<1x80xi32, #tpu.memory_space<vmem>>
    %dma_start3A_104 = tpu.memref_squeeze %dma_start3A_103 : memref<1x80xi32, #tpu.memory_space<vmem>> -> memref<80xi32, #tpu.memory_space<vmem>>
    %dma_start3A_105 = tpu.memref_slice %arg5[%add3A_87] : memref<320000xi32, #tpu.memory_space<hbm>> -> memref<80xi32, #tpu.memory_space<hbm>>
    tpu.enqueue_dma source(%dma_start3A_105 : memref<80xi32, #tpu.memory_space<hbm>>) target(%dma_start3A_104 : memref<80xi32, #tpu.memory_space<vmem>>) target_semaphore(%arg16 : memref<!tpu.dma_semaphore, #tpu.memory_space<semaphore_mem>>)
    %scan3A = arith.constant 0 : i32
    %scan3A_106 = arith.constant 0 : i32
    %scan3A_107 = arith.constant 62 : i32
    %scan3A_108 = arith.addi %scan3A_106, %scan3A_107 : i32
    %scan3A_109 = arith.constant 1 : i32
    scf.for %scan3A_304 = %scan3A_106 to %scan3A_108 step %scan3A_109  : i32 {
      %mul3A_305 = arith.constant 2 : i32
      %mul3A_306 = arith.muli %mul3A_305, %scan3A_304 : i32
      %add3A_307 = arith.constant 1 : i32
      %add3A_308 = arith.addi %mul3A_306, %add3A_307 : i32
      %mul3A_309 = arith.constant 80 : i32
      %mul3A_310 = arith.muli %add3A_308, %mul3A_309 : i32
      %add3A_311 = arith.addi %mul3A_2, %mul3A_310 : i32
      %dma_start3A_312 = arith.constant 1 : i32
      %dma_start3A_313 = arith.constant 0 : i32
      %dma_start3A_314 = tpu.memref_slice %arg10[%dma_start3A_312, %dma_start3A_313] : memref<2x80xi32, #tpu.memory_space<vmem>> -> memref<1x80xi32, #tpu.memory_space<vmem>>
      %dma_start3A_315 = tpu.memref_squeeze %dma_start3A_314 : memref<1x80xi32, #tpu.memory_space<vmem>> -> memref<80xi32, #tpu.memory_space<vmem>>
      %dma_start3A_316 = tpu.memref_slice %arg4[%add3A_311] : memref<320000xi32, #tpu.memory_space<hbm>> -> memref<80xi32, #tpu.memory_space<hbm>>
      %dma_start3A_317 = arith.constant 0 : i32
      %dma_start3A_318 = tpu.memref_slice %arg10[%dma_start3A_312, %dma_start3A_317] : memref<2x80xi32, #tpu.memory_space<vmem>> -> memref<1x80xi32, #tpu.memory_space<vmem>>
      %dma_start3A_319 = tpu.memref_squeeze %dma_start3A_318 : memref<1x80xi32, #tpu.memory_space<vmem>> -> memref<80xi32, #tpu.memory_space<vmem>>
      %dma_start3A_320 = tpu.memref_slice %arg4[%add3A_311] : memref<320000xi32, #tpu.memory_space<hbm>> -> memref<80xi32, #tpu.memory_space<hbm>>
      tpu.enqueue_dma source(%dma_start3A_320 : memref<80xi32, #tpu.memory_space<hbm>>) target(%dma_start3A_319 : memref<80xi32, #tpu.memory_space<vmem>>) target_semaphore(%arg17 : memref<!tpu.dma_semaphore, #tpu.memory_space<semaphore_mem>>)
      %dma_start3A_321 = arith.constant 1 : i32
      %dma_start3A_322 = arith.constant 0 : i32
      %dma_start3A_323 = tpu.memref_slice %arg11[%dma_start3A_321, %dma_start3A_322] : memref<2x80xi32, #tpu.memory_space<vmem>> -> memref<1x80xi32, #tpu.memory_space<vmem>>
      %dma_start3A_324 = tpu.memref_squeeze %dma_start3A_323 : memref<1x80xi32, #tpu.memory_space<vmem>> -> memref<80xi32, #tpu.memory_space<vmem>>
      %dma_start3A_325 = tpu.memref_slice %arg5[%add3A_311] : memref<320000xi32, #tpu.memory_space<hbm>> -> memref<80xi32, #tpu.memory_space<hbm>>
      %dma_start3A_326 = arith.constant 0 : i32
      %dma_start3A_327 = tpu.memref_slice %arg11[%dma_start3A_321, %dma_start3A_326] : memref<2x80xi32, #tpu.memory_space<vmem>> -> memref<1x80xi32, #tpu.memory_space<vmem>>
      %dma_start3A_328 = tpu.memref_squeeze %dma_start3A_327 : memref<1x80xi32, #tpu.memory_space<vmem>> -> memref<80xi32, #tpu.memory_space<vmem>>
      %dma_start3A_329 = tpu.memref_slice %arg5[%add3A_311] : memref<320000xi32, #tpu.memory_space<hbm>> -> memref<80xi32, #tpu.memory_space<hbm>>
      tpu.enqueue_dma source(%dma_start3A_329 : memref<80xi32, #tpu.memory_space<hbm>>) target(%dma_start3A_328 : memref<80xi32, #tpu.memory_space<vmem>>) target_semaphore(%arg17 : memref<!tpu.dma_semaphore, #tpu.memory_space<semaphore_mem>>)
      %dma_wait3A_330 = arith.constant 0 : i32
      %dma_wait3A_331 = arith.constant 0 : i32
      %dma_wait3A_332 = arith.constant 0 : i32
      %dma_wait3A_333 = tpu.memref_slice %arg12[%dma_wait3A_330, %dma_wait3A_331, %dma_wait3A_332] : memref<2x80x160xbf16, #tpu.memory_space<vmem>> -> memref<1x80x160xbf16, #tpu.memory_space<vmem>>
      %dma_wait3A_334 = tpu.memref_squeeze %dma_wait3A_333 : memref<1x80x160xbf16, #tpu.memory_space<vmem>> -> memref<80x160xbf16, #tpu.memory_space<vmem>>
      %dma_wait3A_335 = arith.constant 0 : i32
      %dma_wait3A_336 = arith.constant 0 : i32
      %dma_wait3A_337 = tpu.memref_slice %arg6[%dma_wait3A_335, %dma_wait3A_336] : memref<320000x160xbf16, #tpu.memory_space<hbm>> -> memref<80x160xbf16, #tpu.memory_space<hbm>>
      %dma_wait3A_338 = arith.constant 0 : i32
      %dma_wait3A_339 = arith.constant 0 : i32
      %dma_wait3A_340 = tpu.memref_slice %arg6[%dma_wait3A_338, %dma_wait3A_339] : memref<320000x160xbf16, #tpu.memory_space<hbm>> -> memref<80x160xbf16, #tpu.memory_space<hbm>>
      %dma_wait3A_341 = arith.constant 0 : i32
      %dma_wait3A_342 = arith.constant 0 : i32
      %dma_wait3A_343 = tpu.memref_slice %arg12[%dma_wait3A_330, %dma_wait3A_341, %dma_wait3A_342] : memref<2x80x160xbf16, #tpu.memory_space<vmem>> -> memref<1x80x160xbf16, #tpu.memory_space<vmem>>
      %dma_wait3A_344 = tpu.memref_squeeze %dma_wait3A_343 : memref<1x80x160xbf16, #tpu.memory_space<vmem>> -> memref<80x160xbf16, #tpu.memory_space<vmem>>
      tpu.wait_dma2 semaphore(%arg19 : memref<!tpu.dma_semaphore, #tpu.memory_space<semaphore_mem>>) src(%dma_wait3A_344 : memref<80x160xbf16, #tpu.memory_space<vmem>>) dst(%dma_wait3A_340 : memref<80x160xbf16, #tpu.memory_space<hbm>>)
      %dma_wait3A_345 = arith.constant 0 : i32
      %dma_wait3A_346 = arith.constant 0 : i32
      %dma_wait3A_347 = arith.constant 0 : i32
      %dma_wait3A_348 = tpu.memref_slice %arg13[%dma_wait3A_345, %dma_wait3A_346, %dma_wait3A_347] : memref<2x80x160xbf16, #tpu.memory_space<vmem>> -> memref<1x80x160xbf16, #tpu.memory_space<vmem>>
      %dma_wait3A_349 = tpu.memref_squeeze %dma_wait3A_348 : memref<1x80x160xbf16, #tpu.memory_space<vmem>> -> memref<80x160xbf16, #tpu.memory_space<vmem>>
      %dma_wait3A_350 = arith.constant 0 : i32
      %dma_wait3A_351 = arith.constant 0 : i32
      %dma_wait3A_352 = tpu.memref_slice %arg7[%dma_wait3A_350, %dma_wait3A_351] : memref<320000x160xbf16, #tpu.memory_space<hbm>> -> memref<80x160xbf16, #tpu.memory_space<hbm>>
      %dma_wait3A_353 = arith.constant 0 : i32
      %dma_wait3A_354 = arith.constant 0 : i32
      %dma_wait3A_355 = tpu.memref_slice %arg7[%dma_wait3A_353, %dma_wait3A_354] : memref<320000x160xbf16, #tpu.memory_space<hbm>> -> memref<80x160xbf16, #tpu.memory_space<hbm>>
      %dma_wait3A_356 = arith.constant 0 : i32
      %dma_wait3A_357 = arith.constant 0 : i32
      %dma_wait3A_358 = tpu.memref_slice %arg13[%dma_wait3A_345, %dma_wait3A_356, %dma_wait3A_357] : memref<2x80x160xbf16, #tpu.memory_space<vmem>> -> memref<1x80x160xbf16, #tpu.memory_space<vmem>>
      %dma_wait3A_359 = tpu.memref_squeeze %dma_wait3A_358 : memref<1x80x160xbf16, #tpu.memory_space<vmem>> -> memref<80x160xbf16, #tpu.memory_space<vmem>>
      tpu.wait_dma2 semaphore(%arg19 : memref<!tpu.dma_semaphore, #tpu.memory_space<semaphore_mem>>) src(%dma_wait3A_359 : memref<80x160xbf16, #tpu.memory_space<vmem>>) dst(%dma_wait3A_355 : memref<80x160xbf16, #tpu.memory_space<hbm>>)
      %dma_wait3A_360 = arith.constant 0 : i32
      %dma_wait3A_361 = arith.constant 0 : i32
      %dma_wait3A_362 = tpu.memref_slice %arg10[%dma_wait3A_360, %dma_wait3A_361] : memref<2x80xi32, #tpu.memory_space<vmem>> -> memref<1x80xi32, #tpu.memory_space<vmem>>
      %dma_wait3A_363 = tpu.memref_squeeze %dma_wait3A_362 : memref<1x80xi32, #tpu.memory_space<vmem>> -> memref<80xi32, #tpu.memory_space<vmem>>
      %dma_wait3A_364 = arith.constant 0 : i32
      %dma_wait3A_365 = tpu.memref_slice %arg4[%dma_wait3A_364] : memref<320000xi32, #tpu.memory_space<hbm>> -> memref<80xi32, #tpu.memory_space<hbm>>
      %dma_wait3A_366 = arith.constant 0 : i32
      %dma_wait3A_367 = tpu.memref_slice %arg10[%dma_wait3A_360, %dma_wait3A_366] : memref<2x80xi32, #tpu.memory_space<vmem>> -> memref<1x80xi32, #tpu.memory_space<vmem>>
      %dma_wait3A_368 = tpu.memref_squeeze %dma_wait3A_367 : memref<1x80xi32, #tpu.memory_space<vmem>> -> memref<80xi32, #tpu.memory_space<vmem>>
      %dma_wait3A_369 = arith.constant 0 : i32
      %dma_wait3A_370 = tpu.memref_slice %arg4[%dma_wait3A_369] : memref<320000xi32, #tpu.memory_space<hbm>> -> memref<80xi32, #tpu.memory_space<hbm>>
      tpu.wait_dma2 semaphore(%arg16 : memref<!tpu.dma_semaphore, #tpu.memory_space<semaphore_mem>>) src(%dma_wait3A_370 : memref<80xi32, #tpu.memory_space<hbm>>) dst(%dma_wait3A_368 : memref<80xi32, #tpu.memory_space<vmem>>)
      %dma_wait3A_371 = arith.constant 0 : i32
      %dma_wait3A_372 = arith.constant 0 : i32
      %dma_wait3A_373 = tpu.memref_slice %arg11[%dma_wait3A_371, %dma_wait3A_372] : memref<2x80xi32, #tpu.memory_space<vmem>> -> memref<1x80xi32, #tpu.memory_space<vmem>>
      %dma_wait3A_374 = tpu.memref_squeeze %dma_wait3A_373 : memref<1x80xi32, #tpu.memory_space<vmem>> -> memref<80xi32, #tpu.memory_space<vmem>>
      %dma_wait3A_375 = arith.constant 0 : i32
      %dma_wait3A_376 = tpu.memref_slice %arg4[%dma_wait3A_375] : memref<320000xi32, #tpu.memory_space<hbm>> -> memref<80xi32, #tpu.memory_space<hbm>>
      %dma_wait3A_377 = arith.constant 0 : i32
      %dma_wait3A_378 = tpu.memref_slice %arg11[%dma_wait3A_371, %dma_wait3A_377] : memref<2x80xi32, #tpu.memory_space<vmem>> -> memref<1x80xi32, #tpu.memory_space<vmem>>
      %dma_wait3A_379 = tpu.memref_squeeze %dma_wait3A_378 : memref<1x80xi32, #tpu.memory_space<vmem>> -> memref<80xi32, #tpu.memory_space<vmem>>
      %dma_wait3A_380 = arith.constant 0 : i32
      %dma_wait3A_381 = tpu.memref_slice %arg4[%dma_wait3A_380] : memref<320000xi32, #tpu.memory_space<hbm>> -> memref<80xi32, #tpu.memory_space<hbm>>
      tpu.wait_dma2 semaphore(%arg16 : memref<!tpu.dma_semaphore, #tpu.memory_space<semaphore_mem>>) src(%dma_wait3A_381 : memref<80xi32, #tpu.memory_space<hbm>>) dst(%dma_wait3A_379 : memref<80xi32, #tpu.memory_space<vmem>>)
      %dma_start3A_382 = arith.constant 0 : i32
      %dma_start3A_383 = arith.constant 0 : i32
      %dma_start3A_384 = arith.constant 0 : i32
      %dma_start3A_385 = arith.constant 0 : i32
      %dma_start3A_386 = tpu.memref_slice %arg12[%dma_start3A_383, %dma_start3A_384, %dma_start3A_385] : memref<2x80x160xbf16, #tpu.memory_space<vmem>> -> memref<1x80x160xbf16, #tpu.memory_space<vmem>>
      %dma_start3A_387 = tpu.memref_squeeze %dma_start3A_386 : memref<1x80x160xbf16, #tpu.memory_space<vmem>> -> memref<80x160xbf16, #tpu.memory_space<vmem>>
      %dma_start3A_388 = arith.constant 0 : i32
      %dma_start3A_389 = tpu.memref_slice %arg10[%dma_start3A_382, %dma_start3A_388] : memref<2x80xi32, #tpu.memory_space<vmem>> -> memref<1x80xi32, #tpu.memory_space<vmem>>
      %dma_start3A_390 = tpu.memref_squeeze %dma_start3A_389 : memref<1x80xi32, #tpu.memory_space<vmem>> -> memref<80xi32, #tpu.memory_space<vmem>>
      %dma_start3A_391 = arith.constant 0 : i32
      %dma_start3A_392 = arith.constant 0 : i32
      %dma_start3A_393 = tpu.memref_slice %arg14[%dma_start3A_391, %dma_start3A_392] : memref<10000x160xbf16, #tpu.memory_space<vmem_shared>> -> memref<10000x160xbf16, #tpu.memory_space<vmem_shared>>
      tpu.enqueue_indirect_dma source(%dma_start3A_393 : memref<10000x160xbf16, #tpu.memory_space<vmem_shared>>) target(%dma_start3A_387 : memref<80x160xbf16, #tpu.memory_space<vmem>>) offsets(%dma_start3A_390 : memref<80xi32, #tpu.memory_space<vmem>>) semaphore(%arg18 : memref<!tpu.dma_semaphore, #tpu.memory_space<semaphore_mem>>)
      %dma_start3A_394 = arith.constant 0 : i32
      %dma_start3A_395 = arith.constant 0 : i32
      %dma_start3A_396 = arith.constant 0 : i32
      %dma_start3A_397 = arith.constant 0 : i32
      %dma_start3A_398 = tpu.memref_slice %arg13[%dma_start3A_395, %dma_start3A_396, %dma_start3A_397] : memref<2x80x160xbf16, #tpu.memory_space<vmem>> -> memref<1x80x160xbf16, #tpu.memory_space<vmem>>
      %dma_start3A_399 = tpu.memref_squeeze %dma_start3A_398 : memref<1x80x160xbf16, #tpu.memory_space<vmem>> -> memref<80x160xbf16, #tpu.memory_space<vmem>>
      %dma_start3A_400 = arith.constant 0 : i32
      %dma_start3A_401 = tpu.memref_slice %arg11[%dma_start3A_394, %dma_start3A_400] : memref<2x80xi32, #tpu.memory_space<vmem>> -> memref<1x80xi32, #tpu.memory_space<vmem>>
      %dma_start3A_402 = tpu.memref_squeeze %dma_start3A_401 : memref<1x80xi32, #tpu.memory_space<vmem>> -> memref<80xi32, #tpu.memory_space<vmem>>
      %dma_start3A_403 = arith.constant 0 : i32
      %dma_start3A_404 = arith.constant 0 : i32
      %dma_start3A_405 = tpu.memref_slice %arg15[%dma_start3A_403, %dma_start3A_404] : memref<10000x160xbf16, #tpu.memory_space<vmem_shared>> -> memref<10000x160xbf16, #tpu.memory_space<vmem_shared>>
      tpu.enqueue_indirect_dma source(%dma_start3A_405 : memref<10000x160xbf16, #tpu.memory_space<vmem_shared>>) target(%dma_start3A_399 : memref<80x160xbf16, #tpu.memory_space<vmem>>) offsets(%dma_start3A_402 : memref<80xi32, #tpu.memory_space<vmem>>) semaphore(%arg18 : memref<!tpu.dma_semaphore, #tpu.memory_space<semaphore_mem>>)
      %dma_wait3A_406 = arith.constant 0 : i32
      %dma_wait3A_407 = arith.constant 0 : i32
      %dma_wait3A_408 = arith.constant 0 : i32
      %dma_wait3A_409 = tpu.memref_slice %arg12[%dma_wait3A_406, %dma_wait3A_407, %dma_wait3A_408] : memref<2x80x160xbf16, #tpu.memory_space<vmem>> -> memref<1x80x160xbf16, #tpu.memory_space<vmem>>
      %dma_wait3A_410 = tpu.memref_squeeze %dma_wait3A_409 : memref<1x80x160xbf16, #tpu.memory_space<vmem>> -> memref<80x160xbf16, #tpu.memory_space<vmem>>
      %dma_wait3A_411 = arith.constant 0 : i32
      %dma_wait3A_412 = arith.constant 0 : i32
      %dma_wait3A_413 = tpu.memref_slice %arg14[%dma_wait3A_411, %dma_wait3A_412] : memref<10000x160xbf16, #tpu.memory_space<vmem_shared>> -> memref<80x160xbf16, #tpu.memory_space<vmem_shared>>
      %dma_wait3A_414 = arith.constant 0 : i32
      %dma_wait3A_415 = arith.constant 0 : i32
      %dma_wait3A_416 = tpu.memref_slice %arg12[%dma_wait3A_406, %dma_wait3A_414, %dma_wait3A_415] : memref<2x80x160xbf16, #tpu.memory_space<vmem>> -> memref<1x80x160xbf16, #tpu.memory_space<vmem>>
      %dma_wait3A_417 = tpu.memref_squeeze %dma_wait3A_416 : memref<1x80x160xbf16, #tpu.memory_space<vmem>> -> memref<80x160xbf16, #tpu.memory_space<vmem>>
      %dma_wait3A_418 = arith.constant 0 : i32
      %dma_wait3A_419 = arith.constant 0 : i32
      %dma_wait3A_420 = tpu.memref_slice %arg14[%dma_wait3A_418, %dma_wait3A_419] : memref<10000x160xbf16, #tpu.memory_space<vmem_shared>> -> memref<80x160xbf16, #tpu.memory_space<vmem_shared>>
      tpu.wait_dma2 semaphore(%arg18 : memref<!tpu.dma_semaphore, #tpu.memory_space<semaphore_mem>>) src(%dma_wait3A_420 : memref<80x160xbf16, #tpu.memory_space<vmem_shared>>) dst(%dma_wait3A_417 : memref<80x160xbf16, #tpu.memory_space<vmem>>)
      %dma_wait3A_421 = arith.constant 0 : i32
      %dma_wait3A_422 = arith.constant 0 : i32
      %dma_wait3A_423 = arith.constant 0 : i32
      %dma_wait3A_424 = tpu.memref_slice %arg13[%dma_wait3A_421, %dma_wait3A_422, %dma_wait3A_423] : memref<2x80x160xbf16, #tpu.memory_space<vmem>> -> memref<1x80x160xbf16, #tpu.memory_space<vmem>>
      %dma_wait3A_425 = tpu.memref_squeeze %dma_wait3A_424 : memref<1x80x160xbf16, #tpu.memory_space<vmem>> -> memref<80x160xbf16, #tpu.memory_space<vmem>>
      %dma_wait3A_426 = arith.constant 0 : i32
      %dma_wait3A_427 = arith.constant 0 : i32
      %dma_wait3A_428 = tpu.memref_slice %arg14[%dma_wait3A_426, %dma_wait3A_427] : memref<10000x160xbf16, #tpu.memory_space<vmem_shared>> -> memref<80x160xbf16, #tpu.memory_space<vmem_shared>>
      %dma_wait3A_429 = arith.constant 0 : i32
      %dma_wait3A_430 = arith.constant 0 : i32
      %dma_wait3A_431 = tpu.memref_slice %arg13[%dma_wait3A_421, %dma_wait3A_429, %dma_wait3A_430] : memref<2x80x160xbf16, #tpu.memory_space<vmem>> -> memref<1x80x160xbf16, #tpu.memory_space<vmem>>
      %dma_wait3A_432 = tpu.memref_squeeze %dma_wait3A_431 : memref<1x80x160xbf16, #tpu.memory_space<vmem>> -> memref<80x160xbf16, #tpu.memory_space<vmem>>
      %dma_wait3A_433 = arith.constant 0 : i32
      %dma_wait3A_434 = arith.constant 0 : i32
      %dma_wait3A_435 = tpu.memref_slice %arg14[%dma_wait3A_433, %dma_wait3A_434] : memref<10000x160xbf16, #tpu.memory_space<vmem_shared>> -> memref<80x160xbf16, #tpu.memory_space<vmem_shared>>
      tpu.wait_dma2 semaphore(%arg18 : memref<!tpu.dma_semaphore, #tpu.memory_space<semaphore_mem>>) src(%dma_wait3A_435 : memref<80x160xbf16, #tpu.memory_space<vmem_shared>>) dst(%dma_wait3A_432 : memref<80x160xbf16, #tpu.memory_space<vmem>>)
      %mul3A_436 = arith.constant 80 : i32
      %mul3A_437 = arith.muli %mul3A_306, %mul3A_436 : i32
      %add3A_438 = arith.addi %mul3A_2, %mul3A_437 : i32
      %dma_start3A_439 = arith.constant 0 : i32
      %dma_start3A_440 = arith.constant 0 : i32
      %dma_start3A_441 = arith.constant 0 : i32
      %dma_start3A_442 = tpu.memref_slice %arg12[%dma_start3A_439, %dma_start3A_440, %dma_start3A_441] : memref<2x80x160xbf16, #tpu.memory_space<vmem>> -> memref<1x80x160xbf16, #tpu.memory_space<vmem>>
      %dma_start3A_443 = tpu.memref_squeeze %dma_start3A_442 : memref<1x80x160xbf16, #tpu.memory_space<vmem>> -> memref<80x160xbf16, #tpu.memory_space<vmem>>
      %dma_start3A_444 = arith.constant 0 : i32
      %dma_start3A_445 = tpu.memref_slice %arg6[%add3A_438, %dma_start3A_444] : memref<320000x160xbf16, #tpu.memory_space<hbm>> -> memref<80x160xbf16, #tpu.memory_space<hbm>>
      %dma_start3A_446 = arith.constant 0 : i32
      %dma_start3A_447 = tpu.memref_slice %arg6[%add3A_438, %dma_start3A_446] : memref<320000x160xbf16, #tpu.memory_space<hbm>> -> memref<80x160xbf16, #tpu.memory_space<hbm>>
      %dma_start3A_448 = arith.constant 0 : i32
      %dma_start3A_449 = arith.constant 0 : i32
      %dma_start3A_450 = tpu.memref_slice %arg12[%dma_start3A_439, %dma_start3A_448, %dma_start3A_449] : memref<2x80x160xbf16, #tpu.memory_space<vmem>> -> memref<1x80x160xbf16, #tpu.memory_space<vmem>>
      %dma_start3A_451 = tpu.memref_squeeze %dma_start3A_450 : memref<1x80x160xbf16, #tpu.memory_space<vmem>> -> memref<80x160xbf16, #tpu.memory_space<vmem>>
      tpu.enqueue_dma source(%dma_start3A_451 : memref<80x160xbf16, #tpu.memory_space<vmem>>) target(%dma_start3A_447 : memref<80x160xbf16, #tpu.memory_space<hbm>>) target_semaphore(%arg19 : memref<!tpu.dma_semaphore, #tpu.memory_space<semaphore_mem>>)
      %dma_start3A_452 = arith.constant 0 : i32
      %dma_start3A_453 = arith.constant 0 : i32
      %dma_start3A_454 = arith.constant 0 : i32
      %dma_start3A_455 = tpu.memref_slice %arg13[%dma_start3A_452, %dma_start3A_453, %dma_start3A_454] : memref<2x80x160xbf16, #tpu.memory_space<vmem>> -> memref<1x80x160xbf16, #tpu.memory_space<vmem>>
      %dma_start3A_456 = tpu.memref_squeeze %dma_start3A_455 : memref<1x80x160xbf16, #tpu.memory_space<vmem>> -> memref<80x160xbf16, #tpu.memory_space<vmem>>
      %dma_start3A_457 = arith.constant 0 : i32
      %dma_start3A_458 = tpu.memref_slice %arg7[%add3A_438, %dma_start3A_457] : memref<320000x160xbf16, #tpu.memory_space<hbm>> -> memref<80x160xbf16, #tpu.memory_space<hbm>>
      %dma_start3A_459 = arith.constant 0 : i32
      %dma_start3A_460 = tpu.memref_slice %arg7[%add3A_438, %dma_start3A_459] : memref<320000x160xbf16, #tpu.memory_space<hbm>> -> memref<80x160xbf16, #tpu.memory_space<hbm>>
      %dma_start3A_461 = arith.constant 0 : i32
      %dma_start3A_462 = arith.constant 0 : i32
      %dma_start3A_463 = tpu.memref_slice %arg13[%dma_start3A_452, %dma_start3A_461, %dma_start3A_462] : memref<2x80x160xbf16, #tpu.memory_space<vmem>> -> memref<1x80x160xbf16, #tpu.memory_space<vmem>>
      %dma_start3A_464 = tpu.memref_squeeze %dma_start3A_463 : memref<1x80x160xbf16, #tpu.memory_space<vmem>> -> memref<80x160xbf16, #tpu.memory_space<vmem>>
      tpu.enqueue_dma source(%dma_start3A_464 : memref<80x160xbf16, #tpu.memory_space<vmem>>) target(%dma_start3A_460 : memref<80x160xbf16, #tpu.memory_space<hbm>>) target_semaphore(%arg19 : memref<!tpu.dma_semaphore, #tpu.memory_space<semaphore_mem>>)
      %add3A_465 = arith.constant 2 : i32
      %add3A_466 = arith.addi %mul3A_306, %add3A_465 : i32
      %mul3A_467 = arith.constant 80 : i32
      %mul3A_468 = arith.muli %add3A_466, %mul3A_467 : i32
      %add3A_469 = arith.addi %mul3A_2, %mul3A_468 : i32
      %dma_start3A_470 = arith.constant 0 : i32
      %dma_start3A_471 = arith.constant 0 : i32
      %dma_start3A_472 = tpu.memref_slice %arg10[%dma_start3A_470, %dma_start3A_471] : memref<2x80xi32, #tpu.memory_space<vmem>> -> memref<1x80xi32, #tpu.memory_space<vmem>>
      %dma_start3A_473 = tpu.memref_squeeze %dma_start3A_472 : memref<1x80xi32, #tpu.memory_space<vmem>> -> memref<80xi32, #tpu.memory_space<vmem>>
      %dma_start3A_474 = tpu.memref_slice %arg4[%add3A_469] : memref<320000xi32, #tpu.memory_space<hbm>> -> memref<80xi32, #tpu.memory_space<hbm>>
      %dma_start3A_475 = arith.constant 0 : i32
      %dma_start3A_476 = tpu.memref_slice %arg10[%dma_start3A_470, %dma_start3A_475] : memref<2x80xi32, #tpu.memory_space<vmem>> -> memref<1x80xi32, #tpu.memory_space<vmem>>
      %dma_start3A_477 = tpu.memref_squeeze %dma_start3A_476 : memref<1x80xi32, #tpu.memory_space<vmem>> -> memref<80xi32, #tpu.memory_space<vmem>>
      %dma_start3A_478 = tpu.memref_slice %arg4[%add3A_469] : memref<320000xi32, #tpu.memory_space<hbm>> -> memref<80xi32, #tpu.memory_space<hbm>>
      tpu.enqueue_dma source(%dma_start3A_478 : memref<80xi32, #tpu.memory_space<hbm>>) target(%dma_start3A_477 : memref<80xi32, #tpu.memory_space<vmem>>) target_semaphore(%arg16 : memref<!tpu.dma_semaphore, #tpu.memory_space<semaphore_mem>>)
      %dma_start3A_479 = arith.constant 0 : i32
      %dma_start3A_480 = arith.constant 0 : i32
      %dma_start3A_481 = tpu.memref_slice %arg11[%dma_start3A_479, %dma_start3A_480] : memref<2x80xi32, #tpu.memory_space<vmem>> -> memref<1x80xi32, #tpu.memory_space<vmem>>
      %dma_start3A_482 = tpu.memref_squeeze %dma_start3A_481 : memref<1x80xi32, #tpu.memory_space<vmem>> -> memref<80xi32, #tpu.memory_space<vmem>>
      %dma_start3A_483 = tpu.memref_slice %arg5[%add3A_469] : memref<320000xi32, #tpu.memory_space<hbm>> -> memref<80xi32, #tpu.memory_space<hbm>>
      %dma_start3A_484 = arith.constant 0 : i32
      %dma_start3A_485 = tpu.memref_slice %arg11[%dma_start3A_479, %dma_start3A_484] : memref<2x80xi32, #tpu.memory_space<vmem>> -> memref<1x80xi32, #tpu.memory_space<vmem>>
      %dma_start3A_486 = tpu.memref_squeeze %dma_start3A_485 : memref<1x80xi32, #tpu.memory_space<vmem>> -> memref<80xi32, #tpu.memory_space<vmem>>
      %dma_start3A_487 = tpu.memref_slice %arg5[%add3A_469] : memref<320000xi32, #tpu.memory_space<hbm>> -> memref<80xi32, #tpu.memory_space<hbm>>
      tpu.enqueue_dma source(%dma_start3A_487 : memref<80xi32, #tpu.memory_space<hbm>>) target(%dma_start3A_486 : memref<80xi32, #tpu.memory_space<vmem>>) target_semaphore(%arg16 : memref<!tpu.dma_semaphore, #tpu.memory_space<semaphore_mem>>)
      %add3A_488 = arith.constant 1 : i32
      %add3A_489 = arith.addi %mul3A_306, %add3A_488 : i32
      %dma_wait3A_490 = arith.constant 1 : i32
      %dma_wait3A_491 = arith.constant 0 : i32
      %dma_wait3A_492 = arith.constant 0 : i32
      %dma_wait3A_493 = tpu.memref_slice %arg12[%dma_wait3A_490, %dma_wait3A_491, %dma_wait3A_492] : memref<2x80x160xbf16, #tpu.memory_space<vmem>> -> memref<1x80x160xbf16, #tpu.memory_space<vmem>>
      %dma_wait3A_494 = tpu.memref_squeeze %dma_wait3A_493 : memref<1x80x160xbf16, #tpu.memory_space<vmem>> -> memref<80x160xbf16, #tpu.memory_space<vmem>>
      %dma_wait3A_495 = arith.constant 0 : i32
      %dma_wait3A_496 = arith.constant 0 : i32
      %dma_wait3A_497 = tpu.memref_slice %arg6[%dma_wait3A_495, %dma_wait3A_496] : memref<320000x160xbf16, #tpu.memory_space<hbm>> -> memref<80x160xbf16, #tpu.memory_space<hbm>>
      %dma_wait3A_498 = arith.constant 0 : i32
      %dma_wait3A_499 = arith.constant 0 : i32
      %dma_wait3A_500 = tpu.memref_slice %arg6[%dma_wait3A_498, %dma_wait3A_499] : memref<320000x160xbf16, #tpu.memory_space<hbm>> -> memref<80x160xbf16, #tpu.memory_space<hbm>>
      %dma_wait3A_501 = arith.constant 0 : i32
      %dma_wait3A_502 = arith.constant 0 : i32
      %dma_wait3A_503 = tpu.memref_slice %arg12[%dma_wait3A_490, %dma_wait3A_501, %dma_wait3A_502] : memref<2x80x160xbf16, #tpu.memory_space<vmem>> -> memref<1x80x160xbf16, #tpu.memory_space<vmem>>
      %dma_wait3A_504 = tpu.memref_squeeze %dma_wait3A_503 : memref<1x80x160xbf16, #tpu.memory_space<vmem>> -> memref<80x160xbf16, #tpu.memory_space<vmem>>
      tpu.wait_dma2 semaphore(%arg20 : memref<!tpu.dma_semaphore, #tpu.memory_space<semaphore_mem>>) src(%dma_wait3A_504 : memref<80x160xbf16, #tpu.memory_space<vmem>>) dst(%dma_wait3A_500 : memref<80x160xbf16, #tpu.memory_space<hbm>>)
      %dma_wait3A_505 = arith.constant 1 : i32
      %dma_wait3A_506 = arith.constant 0 : i32
      %dma_wait3A_507 = arith.constant 0 : i32
      %dma_wait3A_508 = tpu.memref_slice %arg13[%dma_wait3A_505, %dma_wait3A_506, %dma_wait3A_507] : memref<2x80x160xbf16, #tpu.memory_space<vmem>> -> memref<1x80x160xbf16, #tpu.memory_space<vmem>>
      %dma_wait3A_509 = tpu.memref_squeeze %dma_wait3A_508 : memref<1x80x160xbf16, #tpu.memory_space<vmem>> -> memref<80x160xbf16, #tpu.memory_space<vmem>>
      %dma_wait3A_510 = arith.constant 0 : i32
      %dma_wait3A_511 = arith.constant 0 : i32
      %dma_wait3A_512 = tpu.memref_slice %arg7[%dma_wait3A_510, %dma_wait3A_511] : memref<320000x160xbf16, #tpu.memory_space<hbm>> -> memref<80x160xbf16, #tpu.memory_space<hbm>>
      %dma_wait3A_513 = arith.constant 0 : i32
      %dma_wait3A_514 = arith.constant 0 : i32
      %dma_wait3A_515 = tpu.memref_slice %arg7[%dma_wait3A_513, %dma_wait3A_514] : memref<320000x160xbf16, #tpu.memory_space<hbm>> -> memref<80x160xbf16, #tpu.memory_space<hbm>>
      %dma_wait3A_516 = arith.constant 0 : i32
      %dma_wait3A_517 = arith.constant 0 : i32
      %dma_wait3A_518 = tpu.memref_slice %arg13[%dma_wait3A_505, %dma_wait3A_516, %dma_wait3A_517] : memref<2x80x160xbf16, #tpu.memory_space<vmem>> -> memref<1x80x160xbf16, #tpu.memory_space<vmem>>
      %dma_wait3A_519 = tpu.memref_squeeze %dma_wait3A_518 : memref<1x80x160xbf16, #tpu.memory_space<vmem>> -> memref<80x160xbf16, #tpu.memory_space<vmem>>
      tpu.wait_dma2 semaphore(%arg20 : memref<!tpu.dma_semaphore, #tpu.memory_space<semaphore_mem>>) src(%dma_wait3A_519 : memref<80x160xbf16, #tpu.memory_space<vmem>>) dst(%dma_wait3A_515 : memref<80x160xbf16, #tpu.memory_space<hbm>>)
      %dma_wait3A_520 = arith.constant 1 : i32
      %dma_wait3A_521 = arith.constant 0 : i32
      %dma_wait3A_522 = tpu.memref_slice %arg10[%dma_wait3A_520, %dma_wait3A_521] : memref<2x80xi32, #tpu.memory_space<vmem>> -> memref<1x80xi32, #tpu.memory_space<vmem>>
      %dma_wait3A_523 = tpu.memref_squeeze %dma_wait3A_522 : memref<1x80xi32, #tpu.memory_space<vmem>> -> memref<80xi32, #tpu.memory_space<vmem>>
      %dma_wait3A_524 = arith.constant 0 : i32
      %dma_wait3A_525 = tpu.memref_slice %arg4[%dma_wait3A_524] : memref<320000xi32, #tpu.memory_space<hbm>> -> memref<80xi32, #tpu.memory_space<hbm>>
      %dma_wait3A_526 = arith.constant 0 : i32
      %dma_wait3A_527 = tpu.memref_slice %arg10[%dma_wait3A_520, %dma_wait3A_526] : memref<2x80xi32, #tpu.memory_space<vmem>> -> memref<1x80xi32, #tpu.memory_space<vmem>>
      %dma_wait3A_528 = tpu.memref_squeeze %dma_wait3A_527 : memref<1x80xi32, #tpu.memory_space<vmem>> -> memref<80xi32, #tpu.memory_space<vmem>>
      %dma_wait3A_529 = arith.constant 0 : i32
      %dma_wait3A_530 = tpu.memref_slice %arg4[%dma_wait3A_529] : memref<320000xi32, #tpu.memory_space<hbm>> -> memref<80xi32, #tpu.memory_space<hbm>>
      tpu.wait_dma2 semaphore(%arg17 : memref<!tpu.dma_semaphore, #tpu.memory_space<semaphore_mem>>) src(%dma_wait3A_530 : memref<80xi32, #tpu.memory_space<hbm>>) dst(%dma_wait3A_528 : memref<80xi32, #tpu.memory_space<vmem>>)
      %dma_wait3A_531 = arith.constant 1 : i32
      %dma_wait3A_532 = arith.constant 0 : i32
      %dma_wait3A_533 = tpu.memref_slice %arg11[%dma_wait3A_531, %dma_wait3A_532] : memref<2x80xi32, #tpu.memory_space<vmem>> -> memref<1x80xi32, #tpu.memory_space<vmem>>
      %dma_wait3A_534 = tpu.memref_squeeze %dma_wait3A_533 : memref<1x80xi32, #tpu.memory_space<vmem>> -> memref<80xi32, #tpu.memory_space<vmem>>
      %dma_wait3A_535 = arith.constant 0 : i32
      %dma_wait3A_536 = tpu.memref_slice %arg4[%dma_wait3A_535] : memref<320000xi32, #tpu.memory_space<hbm>> -> memref<80xi32, #tpu.memory_space<hbm>>
      %dma_wait3A_537 = arith.constant 0 : i32
      %dma_wait3A_538 = tpu.memref_slice %arg11[%dma_wait3A_531, %dma_wait3A_537] : memref<2x80xi32, #tpu.memory_space<vmem>> -> memref<1x80xi32, #tpu.memory_space<vmem>>
      %dma_wait3A_539 = tpu.memref_squeeze %dma_wait3A_538 : memref<1x80xi32, #tpu.memory_space<vmem>> -> memref<80xi32, #tpu.memory_space<vmem>>
      %dma_wait3A_540 = arith.constant 0 : i32
      %dma_wait3A_541 = tpu.memref_slice %arg4[%dma_wait3A_540] : memref<320000xi32, #tpu.memory_space<hbm>> -> memref<80xi32, #tpu.memory_space<hbm>>
      tpu.wait_dma2 semaphore(%arg17 : memref<!tpu.dma_semaphore, #tpu.memory_space<semaphore_mem>>) src(%dma_wait3A_541 : memref<80xi32, #tpu.memory_space<hbm>>) dst(%dma_wait3A_539 : memref<80xi32, #tpu.memory_space<vmem>>)
      %dma_start3A_542 = arith.constant 1 : i32
      %dma_start3A_543 = arith.constant 1 : i32
      %dma_start3A_544 = arith.constant 0 : i32
      %dma_start3A_545 = arith.constant 0 : i32
      %dma_start3A_546 = tpu.memref_slice %arg12[%dma_start3A_543, %dma_start3A_544, %dma_start3A_545] : memref<2x80x160xbf16, #tpu.memory_space<vmem>> -> memref<1x80x160xbf16, #tpu.memory_space<vmem>>
      %dma_start3A_547 = tpu.memref_squeeze %dma_start3A_546 : memref<1x80x160xbf16, #tpu.memory_space<vmem>> -> memref<80x160xbf16, #tpu.memory_space<vmem>>
      %dma_start3A_548 = arith.constant 0 : i32
      %dma_start3A_549 = tpu.memref_slice %arg10[%dma_start3A_542, %dma_start3A_548] : memref<2x80xi32, #tpu.memory_space<vmem>> -> memref<1x80xi32, #tpu.memory_space<vmem>>
      %dma_start3A_550 = tpu.memref_squeeze %dma_start3A_549 : memref<1x80xi32, #tpu.memory_space<vmem>> -> memref<80xi32, #tpu.memory_space<vmem>>
      %dma_start3A_551 = arith.constant 0 : i32
      %dma_start3A_552 = arith.constant 0 : i32
      %dma_start3A_553 = tpu.memref_slice %arg14[%dma_start3A_551, %dma_start3A_552] : memref<10000x160xbf16, #tpu.memory_space<vmem_shared>> -> memref<10000x160xbf16, #tpu.memory_space<vmem_shared>>
      tpu.enqueue_indirect_dma source(%dma_start3A_553 : memref<10000x160xbf16, #tpu.memory_space<vmem_shared>>) target(%dma_start3A_547 : memref<80x160xbf16, #tpu.memory_space<vmem>>) offsets(%dma_start3A_550 : memref<80xi32, #tpu.memory_space<vmem>>) semaphore(%arg18 : memref<!tpu.dma_semaphore, #tpu.memory_space<semaphore_mem>>)
      %dma_start3A_554 = arith.constant 1 : i32
      %dma_start3A_555 = arith.constant 1 : i32
      %dma_start3A_556 = arith.constant 0 : i32
      %dma_start3A_557 = arith.constant 0 : i32
      %dma_start3A_558 = tpu.memref_slice %arg13[%dma_start3A_555, %dma_start3A_556, %dma_start3A_557] : memref<2x80x160xbf16, #tpu.memory_space<vmem>> -> memref<1x80x160xbf16, #tpu.memory_space<vmem>>
      %dma_start3A_559 = tpu.memref_squeeze %dma_start3A_558 : memref<1x80x160xbf16, #tpu.memory_space<vmem>> -> memref<80x160xbf16, #tpu.memory_space<vmem>>
      %dma_start3A_560 = arith.constant 0 : i32
      %dma_start3A_561 = tpu.memref_slice %arg11[%dma_start3A_554, %dma_start3A_560] : memref<2x80xi32, #tpu.memory_space<vmem>> -> memref<1x80xi32, #tpu.memory_space<vmem>>
      %dma_start3A_562 = tpu.memref_squeeze %dma_start3A_561 : memref<1x80xi32, #tpu.memory_space<vmem>> -> memref<80xi32, #tpu.memory_space<vmem>>
      %dma_start3A_563 = arith.constant 0 : i32
      %dma_start3A_564 = arith.constant 0 : i32
      %dma_start3A_565 = tpu.memref_slice %arg15[%dma_start3A_563, %dma_start3A_564] : memref<10000x160xbf16, #tpu.memory_space<vmem_shared>> -> memref<10000x160xbf16, #tpu.memory_space<vmem_shared>>
      tpu.enqueue_indirect_dma source(%dma_start3A_565 : memref<10000x160xbf16, #tpu.memory_space<vmem_shared>>) target(%dma_start3A_559 : memref<80x160xbf16, #tpu.memory_space<vmem>>) offsets(%dma_start3A_562 : memref<80xi32, #tpu.memory_space<vmem>>) semaphore(%arg18 : memref<!tpu.dma_semaphore, #tpu.memory_space<semaphore_mem>>)
      %dma_wait3A_566 = arith.constant 1 : i32
      %dma_wait3A_567 = arith.constant 0 : i32
      %dma_wait3A_568 = arith.constant 0 : i32
      %dma_wait3A_569 = tpu.memref_slice %arg12[%dma_wait3A_566, %dma_wait3A_567, %dma_wait3A_568] : memref<2x80x160xbf16, #tpu.memory_space<vmem>> -> memref<1x80x160xbf16, #tpu.memory_space<vmem>>
      %dma_wait3A_570 = tpu.memref_squeeze %dma_wait3A_569 : memref<1x80x160xbf16, #tpu.memory_space<vmem>> -> memref<80x160xbf16, #tpu.memory_space<vmem>>
      %dma_wait3A_571 = arith.constant 0 : i32
      %dma_wait3A_572 = arith.constant 0 : i32
      %dma_wait3A_573 = tpu.memref_slice %arg14[%dma_wait3A_571, %dma_wait3A_572] : memref<10000x160xbf16, #tpu.memory_space<vmem_shared>> -> memref<80x160xbf16, #tpu.memory_space<vmem_shared>>
      %dma_wait3A_574 = arith.constant 0 : i32
      %dma_wait3A_575 = arith.constant 0 : i32
      %dma_wait3A_576 = tpu.memref_slice %arg12[%dma_wait3A_566, %dma_wait3A_574, %dma_wait3A_575] : memref<2x80x160xbf16, #tpu.memory_space<vmem>> -> memref<1x80x160xbf16, #tpu.memory_space<vmem>>
      %dma_wait3A_577 = tpu.memref_squeeze %dma_wait3A_576 : memref<1x80x160xbf16, #tpu.memory_space<vmem>> -> memref<80x160xbf16, #tpu.memory_space<vmem>>
      %dma_wait3A_578 = arith.constant 0 : i32
      %dma_wait3A_579 = arith.constant 0 : i32
      %dma_wait3A_580 = tpu.memref_slice %arg14[%dma_wait3A_578, %dma_wait3A_579] : memref<10000x160xbf16, #tpu.memory_space<vmem_shared>> -> memref<80x160xbf16, #tpu.memory_space<vmem_shared>>
      tpu.wait_dma2 semaphore(%arg18 : memref<!tpu.dma_semaphore, #tpu.memory_space<semaphore_mem>>) src(%dma_wait3A_580 : memref<80x160xbf16, #tpu.memory_space<vmem_shared>>) dst(%dma_wait3A_577 : memref<80x160xbf16, #tpu.memory_space<vmem>>)
      %dma_wait3A_581 = arith.constant 1 : i32
      %dma_wait3A_582 = arith.constant 0 : i32
      %dma_wait3A_583 = arith.constant 0 : i32
      %dma_wait3A_584 = tpu.memref_slice %arg13[%dma_wait3A_581, %dma_wait3A_582, %dma_wait3A_583] : memref<2x80x160xbf16, #tpu.memory_space<vmem>> -> memref<1x80x160xbf16, #tpu.memory_space<vmem>>
      %dma_wait3A_585 = tpu.memref_squeeze %dma_wait3A_584 : memref<1x80x160xbf16, #tpu.memory_space<vmem>> -> memref<80x160xbf16, #tpu.memory_space<vmem>>
      %dma_wait3A_586 = arith.constant 0 : i32
      %dma_wait3A_587 = arith.constant 0 : i32
      %dma_wait3A_588 = tpu.memref_slice %arg14[%dma_wait3A_586, %dma_wait3A_587] : memref<10000x160xbf16, #tpu.memory_space<vmem_shared>> -> memref<80x160xbf16, #tpu.memory_space<vmem_shared>>
      %dma_wait3A_589 = arith.constant 0 : i32
      %dma_wait3A_590 = arith.constant 0 : i32
      %dma_wait3A_591 = tpu.memref_slice %arg13[%dma_wait3A_581, %dma_wait3A_589, %dma_wait3A_590] : memref<2x80x160xbf16, #tpu.memory_space<vmem>> -> memref<1x80x160xbf16, #tpu.memory_space<vmem>>
      %dma_wait3A_592 = tpu.memref_squeeze %dma_wait3A_591 : memref<1x80x160xbf16, #tpu.memory_space<vmem>> -> memref<80x160xbf16, #tpu.memory_space<vmem>>
      %dma_wait3A_593 = arith.constant 0 : i32
      %dma_wait3A_594 = arith.constant 0 : i32
      %dma_wait3A_595 = tpu.memref_slice %arg14[%dma_wait3A_593, %dma_wait3A_594] : memref<10000x160xbf16, #tpu.memory_space<vmem_shared>> -> memref<80x160xbf16, #tpu.memory_space<vmem_shared>>
      tpu.wait_dma2 semaphore(%arg18 : memref<!tpu.dma_semaphore, #tpu.memory_space<semaphore_mem>>) src(%dma_wait3A_595 : memref<80x160xbf16, #tpu.memory_space<vmem_shared>>) dst(%dma_wait3A_592 : memref<80x160xbf16, #tpu.memory_space<vmem>>)
      %mul3A_596 = arith.constant 80 : i32
      %mul3A_597 = arith.muli %add3A_489, %mul3A_596 : i32
      %add3A_598 = arith.addi %mul3A_2, %mul3A_597 : i32
      %dma_start3A_599 = arith.constant 1 : i32
      %dma_start3A_600 = arith.constant 0 : i32
      %dma_start3A_601 = arith.constant 0 : i32
      %dma_start3A_602 = tpu.memref_slice %arg12[%dma_start3A_599, %dma_start3A_600, %dma_start3A_601] : memref<2x80x160xbf16, #tpu.memory_space<vmem>> -> memref<1x80x160xbf16, #tpu.memory_space<vmem>>
      %dma_start3A_603 = tpu.memref_squeeze %dma_start3A_602 : memref<1x80x160xbf16, #tpu.memory_space<vmem>> -> memref<80x160xbf16, #tpu.memory_space<vmem>>
      %dma_start3A_604 = arith.constant 0 : i32
      %dma_start3A_605 = tpu.memref_slice %arg6[%add3A_598, %dma_start3A_604] : memref<320000x160xbf16, #tpu.memory_space<hbm>> -> memref<80x160xbf16, #tpu.memory_space<hbm>>
      %dma_start3A_606 = arith.constant 0 : i32
      %dma_start3A_607 = tpu.memref_slice %arg6[%add3A_598, %dma_start3A_606] : memref<320000x160xbf16, #tpu.memory_space<hbm>> -> memref<80x160xbf16, #tpu.memory_space<hbm>>
      %dma_start3A_608 = arith.constant 0 : i32
      %dma_start3A_609 = arith.constant 0 : i32
      %dma_start3A_610 = tpu.memref_slice %arg12[%dma_start3A_599, %dma_start3A_608, %dma_start3A_609] : memref<2x80x160xbf16, #tpu.memory_space<vmem>> -> memref<1x80x160xbf16, #tpu.memory_space<vmem>>
      %dma_start3A_611 = tpu.memref_squeeze %dma_start3A_610 : memref<1x80x160xbf16, #tpu.memory_space<vmem>> -> memref<80x160xbf16, #tpu.memory_space<vmem>>
      tpu.enqueue_dma source(%dma_start3A_611 : memref<80x160xbf16, #tpu.memory_space<vmem>>) target(%dma_start3A_607 : memref<80x160xbf16, #tpu.memory_space<hbm>>) target_semaphore(%arg20 : memref<!tpu.dma_semaphore, #tpu.memory_space<semaphore_mem>>)
      %dma_start3A_612 = arith.constant 1 : i32
      %dma_start3A_613 = arith.constant 0 : i32
      %dma_start3A_614 = arith.constant 0 : i32
      %dma_start3A_615 = tpu.memref_slice %arg13[%dma_start3A_612, %dma_start3A_613, %dma_start3A_614] : memref<2x80x160xbf16, #tpu.memory_space<vmem>> -> memref<1x80x160xbf16, #tpu.memory_space<vmem>>
      %dma_start3A_616 = tpu.memref_squeeze %dma_start3A_615 : memref<1x80x160xbf16, #tpu.memory_space<vmem>> -> memref<80x160xbf16, #tpu.memory_space<vmem>>
      %dma_start3A_617 = arith.constant 0 : i32
      %dma_start3A_618 = tpu.memref_slice %arg7[%add3A_598, %dma_start3A_617] : memref<320000x160xbf16, #tpu.memory_space<hbm>> -> memref<80x160xbf16, #tpu.memory_space<hbm>>
      %dma_start3A_619 = arith.constant 0 : i32
      %dma_start3A_620 = tpu.memref_slice %arg7[%add3A_598, %dma_start3A_619] : memref<320000x160xbf16, #tpu.memory_space<hbm>> -> memref<80x160xbf16, #tpu.memory_space<hbm>>
      %dma_start3A_621 = arith.constant 0 : i32
      %dma_start3A_622 = arith.constant 0 : i32
      %dma_start3A_623 = tpu.memref_slice %arg13[%dma_start3A_612, %dma_start3A_621, %dma_start3A_622] : memref<2x80x160xbf16, #tpu.memory_space<vmem>> -> memref<1x80x160xbf16, #tpu.memory_space<vmem>>
      %dma_start3A_624 = tpu.memref_squeeze %dma_start3A_623 : memref<1x80x160xbf16, #tpu.memory_space<vmem>> -> memref<80x160xbf16, #tpu.memory_space<vmem>>
      tpu.enqueue_dma source(%dma_start3A_624 : memref<80x160xbf16, #tpu.memory_space<vmem>>) target(%dma_start3A_620 : memref<80x160xbf16, #tpu.memory_space<hbm>>) target_semaphore(%arg20 : memref<!tpu.dma_semaphore, #tpu.memory_space<semaphore_mem>>)
    }
    %scan3A_110 = arith.constant 62 : i32
    %dma_wait3A = arith.constant 0 : i32
    %dma_wait3A_111 = arith.constant 0 : i32
    %dma_wait3A_112 = arith.constant 0 : i32
    %dma_wait3A_113 = tpu.memref_slice %arg12[%dma_wait3A, %dma_wait3A_111, %dma_wait3A_112] : memref<2x80x160xbf16, #tpu.memory_space<vmem>> -> memref<1x80x160xbf16, #tpu.memory_space<vmem>>
    %dma_wait3A_114 = tpu.memref_squeeze %dma_wait3A_113 : memref<1x80x160xbf16, #tpu.memory_space<vmem>> -> memref<80x160xbf16, #tpu.memory_space<vmem>>
    %dma_wait3A_115 = arith.constant 0 : i32
    %dma_wait3A_116 = arith.constant 0 : i32
    %dma_wait3A_117 = tpu.memref_slice %arg6[%dma_wait3A_115, %dma_wait3A_116] : memref<320000x160xbf16, #tpu.memory_space<hbm>> -> memref<80x160xbf16, #tpu.memory_space<hbm>>
    %dma_wait3A_118 = arith.constant 0 : i32
    %dma_wait3A_119 = arith.constant 0 : i32
    %dma_wait3A_120 = tpu.memref_slice %arg6[%dma_wait3A_118, %dma_wait3A_119] : memref<320000x160xbf16, #tpu.memory_space<hbm>> -> memref<80x160xbf16, #tpu.memory_space<hbm>>
    %dma_wait3A_121 = arith.constant 0 : i32
    %dma_wait3A_122 = arith.constant 0 : i32
    %dma_wait3A_123 = tpu.memref_slice %arg12[%dma_wait3A, %dma_wait3A_121, %dma_wait3A_122] : memref<2x80x160xbf16, #tpu.memory_space<vmem>> -> memref<1x80x160xbf16, #tpu.memory_space<vmem>>
    %dma_wait3A_124 = tpu.memref_squeeze %dma_wait3A_123 : memref<1x80x160xbf16, #tpu.memory_space<vmem>> -> memref<80x160xbf16, #tpu.memory_space<vmem>>
    tpu.wait_dma2 semaphore(%arg19 : memref<!tpu.dma_semaphore, #tpu.memory_space<semaphore_mem>>) src(%dma_wait3A_124 : memref<80x160xbf16, #tpu.memory_space<vmem>>) dst(%dma_wait3A_120 : memref<80x160xbf16, #tpu.memory_space<hbm>>)
    %dma_wait3A_125 = arith.constant 0 : i32
    %dma_wait3A_126 = arith.constant 0 : i32
    %dma_wait3A_127 = arith.constant 0 : i32
    %dma_wait3A_128 = tpu.memref_slice %arg13[%dma_wait3A_125, %dma_wait3A_126, %dma_wait3A_127] : memref<2x80x160xbf16, #tpu.memory_space<vmem>> -> memref<1x80x160xbf16, #tpu.memory_space<vmem>>
    %dma_wait3A_129 = tpu.memref_squeeze %dma_wait3A_128 : memref<1x80x160xbf16, #tpu.memory_space<vmem>> -> memref<80x160xbf16, #tpu.memory_space<vmem>>
    %dma_wait3A_130 = arith.constant 0 : i32
    %dma_wait3A_131 = arith.constant 0 : i32
    %dma_wait3A_132 = tpu.memref_slice %arg7[%dma_wait3A_130, %dma_wait3A_131] : memref<320000x160xbf16, #tpu.memory_space<hbm>> -> memref<80x160xbf16, #tpu.memory_space<hbm>>
    %dma_wait3A_133 = arith.constant 0 : i32
    %dma_wait3A_134 = arith.constant 0 : i32
    %dma_wait3A_135 = tpu.memref_slice %arg7[%dma_wait3A_133, %dma_wait3A_134] : memref<320000x160xbf16, #tpu.memory_space<hbm>> -> memref<80x160xbf16, #tpu.memory_space<hbm>>
    %dma_wait3A_136 = arith.constant 0 : i32
    %dma_wait3A_137 = arith.constant 0 : i32
    %dma_wait3A_138 = tpu.memref_slice %arg13[%dma_wait3A_125, %dma_wait3A_136, %dma_wait3A_137] : memref<2x80x160xbf16, #tpu.memory_space<vmem>> -> memref<1x80x160xbf16, #tpu.memory_space<vmem>>
    %dma_wait3A_139 = tpu.memref_squeeze %dma_wait3A_138 : memref<1x80x160xbf16, #tpu.memory_space<vmem>> -> memref<80x160xbf16, #tpu.memory_space<vmem>>
    tpu.wait_dma2 semaphore(%arg19 : memref<!tpu.dma_semaphore, #tpu.memory_space<semaphore_mem>>) src(%dma_wait3A_139 : memref<80x160xbf16, #tpu.memory_space<vmem>>) dst(%dma_wait3A_135 : memref<80x160xbf16, #tpu.memory_space<hbm>>)
    %dma_wait3A_140 = arith.constant 0 : i32
    %dma_wait3A_141 = arith.constant 0 : i32
    %dma_wait3A_142 = tpu.memref_slice %arg10[%dma_wait3A_140, %dma_wait3A_141] : memref<2x80xi32, #tpu.memory_space<vmem>> -> memref<1x80xi32, #tpu.memory_space<vmem>>
    %dma_wait3A_143 = tpu.memref_squeeze %dma_wait3A_142 : memref<1x80xi32, #tpu.memory_space<vmem>> -> memref<80xi32, #tpu.memory_space<vmem>>
    %dma_wait3A_144 = arith.constant 0 : i32
    %dma_wait3A_145 = tpu.memref_slice %arg4[%dma_wait3A_144] : memref<320000xi32, #tpu.memory_space<hbm>> -> memref<80xi32, #tpu.memory_space<hbm>>
    %dma_wait3A_146 = arith.constant 0 : i32
    %dma_wait3A_147 = tpu.memref_slice %arg10[%dma_wait3A_140, %dma_wait3A_146] : memref<2x80xi32, #tpu.memory_space<vmem>> -> memref<1x80xi32, #tpu.memory_space<vmem>>
    %dma_wait3A_148 = tpu.memref_squeeze %dma_wait3A_147 : memref<1x80xi32, #tpu.memory_space<vmem>> -> memref<80xi32, #tpu.memory_space<vmem>>
    %dma_wait3A_149 = arith.constant 0 : i32
    %dma_wait3A_150 = tpu.memref_slice %arg4[%dma_wait3A_149] : memref<320000xi32, #tpu.memory_space<hbm>> -> memref<80xi32, #tpu.memory_space<hbm>>
    tpu.wait_dma2 semaphore(%arg16 : memref<!tpu.dma_semaphore, #tpu.memory_space<semaphore_mem>>) src(%dma_wait3A_150 : memref<80xi32, #tpu.memory_space<hbm>>) dst(%dma_wait3A_148 : memref<80xi32, #tpu.memory_space<vmem>>)
    %dma_wait3A_151 = arith.constant 0 : i32
    %dma_wait3A_152 = arith.constant 0 : i32
    %dma_wait3A_153 = tpu.memref_slice %arg11[%dma_wait3A_151, %dma_wait3A_152] : memref<2x80xi32, #tpu.memory_space<vmem>> -> memref<1x80xi32, #tpu.memory_space<vmem>>
    %dma_wait3A_154 = tpu.memref_squeeze %dma_wait3A_153 : memref<1x80xi32, #tpu.memory_space<vmem>> -> memref<80xi32, #tpu.memory_space<vmem>>
    %dma_wait3A_155 = arith.constant 0 : i32
    %dma_wait3A_156 = tpu.memref_slice %arg4[%dma_wait3A_155] : memref<320000xi32, #tpu.memory_space<hbm>> -> memref<80xi32, #tpu.memory_space<hbm>>
    %dma_wait3A_157 = arith.constant 0 : i32
    %dma_wait3A_158 = tpu.memref_slice %arg11[%dma_wait3A_151, %dma_wait3A_157] : memref<2x80xi32, #tpu.memory_space<vmem>> -> memref<1x80xi32, #tpu.memory_space<vmem>>
    %dma_wait3A_159 = tpu.memref_squeeze %dma_wait3A_158 : memref<1x80xi32, #tpu.memory_space<vmem>> -> memref<80xi32, #tpu.memory_space<vmem>>
    %dma_wait3A_160 = arith.constant 0 : i32
    %dma_wait3A_161 = tpu.memref_slice %arg4[%dma_wait3A_160] : memref<320000xi32, #tpu.memory_space<hbm>> -> memref<80xi32, #tpu.memory_space<hbm>>
    tpu.wait_dma2 semaphore(%arg16 : memref<!tpu.dma_semaphore, #tpu.memory_space<semaphore_mem>>) src(%dma_wait3A_161 : memref<80xi32, #tpu.memory_space<hbm>>) dst(%dma_wait3A_159 : memref<80xi32, #tpu.memory_space<vmem>>)
    %dma_start3A_162 = arith.constant 0 : i32
    %dma_start3A_163 = arith.constant 0 : i32
    %dma_start3A_164 = arith.constant 0 : i32
    %dma_start3A_165 = arith.constant 0 : i32
    %dma_start3A_166 = tpu.memref_slice %arg12[%dma_start3A_163, %dma_start3A_164, %dma_start3A_165] : memref<2x80x160xbf16, #tpu.memory_space<vmem>> -> memref<1x80x160xbf16, #tpu.memory_space<vmem>>
    %dma_start3A_167 = tpu.memref_squeeze %dma_start3A_166 : memref<1x80x160xbf16, #tpu.memory_space<vmem>> -> memref<80x160xbf16, #tpu.memory_space<vmem>>
    %dma_start3A_168 = arith.constant 0 : i32
    %dma_start3A_169 = tpu.memref_slice %arg10[%dma_start3A_162, %dma_start3A_168] : memref<2x80xi32, #tpu.memory_space<vmem>> -> memref<1x80xi32, #tpu.memory_space<vmem>>
    %dma_start3A_170 = tpu.memref_squeeze %dma_start3A_169 : memref<1x80xi32, #tpu.memory_space<vmem>> -> memref<80xi32, #tpu.memory_space<vmem>>
    %dma_start3A_171 = arith.constant 0 : i32
    %dma_start3A_172 = arith.constant 0 : i32
    %dma_start3A_173 = tpu.memref_slice %arg14[%dma_start3A_171, %dma_start3A_172] : memref<10000x160xbf16, #tpu.memory_space<vmem_shared>> -> memref<10000x160xbf16, #tpu.memory_space<vmem_shared>>
    tpu.enqueue_indirect_dma source(%dma_start3A_173 : memref<10000x160xbf16, #tpu.memory_space<vmem_shared>>) target(%dma_start3A_167 : memref<80x160xbf16, #tpu.memory_space<vmem>>) offsets(%dma_start3A_170 : memref<80xi32, #tpu.memory_space<vmem>>) semaphore(%arg18 : memref<!tpu.dma_semaphore, #tpu.memory_space<semaphore_mem>>)
    %dma_start3A_174 = arith.constant 0 : i32
    %dma_start3A_175 = arith.constant 0 : i32
    %dma_start3A_176 = arith.constant 0 : i32
    %dma_start3A_177 = arith.constant 0 : i32
    %dma_start3A_178 = tpu.memref_slice %arg13[%dma_start3A_175, %dma_start3A_176, %dma_start3A_177] : memref<2x80x160xbf16, #tpu.memory_space<vmem>> -> memref<1x80x160xbf16, #tpu.memory_space<vmem>>
    %dma_start3A_179 = tpu.memref_squeeze %dma_start3A_178 : memref<1x80x160xbf16, #tpu.memory_space<vmem>> -> memref<80x160xbf16, #tpu.memory_space<vmem>>
    %dma_start3A_180 = arith.constant 0 : i32
    %dma_start3A_181 = tpu.memref_slice %arg11[%dma_start3A_174, %dma_start3A_180] : memref<2x80xi32, #tpu.memory_space<vmem>> -> memref<1x80xi32, #tpu.memory_space<vmem>>
    %dma_start3A_182 = tpu.memref_squeeze %dma_start3A_181 : memref<1x80xi32, #tpu.memory_space<vmem>> -> memref<80xi32, #tpu.memory_space<vmem>>
    %dma_start3A_183 = arith.constant 0 : i32
    %dma_start3A_184 = arith.constant 0 : i32
    %dma_start3A_185 = tpu.memref_slice %arg15[%dma_start3A_183, %dma_start3A_184] : memref<10000x160xbf16, #tpu.memory_space<vmem_shared>> -> memref<10000x160xbf16, #tpu.memory_space<vmem_shared>>
    tpu.enqueue_indirect_dma source(%dma_start3A_185 : memref<10000x160xbf16, #tpu.memory_space<vmem_shared>>) target(%dma_start3A_179 : memref<80x160xbf16, #tpu.memory_space<vmem>>) offsets(%dma_start3A_182 : memref<80xi32, #tpu.memory_space<vmem>>) semaphore(%arg18 : memref<!tpu.dma_semaphore, #tpu.memory_space<semaphore_mem>>)
    %dma_wait3A_186 = arith.constant 0 : i32
    %dma_wait3A_187 = arith.constant 0 : i32
    %dma_wait3A_188 = arith.constant 0 : i32
    %dma_wait3A_189 = tpu.memref_slice %arg12[%dma_wait3A_186, %dma_wait3A_187, %dma_wait3A_188] : memref<2x80x160xbf16, #tpu.memory_space<vmem>> -> memref<1x80x160xbf16, #tpu.memory_space<vmem>>
    %dma_wait3A_190 = tpu.memref_squeeze %dma_wait3A_189 : memref<1x80x160xbf16, #tpu.memory_space<vmem>> -> memref<80x160xbf16, #tpu.memory_space<vmem>>
    %dma_wait3A_191 = arith.constant 0 : i32
    %dma_wait3A_192 = arith.constant 0 : i32
    %dma_wait3A_193 = tpu.memref_slice %arg14[%dma_wait3A_191, %dma_wait3A_192] : memref<10000x160xbf16, #tpu.memory_space<vmem_shared>> -> memref<80x160xbf16, #tpu.memory_space<vmem_shared>>
    %dma_wait3A_194 = arith.constant 0 : i32
    %dma_wait3A_195 = arith.constant 0 : i32
    %dma_wait3A_196 = tpu.memref_slice %arg12[%dma_wait3A_186, %dma_wait3A_194, %dma_wait3A_195] : memref<2x80x160xbf16, #tpu.memory_space<vmem>> -> memref<1x80x160xbf16, #tpu.memory_space<vmem>>
    %dma_wait3A_197 = tpu.memref_squeeze %dma_wait3A_196 : memref<1x80x160xbf16, #tpu.memory_space<vmem>> -> memref<80x160xbf16, #tpu.memory_space<vmem>>
    %dma_wait3A_198 = arith.constant 0 : i32
    %dma_wait3A_199 = arith.constant 0 : i32
    %dma_wait3A_200 = tpu.memref_slice %arg14[%dma_wait3A_198, %dma_wait3A_199] : memref<10000x160xbf16, #tpu.memory_space<vmem_shared>> -> memref<80x160xbf16, #tpu.memory_space<vmem_shared>>
    tpu.wait_dma2 semaphore(%arg18 : memref<!tpu.dma_semaphore, #tpu.memory_space<semaphore_mem>>) src(%dma_wait3A_200 : memref<80x160xbf16, #tpu.memory_space<vmem_shared>>) dst(%dma_wait3A_197 : memref<80x160xbf16, #tpu.memory_space<vmem>>)
    %dma_wait3A_201 = arith.constant 0 : i32
    %dma_wait3A_202 = arith.constant 0 : i32
    %dma_wait3A_203 = arith.constant 0 : i32
    %dma_wait3A_204 = tpu.memref_slice %arg13[%dma_wait3A_201, %dma_wait3A_202, %dma_wait3A_203] : memref<2x80x160xbf16, #tpu.memory_space<vmem>> -> memref<1x80x160xbf16, #tpu.memory_space<vmem>>
    %dma_wait3A_205 = tpu.memref_squeeze %dma_wait3A_204 : memref<1x80x160xbf16, #tpu.memory_space<vmem>> -> memref<80x160xbf16, #tpu.memory_space<vmem>>
    %dma_wait3A_206 = arith.constant 0 : i32
    %dma_wait3A_207 = arith.constant 0 : i32
    %dma_wait3A_208 = tpu.memref_slice %arg14[%dma_wait3A_206, %dma_wait3A_207] : memref<10000x160xbf16, #tpu.memory_space<vmem_shared>> -> memref<80x160xbf16, #tpu.memory_space<vmem_shared>>
    %dma_wait3A_209 = arith.constant 0 : i32
    %dma_wait3A_210 = arith.constant 0 : i32
    %dma_wait3A_211 = tpu.memref_slice %arg13[%dma_wait3A_201, %dma_wait3A_209, %dma_wait3A_210] : memref<2x80x160xbf16, #tpu.memory_space<vmem>> -> memref<1x80x160xbf16, #tpu.memory_space<vmem>>
    %dma_wait3A_212 = tpu.memref_squeeze %dma_wait3A_211 : memref<1x80x160xbf16, #tpu.memory_space<vmem>> -> memref<80x160xbf16, #tpu.memory_space<vmem>>
    %dma_wait3A_213 = arith.constant 0 : i32
    %dma_wait3A_214 = arith.constant 0 : i32
    %dma_wait3A_215 = tpu.memref_slice %arg14[%dma_wait3A_213, %dma_wait3A_214] : memref<10000x160xbf16, #tpu.memory_space<vmem_shared>> -> memref<80x160xbf16, #tpu.memory_space<vmem_shared>>
    tpu.wait_dma2 semaphore(%arg18 : memref<!tpu.dma_semaphore, #tpu.memory_space<semaphore_mem>>) src(%dma_wait3A_215 : memref<80x160xbf16, #tpu.memory_space<vmem_shared>>) dst(%dma_wait3A_212 : memref<80x160xbf16, #tpu.memory_space<vmem>>)
    %add3A_216 = arith.constant 9920 : i32
    %add3A_217 = arith.addi %mul3A_2, %add3A_216 : i32
    %dma_start3A_218 = arith.constant 0 : i32
    %dma_start3A_219 = arith.constant 0 : i32
    %dma_start3A_220 = arith.constant 0 : i32
    %dma_start3A_221 = tpu.memref_slice %arg12[%dma_start3A_218, %dma_start3A_219, %dma_start3A_220] : memref<2x80x160xbf16, #tpu.memory_space<vmem>> -> memref<1x80x160xbf16, #tpu.memory_space<vmem>>
    %dma_start3A_222 = tpu.memref_squeeze %dma_start3A_221 : memref<1x80x160xbf16, #tpu.memory_space<vmem>> -> memref<80x160xbf16, #tpu.memory_space<vmem>>
    %dma_start3A_223 = arith.constant 0 : i32
    %dma_start3A_224 = tpu.memref_slice %arg6[%add3A_217, %dma_start3A_223] : memref<320000x160xbf16, #tpu.memory_space<hbm>> -> memref<80x160xbf16, #tpu.memory_space<hbm>>
    %dma_start3A_225 = arith.constant 0 : i32
    %dma_start3A_226 = tpu.memref_slice %arg6[%add3A_217, %dma_start3A_225] : memref<320000x160xbf16, #tpu.memory_space<hbm>> -> memref<80x160xbf16, #tpu.memory_space<hbm>>
    %dma_start3A_227 = arith.constant 0 : i32
    %dma_start3A_228 = arith.constant 0 : i32
    %dma_start3A_229 = tpu.memref_slice %arg12[%dma_start3A_218, %dma_start3A_227, %dma_start3A_228] : memref<2x80x160xbf16, #tpu.memory_space<vmem>> -> memref<1x80x160xbf16, #tpu.memory_space<vmem>>
    %dma_start3A_230 = tpu.memref_squeeze %dma_start3A_229 : memref<1x80x160xbf16, #tpu.memory_space<vmem>> -> memref<80x160xbf16, #tpu.memory_space<vmem>>
    tpu.enqueue_dma source(%dma_start3A_230 : memref<80x160xbf16, #tpu.memory_space<vmem>>) target(%dma_start3A_226 : memref<80x160xbf16, #tpu.memory_space<hbm>>) target_semaphore(%arg19 : memref<!tpu.dma_semaphore, #tpu.memory_space<semaphore_mem>>)
    %dma_start3A_231 = arith.constant 0 : i32
    %dma_start3A_232 = arith.constant 0 : i32
    %dma_start3A_233 = arith.constant 0 : i32
    %dma_start3A_234 = tpu.memref_slice %arg13[%dma_start3A_231, %dma_start3A_232, %dma_start3A_233] : memref<2x80x160xbf16, #tpu.memory_space<vmem>> -> memref<1x80x160xbf16, #tpu.memory_space<vmem>>
    %dma_start3A_235 = tpu.memref_squeeze %dma_start3A_234 : memref<1x80x160xbf16, #tpu.memory_space<vmem>> -> memref<80x160xbf16, #tpu.memory_space<vmem>>
    %dma_start3A_236 = arith.constant 0 : i32
    %dma_start3A_237 = tpu.memref_slice %arg7[%add3A_217, %dma_start3A_236] : memref<320000x160xbf16, #tpu.memory_space<hbm>> -> memref<80x160xbf16, #tpu.memory_space<hbm>>
    %dma_start3A_238 = arith.constant 0 : i32
    %dma_start3A_239 = tpu.memref_slice %arg7[%add3A_217, %dma_start3A_238] : memref<320000x160xbf16, #tpu.memory_space<hbm>> -> memref<80x160xbf16, #tpu.memory_space<hbm>>
    %dma_start3A_240 = arith.constant 0 : i32
    %dma_start3A_241 = arith.constant 0 : i32
    %dma_start3A_242 = tpu.memref_slice %arg13[%dma_start3A_231, %dma_start3A_240, %dma_start3A_241] : memref<2x80x160xbf16, #tpu.memory_space<vmem>> -> memref<1x80x160xbf16, #tpu.memory_space<vmem>>
    %dma_start3A_243 = tpu.memref_squeeze %dma_start3A_242 : memref<1x80x160xbf16, #tpu.memory_space<vmem>> -> memref<80x160xbf16, #tpu.memory_space<vmem>>
    tpu.enqueue_dma source(%dma_start3A_243 : memref<80x160xbf16, #tpu.memory_space<vmem>>) target(%dma_start3A_239 : memref<80x160xbf16, #tpu.memory_space<hbm>>) target_semaphore(%arg19 : memref<!tpu.dma_semaphore, #tpu.memory_space<semaphore_mem>>)
    %dma_wait3A_244 = arith.constant 0 : i32
    %dma_wait3A_245 = arith.constant 0 : i32
    %dma_wait3A_246 = arith.constant 0 : i32
    %dma_wait3A_247 = tpu.memref_slice %arg12[%dma_wait3A_244, %dma_wait3A_245, %dma_wait3A_246] : memref<2x80x160xbf16, #tpu.memory_space<vmem>> -> memref<1x80x160xbf16, #tpu.memory_space<vmem>>
    %dma_wait3A_248 = tpu.memref_squeeze %dma_wait3A_247 : memref<1x80x160xbf16, #tpu.memory_space<vmem>> -> memref<80x160xbf16, #tpu.memory_space<vmem>>
    %dma_wait3A_249 = arith.constant 0 : i32
    %dma_wait3A_250 = arith.constant 0 : i32
    %dma_wait3A_251 = tpu.memref_slice %arg6[%dma_wait3A_249, %dma_wait3A_250] : memref<320000x160xbf16, #tpu.memory_space<hbm>> -> memref<80x160xbf16, #tpu.memory_space<hbm>>
    %dma_wait3A_252 = arith.constant 0 : i32
    %dma_wait3A_253 = arith.constant 0 : i32
    %dma_wait3A_254 = tpu.memref_slice %arg6[%dma_wait3A_252, %dma_wait3A_253] : memref<320000x160xbf16, #tpu.memory_space<hbm>> -> memref<80x160xbf16, #tpu.memory_space<hbm>>
    %dma_wait3A_255 = arith.constant 0 : i32
    %dma_wait3A_256 = arith.constant 0 : i32
    %dma_wait3A_257 = tpu.memref_slice %arg12[%dma_wait3A_244, %dma_wait3A_255, %dma_wait3A_256] : memref<2x80x160xbf16, #tpu.memory_space<vmem>> -> memref<1x80x160xbf16, #tpu.memory_space<vmem>>
    %dma_wait3A_258 = tpu.memref_squeeze %dma_wait3A_257 : memref<1x80x160xbf16, #tpu.memory_space<vmem>> -> memref<80x160xbf16, #tpu.memory_space<vmem>>
    tpu.wait_dma2 semaphore(%arg19 : memref<!tpu.dma_semaphore, #tpu.memory_space<semaphore_mem>>) src(%dma_wait3A_258 : memref<80x160xbf16, #tpu.memory_space<vmem>>) dst(%dma_wait3A_254 : memref<80x160xbf16, #tpu.memory_space<hbm>>)
    %dma_wait3A_259 = arith.constant 0 : i32
    %dma_wait3A_260 = arith.constant 0 : i32
    %dma_wait3A_261 = arith.constant 0 : i32
    %dma_wait3A_262 = tpu.memref_slice %arg13[%dma_wait3A_259, %dma_wait3A_260, %dma_wait3A_261] : memref<2x80x160xbf16, #tpu.memory_space<vmem>> -> memref<1x80x160xbf16, #tpu.memory_space<vmem>>
    %dma_wait3A_263 = tpu.memref_squeeze %dma_wait3A_262 : memref<1x80x160xbf16, #tpu.memory_space<vmem>> -> memref<80x160xbf16, #tpu.memory_space<vmem>>
    %dma_wait3A_264 = arith.constant 0 : i32
    %dma_wait3A_265 = arith.constant 0 : i32
    %dma_wait3A_266 = tpu.memref_slice %arg7[%dma_wait3A_264, %dma_wait3A_265] : memref<320000x160xbf16, #tpu.memory_space<hbm>> -> memref<80x160xbf16, #tpu.memory_space<hbm>>
    %dma_wait3A_267 = arith.constant 0 : i32
    %dma_wait3A_268 = arith.constant 0 : i32
    %dma_wait3A_269 = tpu.memref_slice %arg7[%dma_wait3A_267, %dma_wait3A_268] : memref<320000x160xbf16, #tpu.memory_space<hbm>> -> memref<80x160xbf16, #tpu.memory_space<hbm>>
    %dma_wait3A_270 = arith.constant 0 : i32
    %dma_wait3A_271 = arith.constant 0 : i32
    %dma_wait3A_272 = tpu.memref_slice %arg13[%dma_wait3A_259, %dma_wait3A_270, %dma_wait3A_271] : memref<2x80x160xbf16, #tpu.memory_space<vmem>> -> memref<1x80x160xbf16, #tpu.memory_space<vmem>>
    %dma_wait3A_273 = tpu.memref_squeeze %dma_wait3A_272 : memref<1x80x160xbf16, #tpu.memory_space<vmem>> -> memref<80x160xbf16, #tpu.memory_space<vmem>>
    tpu.wait_dma2 semaphore(%arg19 : memref<!tpu.dma_semaphore, #tpu.memory_space<semaphore_mem>>) src(%dma_wait3A_273 : memref<80x160xbf16, #tpu.memory_space<vmem>>) dst(%dma_wait3A_269 : memref<80x160xbf16, #tpu.memory_space<hbm>>)
    %dma_wait3A_274 = arith.constant 1 : i32
    %dma_wait3A_275 = arith.constant 0 : i32
    %dma_wait3A_276 = arith.constant 0 : i32
    %dma_wait3A_277 = tpu.memref_slice %arg12[%dma_wait3A_274, %dma_wait3A_275, %dma_wait3A_276] : memref<2x80x160xbf16, #tpu.memory_space<vmem>> -> memref<1x80x160xbf16, #tpu.memory_space<vmem>>
    %dma_wait3A_278 = tpu.memref_squeeze %dma_wait3A_277 : memref<1x80x160xbf16, #tpu.memory_space<vmem>> -> memref<80x160xbf16, #tpu.memory_space<vmem>>
    %dma_wait3A_279 = arith.constant 0 : i32
    %dma_wait3A_280 = arith.constant 0 : i32
    %dma_wait3A_281 = tpu.memref_slice %arg6[%dma_wait3A_279, %dma_wait3A_280] : memref<320000x160xbf16, #tpu.memory_space<hbm>> -> memref<80x160xbf16, #tpu.memory_space<hbm>>
    %dma_wait3A_282 = arith.constant 0 : i32
    %dma_wait3A_283 = arith.constant 0 : i32
    %dma_wait3A_284 = tpu.memref_slice %arg6[%dma_wait3A_282, %dma_wait3A_283] : memref<320000x160xbf16, #tpu.memory_space<hbm>> -> memref<80x160xbf16, #tpu.memory_space<hbm>>
    %dma_wait3A_285 = arith.constant 0 : i32
    %dma_wait3A_286 = arith.constant 0 : i32
    %dma_wait3A_287 = tpu.memref_slice %arg12[%dma_wait3A_274, %dma_wait3A_285, %dma_wait3A_286] : memref<2x80x160xbf16, #tpu.memory_space<vmem>> -> memref<1x80x160xbf16, #tpu.memory_space<vmem>>
    %dma_wait3A_288 = tpu.memref_squeeze %dma_wait3A_287 : memref<1x80x160xbf16, #tpu.memory_space<vmem>> -> memref<80x160xbf16, #tpu.memory_space<vmem>>
    tpu.wait_dma2 semaphore(%arg20 : memref<!tpu.dma_semaphore, #tpu.memory_space<semaphore_mem>>) src(%dma_wait3A_288 : memref<80x160xbf16, #tpu.memory_space<vmem>>) dst(%dma_wait3A_284 : memref<80x160xbf16, #tpu.memory_space<hbm>>)
    %dma_wait3A_289 = arith.constant 1 : i32
    %dma_wait3A_290 = arith.constant 0 : i32
    %dma_wait3A_291 = arith.constant 0 : i32
    %dma_wait3A_292 = tpu.memref_slice %arg13[%dma_wait3A_289, %dma_wait3A_290, %dma_wait3A_291] : memref<2x80x160xbf16, #tpu.memory_space<vmem>> -> memref<1x80x160xbf16, #tpu.memory_space<vmem>>
    %dma_wait3A_293 = tpu.memref_squeeze %dma_wait3A_292 : memref<1x80x160xbf16, #tpu.memory_space<vmem>> -> memref<80x160xbf16, #tpu.memory_space<vmem>>
    %dma_wait3A_294 = arith.constant 0 : i32
    %dma_wait3A_295 = arith.constant 0 : i32
    %dma_wait3A_296 = tpu.memref_slice %arg7[%dma_wait3A_294, %dma_wait3A_295] : memref<320000x160xbf16, #tpu.memory_space<hbm>> -> memref<80x160xbf16, #tpu.memory_space<hbm>>
    %dma_wait3A_297 = arith.constant 0 : i32
    %dma_wait3A_298 = arith.constant 0 : i32
    %dma_wait3A_299 = tpu.memref_slice %arg7[%dma_wait3A_297, %dma_wait3A_298] : memref<320000x160xbf16, #tpu.memory_space<hbm>> -> memref<80x160xbf16, #tpu.memory_space<hbm>>
    %dma_wait3A_300 = arith.constant 0 : i32
    %dma_wait3A_301 = arith.constant 0 : i32
    %dma_wait3A_302 = tpu.memref_slice %arg13[%dma_wait3A_289, %dma_wait3A_300, %dma_wait3A_301] : memref<2x80x160xbf16, #tpu.memory_space<vmem>> -> memref<1x80x160xbf16, #tpu.memory_space<vmem>>
    %dma_wait3A_303 = tpu.memref_squeeze %dma_wait3A_302 : memref<1x80x160xbf16, #tpu.memory_space<vmem>> -> memref<80x160xbf16, #tpu.memory_space<vmem>>
    tpu.wait_dma2 semaphore(%arg20 : memref<!tpu.dma_semaphore, #tpu.memory_space<semaphore_mem>>) src(%dma_wait3A_303 : memref<80x160xbf16, #tpu.memory_space<vmem>>) dst(%dma_wait3A_299 : memref<80x160xbf16, #tpu.memory_space<hbm>>)
    return
  }
}

#map = affine_map<(d0, d1) -> (0, 0)>
#map1 = affine_map<(d0, d1) -> (0)>
module attributes {stable_mosaic.version = 14 : i64} {
  func.func @k(%arg0: i32, %arg1: i32, %arg2: memref<320000x128xf32, #tpu.memory_space<hbm>>, %arg3: memref<320000x32xf32, #tpu.memory_space<hbm>>, %arg4: memref<320000xi32, #tpu.memory_space<hbm>>, %arg5: memref<625x128xf32, #tpu.memory_space<hbm>>, %arg6: memref<625x32xf32, #tpu.memory_space<hbm>>, %arg7: memref<20000x128xf32, #tpu.memory_space<hbm>>, %arg8: memref<20000x32xf32, #tpu.memory_space<hbm>>, %arg9: memref<2x80xi32, #tpu.memory_space<vmem>>, %arg10: memref<2x80x128xf32, #tpu.memory_space<vmem>>, %arg11: memref<2x80x32xf32, #tpu.memory_space<vmem>>, %arg12: memref<10000x128xf32, #tpu.memory_space<vmem_shared>>, %arg13: memref<10000x32xf32, #tpu.memory_space<vmem_shared>>, %arg14: memref<!tpu.dma_semaphore, #tpu.memory_space<semaphore_mem>>, %arg15: memref<!tpu.dma_semaphore, #tpu.memory_space<semaphore_mem>>) attributes {dimension_semantics = [#tpu.dimension_semantics<core_parallel>, #tpu.dimension_semantics<subcore_parallel>], iteration_bounds = array<i64: 2, 16>, scalar_prefetch = 0 : i64, scratch_operands = 7 : i64, tpu.core_type = #tpu.core_type<sc_vector_subcore>, window_params = [{transform_indices = #map}, {transform_indices = #map}, {transform_indices = #map1}, {transform_indices = #map}, {transform_indices = #map}, {transform_indices = #map}, {transform_indices = #map}]} {
    %mul3A = arith.constant 2 : i32
    %mul3A_0 = arith.muli %arg1, %mul3A : i32
    %add3A = arith.addi %mul3A_0, %arg0 : i32
    %mul3A_1 = arith.constant 10000 : i32
    %mul3A_2 = arith.muli %add3A, %mul3A_1 : i32
    %mul3A_3 = arith.constant 625 : i32
    %mul3A_4 = arith.muli %arg1, %mul3A_3 : i32
    "tpu.region"() ({
      %run_scoped3A_106 = tpu.sem_alloc : memref<!tpu.dma_semaphore, #tpu.memory_space<semaphore_mem>>
      %dma_start3A_107 = arith.constant 0 : i32
      %dma_start3A_108 = tpu.memref_slice %arg12[%mul3A_4, %dma_start3A_107] : memref<10000x128xf32, #tpu.memory_space<vmem_shared>> -> memref<625x128xf32, #tpu.memory_space<vmem_shared>>
      tpu.enqueue_dma source(%arg5 : memref<625x128xf32, #tpu.memory_space<hbm>>) target(%dma_start3A_108 : memref<625x128xf32, #tpu.memory_space<vmem_shared>>) target_semaphore(%run_scoped3A_106 : memref<!tpu.dma_semaphore, #tpu.memory_space<semaphore_mem>>)
      %dma_wait3A_109 = arith.constant 0 : i32
      %dma_wait3A_110 = tpu.memref_slice %arg12[%mul3A_4, %dma_wait3A_109] : memref<10000x128xf32, #tpu.memory_space<vmem_shared>> -> memref<625x128xf32, #tpu.memory_space<vmem_shared>>
      tpu.wait_dma2 semaphore(%run_scoped3A_106 : memref<!tpu.dma_semaphore, #tpu.memory_space<semaphore_mem>>) src(%arg5 : memref<625x128xf32, #tpu.memory_space<hbm>>) dst(%dma_wait3A_110 : memref<625x128xf32, #tpu.memory_space<vmem_shared>>)
      tpu.yield
    }) : () -> ()
    %mul3A_5 = arith.constant 625 : i32
    %mul3A_6 = arith.muli %arg1, %mul3A_5 : i32
    "tpu.region"() ({
      %run_scoped3A_106 = tpu.sem_alloc : memref<!tpu.dma_semaphore, #tpu.memory_space<semaphore_mem>>
      %dma_start3A_107 = arith.constant 0 : i32
      %dma_start3A_108 = tpu.memref_slice %arg13[%mul3A_6, %dma_start3A_107] : memref<10000x32xf32, #tpu.memory_space<vmem_shared>> -> memref<625x32xf32, #tpu.memory_space<vmem_shared>>
      tpu.enqueue_dma source(%arg6 : memref<625x32xf32, #tpu.memory_space<hbm>>) target(%dma_start3A_108 : memref<625x32xf32, #tpu.memory_space<vmem_shared>>) target_semaphore(%run_scoped3A_106 : memref<!tpu.dma_semaphore, #tpu.memory_space<semaphore_mem>>)
      %dma_wait3A_109 = arith.constant 0 : i32
      %dma_wait3A_110 = tpu.memref_slice %arg13[%mul3A_6, %dma_wait3A_109] : memref<10000x32xf32, #tpu.memory_space<vmem_shared>> -> memref<625x32xf32, #tpu.memory_space<vmem_shared>>
      tpu.wait_dma2 semaphore(%run_scoped3A_106 : memref<!tpu.dma_semaphore, #tpu.memory_space<semaphore_mem>>) src(%arg6 : memref<625x32xf32, #tpu.memory_space<hbm>>) dst(%dma_wait3A_110 : memref<625x32xf32, #tpu.memory_space<vmem_shared>>)
      tpu.yield
    }) : () -> ()
    %barrier3A = arith.constant 0 : index
    tpu.barrier barrier_id(%barrier3A)
    %add3A_7 = arith.constant 0 : i32
    %add3A_8 = arith.addi %mul3A_2, %add3A_7 : i32
    %dma_start3A = arith.constant 0 : i32
    %dma_start3A_9 = arith.constant 0 : i32
    %dma_start3A_10 = tpu.memref_slice %arg9[%dma_start3A, %dma_start3A_9] : memref<2x80xi32, #tpu.memory_space<vmem>> -> memref<1x80xi32, #tpu.memory_space<vmem>>
    %dma_start3A_11 = tpu.memref_squeeze %dma_start3A_10 : memref<1x80xi32, #tpu.memory_space<vmem>> -> memref<80xi32, #tpu.memory_space<vmem>>
    %dma_start3A_12 = tpu.memref_slice %arg4[%add3A_8] : memref<320000xi32, #tpu.memory_space<hbm>> -> memref<80xi32, #tpu.memory_space<hbm>>
    %dma_start3A_13 = arith.constant 0 : i32
    %dma_start3A_14 = tpu.memref_slice %arg9[%dma_start3A, %dma_start3A_13] : memref<2x80xi32, #tpu.memory_space<vmem>> -> memref<1x80xi32, #tpu.memory_space<vmem>>
    %dma_start3A_15 = tpu.memref_squeeze %dma_start3A_14 : memref<1x80xi32, #tpu.memory_space<vmem>> -> memref<80xi32, #tpu.memory_space<vmem>>
    %dma_start3A_16 = tpu.memref_slice %arg4[%add3A_8] : memref<320000xi32, #tpu.memory_space<hbm>> -> memref<80xi32, #tpu.memory_space<hbm>>
    tpu.enqueue_dma source(%dma_start3A_16 : memref<80xi32, #tpu.memory_space<hbm>>) target(%dma_start3A_15 : memref<80xi32, #tpu.memory_space<vmem>>) target_semaphore(%arg14 : memref<!tpu.dma_semaphore, #tpu.memory_space<semaphore_mem>>)
    %dma_start3A_17 = arith.constant 0 : i32
    %dma_start3A_18 = arith.constant 0 : i32
    %dma_start3A_19 = arith.constant 0 : i32
    %dma_start3A_20 = tpu.memref_slice %arg10[%dma_start3A_17, %dma_start3A_18, %dma_start3A_19] : memref<2x80x128xf32, #tpu.memory_space<vmem>> -> memref<1x80x128xf32, #tpu.memory_space<vmem>>
    %dma_start3A_21 = tpu.memref_squeeze %dma_start3A_20 : memref<1x80x128xf32, #tpu.memory_space<vmem>> -> memref<80x128xf32, #tpu.memory_space<vmem>>
    %dma_start3A_22 = arith.constant 0 : i32
    %dma_start3A_23 = tpu.memref_slice %arg2[%add3A_8, %dma_start3A_22] : memref<320000x128xf32, #tpu.memory_space<hbm>> -> memref<80x128xf32, #tpu.memory_space<hbm>>
    %dma_start3A_24 = arith.constant 0 : i32
    %dma_start3A_25 = arith.constant 0 : i32
    %dma_start3A_26 = tpu.memref_slice %arg10[%dma_start3A_17, %dma_start3A_24, %dma_start3A_25] : memref<2x80x128xf32, #tpu.memory_space<vmem>> -> memref<1x80x128xf32, #tpu.memory_space<vmem>>
    %dma_start3A_27 = tpu.memref_squeeze %dma_start3A_26 : memref<1x80x128xf32, #tpu.memory_space<vmem>> -> memref<80x128xf32, #tpu.memory_space<vmem>>
    %dma_start3A_28 = arith.constant 0 : i32
    %dma_start3A_29 = tpu.memref_slice %arg2[%add3A_8, %dma_start3A_28] : memref<320000x128xf32, #tpu.memory_space<hbm>> -> memref<80x128xf32, #tpu.memory_space<hbm>>
    tpu.enqueue_dma source(%dma_start3A_29 : memref<80x128xf32, #tpu.memory_space<hbm>>) target(%dma_start3A_27 : memref<80x128xf32, #tpu.memory_space<vmem>>) target_semaphore(%arg14 : memref<!tpu.dma_semaphore, #tpu.memory_space<semaphore_mem>>)
    %dma_start3A_30 = arith.constant 0 : i32
    %dma_start3A_31 = arith.constant 0 : i32
    %dma_start3A_32 = arith.constant 0 : i32
    %dma_start3A_33 = tpu.memref_slice %arg11[%dma_start3A_30, %dma_start3A_31, %dma_start3A_32] : memref<2x80x32xf32, #tpu.memory_space<vmem>> -> memref<1x80x32xf32, #tpu.memory_space<vmem>>
    %dma_start3A_34 = tpu.memref_squeeze %dma_start3A_33 : memref<1x80x32xf32, #tpu.memory_space<vmem>> -> memref<80x32xf32, #tpu.memory_space<vmem>>
    %dma_start3A_35 = arith.constant 0 : i32
    %dma_start3A_36 = tpu.memref_slice %arg3[%add3A_8, %dma_start3A_35] : memref<320000x32xf32, #tpu.memory_space<hbm>> -> memref<80x32xf32, #tpu.memory_space<hbm>>
    %dma_start3A_37 = arith.constant 0 : i32
    %dma_start3A_38 = arith.constant 0 : i32
    %dma_start3A_39 = tpu.memref_slice %arg11[%dma_start3A_30, %dma_start3A_37, %dma_start3A_38] : memref<2x80x32xf32, #tpu.memory_space<vmem>> -> memref<1x80x32xf32, #tpu.memory_space<vmem>>
    %dma_start3A_40 = tpu.memref_squeeze %dma_start3A_39 : memref<1x80x32xf32, #tpu.memory_space<vmem>> -> memref<80x32xf32, #tpu.memory_space<vmem>>
    %dma_start3A_41 = arith.constant 0 : i32
    %dma_start3A_42 = tpu.memref_slice %arg3[%add3A_8, %dma_start3A_41] : memref<320000x32xf32, #tpu.memory_space<hbm>> -> memref<80x32xf32, #tpu.memory_space<hbm>>
    tpu.enqueue_dma source(%dma_start3A_42 : memref<80x32xf32, #tpu.memory_space<hbm>>) target(%dma_start3A_40 : memref<80x32xf32, #tpu.memory_space<vmem>>) target_semaphore(%arg14 : memref<!tpu.dma_semaphore, #tpu.memory_space<semaphore_mem>>)
    %scan3A = arith.constant 0 : i32
    %scan3A_43 = arith.constant 0 : i32
    %scan3A_44 = arith.constant 62 : i32
    %scan3A_45 = arith.addi %scan3A_43, %scan3A_44 : i32
    %scan3A_46 = arith.constant 1 : i32
    scf.for %scan3A_106 = %scan3A_43 to %scan3A_45 step %scan3A_46  : i32 {
      %mul3A_107 = arith.constant 2 : i32
      %mul3A_108 = arith.muli %mul3A_107, %scan3A_106 : i32
      %add3A_109 = arith.constant 1 : i32
      %add3A_110 = arith.addi %mul3A_108, %add3A_109 : i32
      %mul3A_111 = arith.constant 80 : i32
      %mul3A_112 = arith.muli %add3A_110, %mul3A_111 : i32
      %add3A_113 = arith.addi %mul3A_2, %mul3A_112 : i32
      %dma_start3A_114 = arith.constant 1 : i32
      %dma_start3A_115 = arith.constant 0 : i32
      %dma_start3A_116 = tpu.memref_slice %arg9[%dma_start3A_114, %dma_start3A_115] : memref<2x80xi32, #tpu.memory_space<vmem>> -> memref<1x80xi32, #tpu.memory_space<vmem>>
      %dma_start3A_117 = tpu.memref_squeeze %dma_start3A_116 : memref<1x80xi32, #tpu.memory_space<vmem>> -> memref<80xi32, #tpu.memory_space<vmem>>
      %dma_start3A_118 = tpu.memref_slice %arg4[%add3A_113] : memref<320000xi32, #tpu.memory_space<hbm>> -> memref<80xi32, #tpu.memory_space<hbm>>
      %dma_start3A_119 = arith.constant 0 : i32
      %dma_start3A_120 = tpu.memref_slice %arg9[%dma_start3A_114, %dma_start3A_119] : memref<2x80xi32, #tpu.memory_space<vmem>> -> memref<1x80xi32, #tpu.memory_space<vmem>>
      %dma_start3A_121 = tpu.memref_squeeze %dma_start3A_120 : memref<1x80xi32, #tpu.memory_space<vmem>> -> memref<80xi32, #tpu.memory_space<vmem>>
      %dma_start3A_122 = tpu.memref_slice %arg4[%add3A_113] : memref<320000xi32, #tpu.memory_space<hbm>> -> memref<80xi32, #tpu.memory_space<hbm>>
      tpu.enqueue_dma source(%dma_start3A_122 : memref<80xi32, #tpu.memory_space<hbm>>) target(%dma_start3A_121 : memref<80xi32, #tpu.memory_space<vmem>>) target_semaphore(%arg15 : memref<!tpu.dma_semaphore, #tpu.memory_space<semaphore_mem>>)
      %dma_start3A_123 = arith.constant 1 : i32
      %dma_start3A_124 = arith.constant 0 : i32
      %dma_start3A_125 = arith.constant 0 : i32
      %dma_start3A_126 = tpu.memref_slice %arg10[%dma_start3A_123, %dma_start3A_124, %dma_start3A_125] : memref<2x80x128xf32, #tpu.memory_space<vmem>> -> memref<1x80x128xf32, #tpu.memory_space<vmem>>
      %dma_start3A_127 = tpu.memref_squeeze %dma_start3A_126 : memref<1x80x128xf32, #tpu.memory_space<vmem>> -> memref<80x128xf32, #tpu.memory_space<vmem>>
      %dma_start3A_128 = arith.constant 0 : i32
      %dma_start3A_129 = tpu.memref_slice %arg2[%add3A_113, %dma_start3A_128] : memref<320000x128xf32, #tpu.memory_space<hbm>> -> memref<80x128xf32, #tpu.memory_space<hbm>>
      %dma_start3A_130 = arith.constant 0 : i32
      %dma_start3A_131 = arith.constant 0 : i32
      %dma_start3A_132 = tpu.memref_slice %arg10[%dma_start3A_123, %dma_start3A_130, %dma_start3A_131] : memref<2x80x128xf32, #tpu.memory_space<vmem>> -> memref<1x80x128xf32, #tpu.memory_space<vmem>>
      %dma_start3A_133 = tpu.memref_squeeze %dma_start3A_132 : memref<1x80x128xf32, #tpu.memory_space<vmem>> -> memref<80x128xf32, #tpu.memory_space<vmem>>
      %dma_start3A_134 = arith.constant 0 : i32
      %dma_start3A_135 = tpu.memref_slice %arg2[%add3A_113, %dma_start3A_134] : memref<320000x128xf32, #tpu.memory_space<hbm>> -> memref<80x128xf32, #tpu.memory_space<hbm>>
      tpu.enqueue_dma source(%dma_start3A_135 : memref<80x128xf32, #tpu.memory_space<hbm>>) target(%dma_start3A_133 : memref<80x128xf32, #tpu.memory_space<vmem>>) target_semaphore(%arg15 : memref<!tpu.dma_semaphore, #tpu.memory_space<semaphore_mem>>)
      %dma_start3A_136 = arith.constant 1 : i32
      %dma_start3A_137 = arith.constant 0 : i32
      %dma_start3A_138 = arith.constant 0 : i32
      %dma_start3A_139 = tpu.memref_slice %arg11[%dma_start3A_136, %dma_start3A_137, %dma_start3A_138] : memref<2x80x32xf32, #tpu.memory_space<vmem>> -> memref<1x80x32xf32, #tpu.memory_space<vmem>>
      %dma_start3A_140 = tpu.memref_squeeze %dma_start3A_139 : memref<1x80x32xf32, #tpu.memory_space<vmem>> -> memref<80x32xf32, #tpu.memory_space<vmem>>
      %dma_start3A_141 = arith.constant 0 : i32
      %dma_start3A_142 = tpu.memref_slice %arg3[%add3A_113, %dma_start3A_141] : memref<320000x32xf32, #tpu.memory_space<hbm>> -> memref<80x32xf32, #tpu.memory_space<hbm>>
      %dma_start3A_143 = arith.constant 0 : i32
      %dma_start3A_144 = arith.constant 0 : i32
      %dma_start3A_145 = tpu.memref_slice %arg11[%dma_start3A_136, %dma_start3A_143, %dma_start3A_144] : memref<2x80x32xf32, #tpu.memory_space<vmem>> -> memref<1x80x32xf32, #tpu.memory_space<vmem>>
      %dma_start3A_146 = tpu.memref_squeeze %dma_start3A_145 : memref<1x80x32xf32, #tpu.memory_space<vmem>> -> memref<80x32xf32, #tpu.memory_space<vmem>>
      %dma_start3A_147 = arith.constant 0 : i32
      %dma_start3A_148 = tpu.memref_slice %arg3[%add3A_113, %dma_start3A_147] : memref<320000x32xf32, #tpu.memory_space<hbm>> -> memref<80x32xf32, #tpu.memory_space<hbm>>
      tpu.enqueue_dma source(%dma_start3A_148 : memref<80x32xf32, #tpu.memory_space<hbm>>) target(%dma_start3A_146 : memref<80x32xf32, #tpu.memory_space<vmem>>) target_semaphore(%arg15 : memref<!tpu.dma_semaphore, #tpu.memory_space<semaphore_mem>>)
      %dma_wait3A_149 = arith.constant 0 : i32
      %dma_wait3A_150 = arith.constant 0 : i32
      %dma_wait3A_151 = tpu.memref_slice %arg9[%dma_wait3A_149, %dma_wait3A_150] : memref<2x80xi32, #tpu.memory_space<vmem>> -> memref<1x80xi32, #tpu.memory_space<vmem>>
      %dma_wait3A_152 = tpu.memref_squeeze %dma_wait3A_151 : memref<1x80xi32, #tpu.memory_space<vmem>> -> memref<80xi32, #tpu.memory_space<vmem>>
      %dma_wait3A_153 = arith.constant 0 : i32
      %dma_wait3A_154 = tpu.memref_slice %arg4[%dma_wait3A_153] : memref<320000xi32, #tpu.memory_space<hbm>> -> memref<80xi32, #tpu.memory_space<hbm>>
      %dma_wait3A_155 = arith.constant 0 : i32
      %dma_wait3A_156 = tpu.memref_slice %arg9[%dma_wait3A_149, %dma_wait3A_155] : memref<2x80xi32, #tpu.memory_space<vmem>> -> memref<1x80xi32, #tpu.memory_space<vmem>>
      %dma_wait3A_157 = tpu.memref_squeeze %dma_wait3A_156 : memref<1x80xi32, #tpu.memory_space<vmem>> -> memref<80xi32, #tpu.memory_space<vmem>>
      %dma_wait3A_158 = arith.constant 0 : i32
      %dma_wait3A_159 = tpu.memref_slice %arg4[%dma_wait3A_158] : memref<320000xi32, #tpu.memory_space<hbm>> -> memref<80xi32, #tpu.memory_space<hbm>>
      tpu.wait_dma2 semaphore(%arg14 : memref<!tpu.dma_semaphore, #tpu.memory_space<semaphore_mem>>) src(%dma_wait3A_159 : memref<80xi32, #tpu.memory_space<hbm>>) dst(%dma_wait3A_157 : memref<80xi32, #tpu.memory_space<vmem>>)
      %dma_wait3A_160 = arith.constant 0 : i32
      %dma_wait3A_161 = arith.constant 0 : i32
      %dma_wait3A_162 = arith.constant 0 : i32
      %dma_wait3A_163 = tpu.memref_slice %arg10[%dma_wait3A_160, %dma_wait3A_161, %dma_wait3A_162] : memref<2x80x128xf32, #tpu.memory_space<vmem>> -> memref<1x80x128xf32, #tpu.memory_space<vmem>>
      %dma_wait3A_164 = tpu.memref_squeeze %dma_wait3A_163 : memref<1x80x128xf32, #tpu.memory_space<vmem>> -> memref<80x128xf32, #tpu.memory_space<vmem>>
      %dma_wait3A_165 = arith.constant 0 : i32
      %dma_wait3A_166 = arith.constant 0 : i32
      %dma_wait3A_167 = tpu.memref_slice %arg2[%dma_wait3A_165, %dma_wait3A_166] : memref<320000x128xf32, #tpu.memory_space<hbm>> -> memref<80x128xf32, #tpu.memory_space<hbm>>
      %dma_wait3A_168 = arith.constant 0 : i32
      %dma_wait3A_169 = arith.constant 0 : i32
      %dma_wait3A_170 = tpu.memref_slice %arg10[%dma_wait3A_160, %dma_wait3A_168, %dma_wait3A_169] : memref<2x80x128xf32, #tpu.memory_space<vmem>> -> memref<1x80x128xf32, #tpu.memory_space<vmem>>
      %dma_wait3A_171 = tpu.memref_squeeze %dma_wait3A_170 : memref<1x80x128xf32, #tpu.memory_space<vmem>> -> memref<80x128xf32, #tpu.memory_space<vmem>>
      %dma_wait3A_172 = arith.constant 0 : i32
      %dma_wait3A_173 = arith.constant 0 : i32
      %dma_wait3A_174 = tpu.memref_slice %arg2[%dma_wait3A_172, %dma_wait3A_173] : memref<320000x128xf32, #tpu.memory_space<hbm>> -> memref<80x128xf32, #tpu.memory_space<hbm>>
      tpu.wait_dma2 semaphore(%arg14 : memref<!tpu.dma_semaphore, #tpu.memory_space<semaphore_mem>>) src(%dma_wait3A_174 : memref<80x128xf32, #tpu.memory_space<hbm>>) dst(%dma_wait3A_171 : memref<80x128xf32, #tpu.memory_space<vmem>>)
      %dma_wait3A_175 = arith.constant 0 : i32
      %dma_wait3A_176 = arith.constant 0 : i32
      %dma_wait3A_177 = arith.constant 0 : i32
      %dma_wait3A_178 = tpu.memref_slice %arg11[%dma_wait3A_175, %dma_wait3A_176, %dma_wait3A_177] : memref<2x80x32xf32, #tpu.memory_space<vmem>> -> memref<1x80x32xf32, #tpu.memory_space<vmem>>
      %dma_wait3A_179 = tpu.memref_squeeze %dma_wait3A_178 : memref<1x80x32xf32, #tpu.memory_space<vmem>> -> memref<80x32xf32, #tpu.memory_space<vmem>>
      %dma_wait3A_180 = arith.constant 0 : i32
      %dma_wait3A_181 = arith.constant 0 : i32
      %dma_wait3A_182 = tpu.memref_slice %arg3[%dma_wait3A_180, %dma_wait3A_181] : memref<320000x32xf32, #tpu.memory_space<hbm>> -> memref<80x32xf32, #tpu.memory_space<hbm>>
      %dma_wait3A_183 = arith.constant 0 : i32
      %dma_wait3A_184 = arith.constant 0 : i32
      %dma_wait3A_185 = tpu.memref_slice %arg11[%dma_wait3A_175, %dma_wait3A_183, %dma_wait3A_184] : memref<2x80x32xf32, #tpu.memory_space<vmem>> -> memref<1x80x32xf32, #tpu.memory_space<vmem>>
      %dma_wait3A_186 = tpu.memref_squeeze %dma_wait3A_185 : memref<1x80x32xf32, #tpu.memory_space<vmem>> -> memref<80x32xf32, #tpu.memory_space<vmem>>
      %dma_wait3A_187 = arith.constant 0 : i32
      %dma_wait3A_188 = arith.constant 0 : i32
      %dma_wait3A_189 = tpu.memref_slice %arg3[%dma_wait3A_187, %dma_wait3A_188] : memref<320000x32xf32, #tpu.memory_space<hbm>> -> memref<80x32xf32, #tpu.memory_space<hbm>>
      tpu.wait_dma2 semaphore(%arg14 : memref<!tpu.dma_semaphore, #tpu.memory_space<semaphore_mem>>) src(%dma_wait3A_189 : memref<80x32xf32, #tpu.memory_space<hbm>>) dst(%dma_wait3A_186 : memref<80x32xf32, #tpu.memory_space<vmem>>)
      %run_scoped3A_190 = arith.constant 0 : i32
      %run_scoped3A_191 = arith.constant 0 : i32
      "tpu.region"() ({
        %run_scoped3A_281 = tpu.sem_alloc : memref<!tpu.dma_semaphore, #tpu.memory_space<semaphore_mem>>
        %dma_start3A_282 = arith.constant 0 : i32
        %dma_start3A_283 = arith.constant 0 : i32
        %dma_start3A_284 = tpu.memref_slice %arg10[%run_scoped3A_190, %dma_start3A_282, %dma_start3A_283] : memref<2x80x128xf32, #tpu.memory_space<vmem>> -> memref<1x80x128xf32, #tpu.memory_space<vmem>>
        %dma_start3A_285 = tpu.memref_squeeze %dma_start3A_284 : memref<1x80x128xf32, #tpu.memory_space<vmem>> -> memref<80x128xf32, #tpu.memory_space<vmem>>
        %dma_start3A_286 = arith.constant 0 : i32
        %dma_start3A_287 = tpu.memref_slice %arg9[%run_scoped3A_191, %dma_start3A_286] : memref<2x80xi32, #tpu.memory_space<vmem>> -> memref<1x80xi32, #tpu.memory_space<vmem>>
        %dma_start3A_288 = tpu.memref_squeeze %dma_start3A_287 : memref<1x80xi32, #tpu.memory_space<vmem>> -> memref<80xi32, #tpu.memory_space<vmem>>
        %dma_start3A_289 = arith.constant 0 : i32
        %dma_start3A_290 = arith.constant 0 : i32
        %dma_start3A_291 = tpu.memref_slice %arg12[%dma_start3A_289, %dma_start3A_290] : memref<10000x128xf32, #tpu.memory_space<vmem_shared>> -> memref<10000x128xf32, #tpu.memory_space<vmem_shared>>
        tpu.enqueue_indirect_dma source(%dma_start3A_285 : memref<80x128xf32, #tpu.memory_space<vmem>>) target(%dma_start3A_291 : memref<10000x128xf32, #tpu.memory_space<vmem_shared>>) offsets(%dma_start3A_288 : memref<80xi32, #tpu.memory_space<vmem>>) semaphore(%run_scoped3A_281 : memref<!tpu.dma_semaphore, #tpu.memory_space<semaphore_mem>>) {add = true}
        %dma_wait3A_292 = arith.constant 0 : i32
        %dma_wait3A_293 = arith.constant 0 : i32
        %dma_wait3A_294 = tpu.memref_slice %arg10[%run_scoped3A_190, %dma_wait3A_292, %dma_wait3A_293] : memref<2x80x128xf32, #tpu.memory_space<vmem>> -> memref<1x80x128xf32, #tpu.memory_space<vmem>>
        %dma_wait3A_295 = tpu.memref_squeeze %dma_wait3A_294 : memref<1x80x128xf32, #tpu.memory_space<vmem>> -> memref<80x128xf32, #tpu.memory_space<vmem>>
        %dma_wait3A_296 = arith.constant 0 : i32
        %dma_wait3A_297 = tpu.memref_slice %arg9[%run_scoped3A_191, %dma_wait3A_296] : memref<2x80xi32, #tpu.memory_space<vmem>> -> memref<1x80xi32, #tpu.memory_space<vmem>>
        %dma_wait3A_298 = tpu.memref_squeeze %dma_wait3A_297 : memref<1x80xi32, #tpu.memory_space<vmem>> -> memref<80xi32, #tpu.memory_space<vmem>>
        %dma_wait3A_299 = arith.constant 0 : i32
        %dma_wait3A_300 = arith.constant 0 : i32
        %dma_wait3A_301 = tpu.memref_slice %arg12[%dma_wait3A_299, %dma_wait3A_300] : memref<10000x128xf32, #tpu.memory_space<vmem_shared>> -> memref<10000x128xf32, #tpu.memory_space<vmem_shared>>
        tpu.wait_indirect_dma semaphore(%run_scoped3A_281 : memref<!tpu.dma_semaphore, #tpu.memory_space<semaphore_mem>>) src(%dma_wait3A_295 : memref<80x128xf32, #tpu.memory_space<vmem>>) dst(%dma_wait3A_301 : memref<10000x128xf32, #tpu.memory_space<vmem_shared>>)
        tpu.yield
      }) : () -> ()
      %run_scoped3A_192 = arith.constant 0 : i32
      %run_scoped3A_193 = arith.constant 0 : i32
      "tpu.region"() ({
        %run_scoped3A_281 = tpu.sem_alloc : memref<!tpu.dma_semaphore, #tpu.memory_space<semaphore_mem>>
        %dma_start3A_282 = arith.constant 0 : i32
        %dma_start3A_283 = arith.constant 0 : i32
        %dma_start3A_284 = tpu.memref_slice %arg11[%run_scoped3A_192, %dma_start3A_282, %dma_start3A_283] : memref<2x80x32xf32, #tpu.memory_space<vmem>> -> memref<1x80x32xf32, #tpu.memory_space<vmem>>
        %dma_start3A_285 = tpu.memref_squeeze %dma_start3A_284 : memref<1x80x32xf32, #tpu.memory_space<vmem>> -> memref<80x32xf32, #tpu.memory_space<vmem>>
        %dma_start3A_286 = arith.constant 0 : i32
        %dma_start3A_287 = tpu.memref_slice %arg9[%run_scoped3A_193, %dma_start3A_286] : memref<2x80xi32, #tpu.memory_space<vmem>> -> memref<1x80xi32, #tpu.memory_space<vmem>>
        %dma_start3A_288 = tpu.memref_squeeze %dma_start3A_287 : memref<1x80xi32, #tpu.memory_space<vmem>> -> memref<80xi32, #tpu.memory_space<vmem>>
        %dma_start3A_289 = arith.constant 0 : i32
        %dma_start3A_290 = arith.constant 0 : i32
        %dma_start3A_291 = tpu.memref_slice %arg13[%dma_start3A_289, %dma_start3A_290] : memref<10000x32xf32, #tpu.memory_space<vmem_shared>> -> memref<10000x32xf32, #tpu.memory_space<vmem_shared>>
        tpu.enqueue_indirect_dma source(%dma_start3A_285 : memref<80x32xf32, #tpu.memory_space<vmem>>) target(%dma_start3A_291 : memref<10000x32xf32, #tpu.memory_space<vmem_shared>>) offsets(%dma_start3A_288 : memref<80xi32, #tpu.memory_space<vmem>>) semaphore(%run_scoped3A_281 : memref<!tpu.dma_semaphore, #tpu.memory_space<semaphore_mem>>) {add = true}
        %dma_wait3A_292 = arith.constant 0 : i32
        %dma_wait3A_293 = arith.constant 0 : i32
        %dma_wait3A_294 = tpu.memref_slice %arg11[%run_scoped3A_192, %dma_wait3A_292, %dma_wait3A_293] : memref<2x80x32xf32, #tpu.memory_space<vmem>> -> memref<1x80x32xf32, #tpu.memory_space<vmem>>
        %dma_wait3A_295 = tpu.memref_squeeze %dma_wait3A_294 : memref<1x80x32xf32, #tpu.memory_space<vmem>> -> memref<80x32xf32, #tpu.memory_space<vmem>>
        %dma_wait3A_296 = arith.constant 0 : i32
        %dma_wait3A_297 = tpu.memref_slice %arg9[%run_scoped3A_193, %dma_wait3A_296] : memref<2x80xi32, #tpu.memory_space<vmem>> -> memref<1x80xi32, #tpu.memory_space<vmem>>
        %dma_wait3A_298 = tpu.memref_squeeze %dma_wait3A_297 : memref<1x80xi32, #tpu.memory_space<vmem>> -> memref<80xi32, #tpu.memory_space<vmem>>
        %dma_wait3A_299 = arith.constant 0 : i32
        %dma_wait3A_300 = arith.constant 0 : i32
        %dma_wait3A_301 = tpu.memref_slice %arg13[%dma_wait3A_299, %dma_wait3A_300] : memref<10000x32xf32, #tpu.memory_space<vmem_shared>> -> memref<10000x32xf32, #tpu.memory_space<vmem_shared>>
        tpu.wait_indirect_dma semaphore(%run_scoped3A_281 : memref<!tpu.dma_semaphore, #tpu.memory_space<semaphore_mem>>) src(%dma_wait3A_295 : memref<80x32xf32, #tpu.memory_space<vmem>>) dst(%dma_wait3A_301 : memref<10000x32xf32, #tpu.memory_space<vmem_shared>>)
        tpu.yield
      }) : () -> ()
      %add3A_194 = arith.constant 2 : i32
      %add3A_195 = arith.addi %mul3A_108, %add3A_194 : i32
      %mul3A_196 = arith.constant 80 : i32
      %mul3A_197 = arith.muli %add3A_195, %mul3A_196 : i32
      %add3A_198 = arith.addi %mul3A_2, %mul3A_197 : i32
      %dma_start3A_199 = arith.constant 0 : i32
      %dma_start3A_200 = arith.constant 0 : i32
      %dma_start3A_201 = tpu.memref_slice %arg9[%dma_start3A_199, %dma_start3A_200] : memref<2x80xi32, #tpu.memory_space<vmem>> -> memref<1x80xi32, #tpu.memory_space<vmem>>
      %dma_start3A_202 = tpu.memref_squeeze %dma_start3A_201 : memref<1x80xi32, #tpu.memory_space<vmem>> -> memref<80xi32, #tpu.memory_space<vmem>>
      %dma_start3A_203 = tpu.memref_slice %arg4[%add3A_198] : memref<320000xi32, #tpu.memory_space<hbm>> -> memref<80xi32, #tpu.memory_space<hbm>>
      %dma_start3A_204 = arith.constant 0 : i32
      %dma_start3A_205 = tpu.memref_slice %arg9[%dma_start3A_199, %dma_start3A_204] : memref<2x80xi32, #tpu.memory_space<vmem>> -> memref<1x80xi32, #tpu.memory_space<vmem>>
      %dma_start3A_206 = tpu.memref_squeeze %dma_start3A_205 : memref<1x80xi32, #tpu.memory_space<vmem>> -> memref<80xi32, #tpu.memory_space<vmem>>
      %dma_start3A_207 = tpu.memref_slice %arg4[%add3A_198] : memref<320000xi32, #tpu.memory_space<hbm>> -> memref<80xi32, #tpu.memory_space<hbm>>
      tpu.enqueue_dma source(%dma_start3A_207 : memref<80xi32, #tpu.memory_space<hbm>>) target(%dma_start3A_206 : memref<80xi32, #tpu.memory_space<vmem>>) target_semaphore(%arg14 : memref<!tpu.dma_semaphore, #tpu.memory_space<semaphore_mem>>)
      %dma_start3A_208 = arith.constant 0 : i32
      %dma_start3A_209 = arith.constant 0 : i32
      %dma_start3A_210 = arith.constant 0 : i32
      %dma_start3A_211 = tpu.memref_slice %arg10[%dma_start3A_208, %dma_start3A_209, %dma_start3A_210] : memref<2x80x128xf32, #tpu.memory_space<vmem>> -> memref<1x80x128xf32, #tpu.memory_space<vmem>>
      %dma_start3A_212 = tpu.memref_squeeze %dma_start3A_211 : memref<1x80x128xf32, #tpu.memory_space<vmem>> -> memref<80x128xf32, #tpu.memory_space<vmem>>
      %dma_start3A_213 = arith.constant 0 : i32
      %dma_start3A_214 = tpu.memref_slice %arg2[%add3A_198, %dma_start3A_213] : memref<320000x128xf32, #tpu.memory_space<hbm>> -> memref<80x128xf32, #tpu.memory_space<hbm>>
      %dma_start3A_215 = arith.constant 0 : i32
      %dma_start3A_216 = arith.constant 0 : i32
      %dma_start3A_217 = tpu.memref_slice %arg10[%dma_start3A_208, %dma_start3A_215, %dma_start3A_216] : memref<2x80x128xf32, #tpu.memory_space<vmem>> -> memref<1x80x128xf32, #tpu.memory_space<vmem>>
      %dma_start3A_218 = tpu.memref_squeeze %dma_start3A_217 : memref<1x80x128xf32, #tpu.memory_space<vmem>> -> memref<80x128xf32, #tpu.memory_space<vmem>>
      %dma_start3A_219 = arith.constant 0 : i32
      %dma_start3A_220 = tpu.memref_slice %arg2[%add3A_198, %dma_start3A_219] : memref<320000x128xf32, #tpu.memory_space<hbm>> -> memref<80x128xf32, #tpu.memory_space<hbm>>
      tpu.enqueue_dma source(%dma_start3A_220 : memref<80x128xf32, #tpu.memory_space<hbm>>) target(%dma_start3A_218 : memref<80x128xf32, #tpu.memory_space<vmem>>) target_semaphore(%arg14 : memref<!tpu.dma_semaphore, #tpu.memory_space<semaphore_mem>>)
      %dma_start3A_221 = arith.constant 0 : i32
      %dma_start3A_222 = arith.constant 0 : i32
      %dma_start3A_223 = arith.constant 0 : i32
      %dma_start3A_224 = tpu.memref_slice %arg11[%dma_start3A_221, %dma_start3A_222, %dma_start3A_223] : memref<2x80x32xf32, #tpu.memory_space<vmem>> -> memref<1x80x32xf32, #tpu.memory_space<vmem>>
      %dma_start3A_225 = tpu.memref_squeeze %dma_start3A_224 : memref<1x80x32xf32, #tpu.memory_space<vmem>> -> memref<80x32xf32, #tpu.memory_space<vmem>>
      %dma_start3A_226 = arith.constant 0 : i32
      %dma_start3A_227 = tpu.memref_slice %arg3[%add3A_198, %dma_start3A_226] : memref<320000x32xf32, #tpu.memory_space<hbm>> -> memref<80x32xf32, #tpu.memory_space<hbm>>
      %dma_start3A_228 = arith.constant 0 : i32
      %dma_start3A_229 = arith.constant 0 : i32
      %dma_start3A_230 = tpu.memref_slice %arg11[%dma_start3A_221, %dma_start3A_228, %dma_start3A_229] : memref<2x80x32xf32, #tpu.memory_space<vmem>> -> memref<1x80x32xf32, #tpu.memory_space<vmem>>
      %dma_start3A_231 = tpu.memref_squeeze %dma_start3A_230 : memref<1x80x32xf32, #tpu.memory_space<vmem>> -> memref<80x32xf32, #tpu.memory_space<vmem>>
      %dma_start3A_232 = arith.constant 0 : i32
      %dma_start3A_233 = tpu.memref_slice %arg3[%add3A_198, %dma_start3A_232] : memref<320000x32xf32, #tpu.memory_space<hbm>> -> memref<80x32xf32, #tpu.memory_space<hbm>>
      tpu.enqueue_dma source(%dma_start3A_233 : memref<80x32xf32, #tpu.memory_space<hbm>>) target(%dma_start3A_231 : memref<80x32xf32, #tpu.memory_space<vmem>>) target_semaphore(%arg14 : memref<!tpu.dma_semaphore, #tpu.memory_space<semaphore_mem>>)
      %add3A_234 = arith.constant 1 : i32
      %add3A_235 = arith.addi %mul3A_108, %add3A_234 : i32
      %dma_wait3A_236 = arith.constant 1 : i32
      %dma_wait3A_237 = arith.constant 0 : i32
      %dma_wait3A_238 = tpu.memref_slice %arg9[%dma_wait3A_236, %dma_wait3A_237] : memref<2x80xi32, #tpu.memory_space<vmem>> -> memref<1x80xi32, #tpu.memory_space<vmem>>
      %dma_wait3A_239 = tpu.memref_squeeze %dma_wait3A_238 : memref<1x80xi32, #tpu.memory_space<vmem>> -> memref<80xi32, #tpu.memory_space<vmem>>
      %dma_wait3A_240 = arith.constant 0 : i32
      %dma_wait3A_241 = tpu.memref_slice %arg4[%dma_wait3A_240] : memref<320000xi32, #tpu.memory_space<hbm>> -> memref<80xi32, #tpu.memory_space<hbm>>
      %dma_wait3A_242 = arith.constant 0 : i32
      %dma_wait3A_243 = tpu.memref_slice %arg9[%dma_wait3A_236, %dma_wait3A_242] : memref<2x80xi32, #tpu.memory_space<vmem>> -> memref<1x80xi32, #tpu.memory_space<vmem>>
      %dma_wait3A_244 = tpu.memref_squeeze %dma_wait3A_243 : memref<1x80xi32, #tpu.memory_space<vmem>> -> memref<80xi32, #tpu.memory_space<vmem>>
      %dma_wait3A_245 = arith.constant 0 : i32
      %dma_wait3A_246 = tpu.memref_slice %arg4[%dma_wait3A_245] : memref<320000xi32, #tpu.memory_space<hbm>> -> memref<80xi32, #tpu.memory_space<hbm>>
      tpu.wait_dma2 semaphore(%arg15 : memref<!tpu.dma_semaphore, #tpu.memory_space<semaphore_mem>>) src(%dma_wait3A_246 : memref<80xi32, #tpu.memory_space<hbm>>) dst(%dma_wait3A_244 : memref<80xi32, #tpu.memory_space<vmem>>)
      %dma_wait3A_247 = arith.constant 1 : i32
      %dma_wait3A_248 = arith.constant 0 : i32
      %dma_wait3A_249 = arith.constant 0 : i32
      %dma_wait3A_250 = tpu.memref_slice %arg10[%dma_wait3A_247, %dma_wait3A_248, %dma_wait3A_249] : memref<2x80x128xf32, #tpu.memory_space<vmem>> -> memref<1x80x128xf32, #tpu.memory_space<vmem>>
      %dma_wait3A_251 = tpu.memref_squeeze %dma_wait3A_250 : memref<1x80x128xf32, #tpu.memory_space<vmem>> -> memref<80x128xf32, #tpu.memory_space<vmem>>
      %dma_wait3A_252 = arith.constant 0 : i32
      %dma_wait3A_253 = arith.constant 0 : i32
      %dma_wait3A_254 = tpu.memref_slice %arg2[%dma_wait3A_252, %dma_wait3A_253] : memref<320000x128xf32, #tpu.memory_space<hbm>> -> memref<80x128xf32, #tpu.memory_space<hbm>>
      %dma_wait3A_255 = arith.constant 0 : i32
      %dma_wait3A_256 = arith.constant 0 : i32
      %dma_wait3A_257 = tpu.memref_slice %arg10[%dma_wait3A_247, %dma_wait3A_255, %dma_wait3A_256] : memref<2x80x128xf32, #tpu.memory_space<vmem>> -> memref<1x80x128xf32, #tpu.memory_space<vmem>>
      %dma_wait3A_258 = tpu.memref_squeeze %dma_wait3A_257 : memref<1x80x128xf32, #tpu.memory_space<vmem>> -> memref<80x128xf32, #tpu.memory_space<vmem>>
      %dma_wait3A_259 = arith.constant 0 : i32
      %dma_wait3A_260 = arith.constant 0 : i32
      %dma_wait3A_261 = tpu.memref_slice %arg2[%dma_wait3A_259, %dma_wait3A_260] : memref<320000x128xf32, #tpu.memory_space<hbm>> -> memref<80x128xf32, #tpu.memory_space<hbm>>
      tpu.wait_dma2 semaphore(%arg15 : memref<!tpu.dma_semaphore, #tpu.memory_space<semaphore_mem>>) src(%dma_wait3A_261 : memref<80x128xf32, #tpu.memory_space<hbm>>) dst(%dma_wait3A_258 : memref<80x128xf32, #tpu.memory_space<vmem>>)
      %dma_wait3A_262 = arith.constant 1 : i32
      %dma_wait3A_263 = arith.constant 0 : i32
      %dma_wait3A_264 = arith.constant 0 : i32
      %dma_wait3A_265 = tpu.memref_slice %arg11[%dma_wait3A_262, %dma_wait3A_263, %dma_wait3A_264] : memref<2x80x32xf32, #tpu.memory_space<vmem>> -> memref<1x80x32xf32, #tpu.memory_space<vmem>>
      %dma_wait3A_266 = tpu.memref_squeeze %dma_wait3A_265 : memref<1x80x32xf32, #tpu.memory_space<vmem>> -> memref<80x32xf32, #tpu.memory_space<vmem>>
      %dma_wait3A_267 = arith.constant 0 : i32
      %dma_wait3A_268 = arith.constant 0 : i32
      %dma_wait3A_269 = tpu.memref_slice %arg3[%dma_wait3A_267, %dma_wait3A_268] : memref<320000x32xf32, #tpu.memory_space<hbm>> -> memref<80x32xf32, #tpu.memory_space<hbm>>
      %dma_wait3A_270 = arith.constant 0 : i32
      %dma_wait3A_271 = arith.constant 0 : i32
      %dma_wait3A_272 = tpu.memref_slice %arg11[%dma_wait3A_262, %dma_wait3A_270, %dma_wait3A_271] : memref<2x80x32xf32, #tpu.memory_space<vmem>> -> memref<1x80x32xf32, #tpu.memory_space<vmem>>
      %dma_wait3A_273 = tpu.memref_squeeze %dma_wait3A_272 : memref<1x80x32xf32, #tpu.memory_space<vmem>> -> memref<80x32xf32, #tpu.memory_space<vmem>>
      %dma_wait3A_274 = arith.constant 0 : i32
      %dma_wait3A_275 = arith.constant 0 : i32
      %dma_wait3A_276 = tpu.memref_slice %arg3[%dma_wait3A_274, %dma_wait3A_275] : memref<320000x32xf32, #tpu.memory_space<hbm>> -> memref<80x32xf32, #tpu.memory_space<hbm>>
      tpu.wait_dma2 semaphore(%arg15 : memref<!tpu.dma_semaphore, #tpu.memory_space<semaphore_mem>>) src(%dma_wait3A_276 : memref<80x32xf32, #tpu.memory_space<hbm>>) dst(%dma_wait3A_273 : memref<80x32xf32, #tpu.memory_space<vmem>>)
      %run_scoped3A_277 = arith.constant 1 : i32
      %run_scoped3A_278 = arith.constant 1 : i32
      "tpu.region"() ({
        %run_scoped3A_281 = tpu.sem_alloc : memref<!tpu.dma_semaphore, #tpu.memory_space<semaphore_mem>>
        %dma_start3A_282 = arith.constant 0 : i32
        %dma_start3A_283 = arith.constant 0 : i32
        %dma_start3A_284 = tpu.memref_slice %arg10[%run_scoped3A_277, %dma_start3A_282, %dma_start3A_283] : memref<2x80x128xf32, #tpu.memory_space<vmem>> -> memref<1x80x128xf32, #tpu.memory_space<vmem>>
        %dma_start3A_285 = tpu.memref_squeeze %dma_start3A_284 : memref<1x80x128xf32, #tpu.memory_space<vmem>> -> memref<80x128xf32, #tpu.memory_space<vmem>>
        %dma_start3A_286 = arith.constant 0 : i32
        %dma_start3A_287 = tpu.memref_slice %arg9[%run_scoped3A_278, %dma_start3A_286] : memref<2x80xi32, #tpu.memory_space<vmem>> -> memref<1x80xi32, #tpu.memory_space<vmem>>
        %dma_start3A_288 = tpu.memref_squeeze %dma_start3A_287 : memref<1x80xi32, #tpu.memory_space<vmem>> -> memref<80xi32, #tpu.memory_space<vmem>>
        %dma_start3A_289 = arith.constant 0 : i32
        %dma_start3A_290 = arith.constant 0 : i32
        %dma_start3A_291 = tpu.memref_slice %arg12[%dma_start3A_289, %dma_start3A_290] : memref<10000x128xf32, #tpu.memory_space<vmem_shared>> -> memref<10000x128xf32, #tpu.memory_space<vmem_shared>>
        tpu.enqueue_indirect_dma source(%dma_start3A_285 : memref<80x128xf32, #tpu.memory_space<vmem>>) target(%dma_start3A_291 : memref<10000x128xf32, #tpu.memory_space<vmem_shared>>) offsets(%dma_start3A_288 : memref<80xi32, #tpu.memory_space<vmem>>) semaphore(%run_scoped3A_281 : memref<!tpu.dma_semaphore, #tpu.memory_space<semaphore_mem>>) {add = true}
        %dma_wait3A_292 = arith.constant 0 : i32
        %dma_wait3A_293 = arith.constant 0 : i32
        %dma_wait3A_294 = tpu.memref_slice %arg10[%run_scoped3A_277, %dma_wait3A_292, %dma_wait3A_293] : memref<2x80x128xf32, #tpu.memory_space<vmem>> -> memref<1x80x128xf32, #tpu.memory_space<vmem>>
        %dma_wait3A_295 = tpu.memref_squeeze %dma_wait3A_294 : memref<1x80x128xf32, #tpu.memory_space<vmem>> -> memref<80x128xf32, #tpu.memory_space<vmem>>
        %dma_wait3A_296 = arith.constant 0 : i32
        %dma_wait3A_297 = tpu.memref_slice %arg9[%run_scoped3A_278, %dma_wait3A_296] : memref<2x80xi32, #tpu.memory_space<vmem>> -> memref<1x80xi32, #tpu.memory_space<vmem>>
        %dma_wait3A_298 = tpu.memref_squeeze %dma_wait3A_297 : memref<1x80xi32, #tpu.memory_space<vmem>> -> memref<80xi32, #tpu.memory_space<vmem>>
        %dma_wait3A_299 = arith.constant 0 : i32
        %dma_wait3A_300 = arith.constant 0 : i32
        %dma_wait3A_301 = tpu.memref_slice %arg12[%dma_wait3A_299, %dma_wait3A_300] : memref<10000x128xf32, #tpu.memory_space<vmem_shared>> -> memref<10000x128xf32, #tpu.memory_space<vmem_shared>>
        tpu.wait_indirect_dma semaphore(%run_scoped3A_281 : memref<!tpu.dma_semaphore, #tpu.memory_space<semaphore_mem>>) src(%dma_wait3A_295 : memref<80x128xf32, #tpu.memory_space<vmem>>) dst(%dma_wait3A_301 : memref<10000x128xf32, #tpu.memory_space<vmem_shared>>)
        tpu.yield
      }) : () -> ()
      %run_scoped3A_279 = arith.constant 1 : i32
      %run_scoped3A_280 = arith.constant 1 : i32
      "tpu.region"() ({
        %run_scoped3A_281 = tpu.sem_alloc : memref<!tpu.dma_semaphore, #tpu.memory_space<semaphore_mem>>
        %dma_start3A_282 = arith.constant 0 : i32
        %dma_start3A_283 = arith.constant 0 : i32
        %dma_start3A_284 = tpu.memref_slice %arg11[%run_scoped3A_279, %dma_start3A_282, %dma_start3A_283] : memref<2x80x32xf32, #tpu.memory_space<vmem>> -> memref<1x80x32xf32, #tpu.memory_space<vmem>>
        %dma_start3A_285 = tpu.memref_squeeze %dma_start3A_284 : memref<1x80x32xf32, #tpu.memory_space<vmem>> -> memref<80x32xf32, #tpu.memory_space<vmem>>
        %dma_start3A_286 = arith.constant 0 : i32
        %dma_start3A_287 = tpu.memref_slice %arg9[%run_scoped3A_280, %dma_start3A_286] : memref<2x80xi32, #tpu.memory_space<vmem>> -> memref<1x80xi32, #tpu.memory_space<vmem>>
        %dma_start3A_288 = tpu.memref_squeeze %dma_start3A_287 : memref<1x80xi32, #tpu.memory_space<vmem>> -> memref<80xi32, #tpu.memory_space<vmem>>
        %dma_start3A_289 = arith.constant 0 : i32
        %dma_start3A_290 = arith.constant 0 : i32
        %dma_start3A_291 = tpu.memref_slice %arg13[%dma_start3A_289, %dma_start3A_290] : memref<10000x32xf32, #tpu.memory_space<vmem_shared>> -> memref<10000x32xf32, #tpu.memory_space<vmem_shared>>
        tpu.enqueue_indirect_dma source(%dma_start3A_285 : memref<80x32xf32, #tpu.memory_space<vmem>>) target(%dma_start3A_291 : memref<10000x32xf32, #tpu.memory_space<vmem_shared>>) offsets(%dma_start3A_288 : memref<80xi32, #tpu.memory_space<vmem>>) semaphore(%run_scoped3A_281 : memref<!tpu.dma_semaphore, #tpu.memory_space<semaphore_mem>>) {add = true}
        %dma_wait3A_292 = arith.constant 0 : i32
        %dma_wait3A_293 = arith.constant 0 : i32
        %dma_wait3A_294 = tpu.memref_slice %arg11[%run_scoped3A_279, %dma_wait3A_292, %dma_wait3A_293] : memref<2x80x32xf32, #tpu.memory_space<vmem>> -> memref<1x80x32xf32, #tpu.memory_space<vmem>>
        %dma_wait3A_295 = tpu.memref_squeeze %dma_wait3A_294 : memref<1x80x32xf32, #tpu.memory_space<vmem>> -> memref<80x32xf32, #tpu.memory_space<vmem>>
        %dma_wait3A_296 = arith.constant 0 : i32
        %dma_wait3A_297 = tpu.memref_slice %arg9[%run_scoped3A_280, %dma_wait3A_296] : memref<2x80xi32, #tpu.memory_space<vmem>> -> memref<1x80xi32, #tpu.memory_space<vmem>>
        %dma_wait3A_298 = tpu.memref_squeeze %dma_wait3A_297 : memref<1x80xi32, #tpu.memory_space<vmem>> -> memref<80xi32, #tpu.memory_space<vmem>>
        %dma_wait3A_299 = arith.constant 0 : i32
        %dma_wait3A_300 = arith.constant 0 : i32
        %dma_wait3A_301 = tpu.memref_slice %arg13[%dma_wait3A_299, %dma_wait3A_300] : memref<10000x32xf32, #tpu.memory_space<vmem_shared>> -> memref<10000x32xf32, #tpu.memory_space<vmem_shared>>
        tpu.wait_indirect_dma semaphore(%run_scoped3A_281 : memref<!tpu.dma_semaphore, #tpu.memory_space<semaphore_mem>>) src(%dma_wait3A_295 : memref<80x32xf32, #tpu.memory_space<vmem>>) dst(%dma_wait3A_301 : memref<10000x32xf32, #tpu.memory_space<vmem_shared>>)
        tpu.yield
      }) : () -> ()
    }
    %scan3A_47 = arith.constant 62 : i32
    %dma_wait3A = arith.constant 0 : i32
    %dma_wait3A_48 = arith.constant 0 : i32
    %dma_wait3A_49 = tpu.memref_slice %arg9[%dma_wait3A, %dma_wait3A_48] : memref<2x80xi32, #tpu.memory_space<vmem>> -> memref<1x80xi32, #tpu.memory_space<vmem>>
    %dma_wait3A_50 = tpu.memref_squeeze %dma_wait3A_49 : memref<1x80xi32, #tpu.memory_space<vmem>> -> memref<80xi32, #tpu.memory_space<vmem>>
    %dma_wait3A_51 = arith.constant 0 : i32
    %dma_wait3A_52 = tpu.memref_slice %arg4[%dma_wait3A_51] : memref<320000xi32, #tpu.memory_space<hbm>> -> memref<80xi32, #tpu.memory_space<hbm>>
    %dma_wait3A_53 = arith.constant 0 : i32
    %dma_wait3A_54 = tpu.memref_slice %arg9[%dma_wait3A, %dma_wait3A_53] : memref<2x80xi32, #tpu.memory_space<vmem>> -> memref<1x80xi32, #tpu.memory_space<vmem>>
    %dma_wait3A_55 = tpu.memref_squeeze %dma_wait3A_54 : memref<1x80xi32, #tpu.memory_space<vmem>> -> memref<80xi32, #tpu.memory_space<vmem>>
    %dma_wait3A_56 = arith.constant 0 : i32
    %dma_wait3A_57 = tpu.memref_slice %arg4[%dma_wait3A_56] : memref<320000xi32, #tpu.memory_space<hbm>> -> memref<80xi32, #tpu.memory_space<hbm>>
    tpu.wait_dma2 semaphore(%arg14 : memref<!tpu.dma_semaphore, #tpu.memory_space<semaphore_mem>>) src(%dma_wait3A_57 : memref<80xi32, #tpu.memory_space<hbm>>) dst(%dma_wait3A_55 : memref<80xi32, #tpu.memory_space<vmem>>)
    %dma_wait3A_58 = arith.constant 0 : i32
    %dma_wait3A_59 = arith.constant 0 : i32
    %dma_wait3A_60 = arith.constant 0 : i32
    %dma_wait3A_61 = tpu.memref_slice %arg10[%dma_wait3A_58, %dma_wait3A_59, %dma_wait3A_60] : memref<2x80x128xf32, #tpu.memory_space<vmem>> -> memref<1x80x128xf32, #tpu.memory_space<vmem>>
    %dma_wait3A_62 = tpu.memref_squeeze %dma_wait3A_61 : memref<1x80x128xf32, #tpu.memory_space<vmem>> -> memref<80x128xf32, #tpu.memory_space<vmem>>
    %dma_wait3A_63 = arith.constant 0 : i32
    %dma_wait3A_64 = arith.constant 0 : i32
    %dma_wait3A_65 = tpu.memref_slice %arg2[%dma_wait3A_63, %dma_wait3A_64] : memref<320000x128xf32, #tpu.memory_space<hbm>> -> memref<80x128xf32, #tpu.memory_space<hbm>>
    %dma_wait3A_66 = arith.constant 0 : i32
    %dma_wait3A_67 = arith.constant 0 : i32
    %dma_wait3A_68 = tpu.memref_slice %arg10[%dma_wait3A_58, %dma_wait3A_66, %dma_wait3A_67] : memref<2x80x128xf32, #tpu.memory_space<vmem>> -> memref<1x80x128xf32, #tpu.memory_space<vmem>>
    %dma_wait3A_69 = tpu.memref_squeeze %dma_wait3A_68 : memref<1x80x128xf32, #tpu.memory_space<vmem>> -> memref<80x128xf32, #tpu.memory_space<vmem>>
    %dma_wait3A_70 = arith.constant 0 : i32
    %dma_wait3A_71 = arith.constant 0 : i32
    %dma_wait3A_72 = tpu.memref_slice %arg2[%dma_wait3A_70, %dma_wait3A_71] : memref<320000x128xf32, #tpu.memory_space<hbm>> -> memref<80x128xf32, #tpu.memory_space<hbm>>
    tpu.wait_dma2 semaphore(%arg14 : memref<!tpu.dma_semaphore, #tpu.memory_space<semaphore_mem>>) src(%dma_wait3A_72 : memref<80x128xf32, #tpu.memory_space<hbm>>) dst(%dma_wait3A_69 : memref<80x128xf32, #tpu.memory_space<vmem>>)
    %dma_wait3A_73 = arith.constant 0 : i32
    %dma_wait3A_74 = arith.constant 0 : i32
    %dma_wait3A_75 = arith.constant 0 : i32
    %dma_wait3A_76 = tpu.memref_slice %arg11[%dma_wait3A_73, %dma_wait3A_74, %dma_wait3A_75] : memref<2x80x32xf32, #tpu.memory_space<vmem>> -> memref<1x80x32xf32, #tpu.memory_space<vmem>>
    %dma_wait3A_77 = tpu.memref_squeeze %dma_wait3A_76 : memref<1x80x32xf32, #tpu.memory_space<vmem>> -> memref<80x32xf32, #tpu.memory_space<vmem>>
    %dma_wait3A_78 = arith.constant 0 : i32
    %dma_wait3A_79 = arith.constant 0 : i32
    %dma_wait3A_80 = tpu.memref_slice %arg3[%dma_wait3A_78, %dma_wait3A_79] : memref<320000x32xf32, #tpu.memory_space<hbm>> -> memref<80x32xf32, #tpu.memory_space<hbm>>
    %dma_wait3A_81 = arith.constant 0 : i32
    %dma_wait3A_82 = arith.constant 0 : i32
    %dma_wait3A_83 = tpu.memref_slice %arg11[%dma_wait3A_73, %dma_wait3A_81, %dma_wait3A_82] : memref<2x80x32xf32, #tpu.memory_space<vmem>> -> memref<1x80x32xf32, #tpu.memory_space<vmem>>
    %dma_wait3A_84 = tpu.memref_squeeze %dma_wait3A_83 : memref<1x80x32xf32, #tpu.memory_space<vmem>> -> memref<80x32xf32, #tpu.memory_space<vmem>>
    %dma_wait3A_85 = arith.constant 0 : i32
    %dma_wait3A_86 = arith.constant 0 : i32
    %dma_wait3A_87 = tpu.memref_slice %arg3[%dma_wait3A_85, %dma_wait3A_86] : memref<320000x32xf32, #tpu.memory_space<hbm>> -> memref<80x32xf32, #tpu.memory_space<hbm>>
    tpu.wait_dma2 semaphore(%arg14 : memref<!tpu.dma_semaphore, #tpu.memory_space<semaphore_mem>>) src(%dma_wait3A_87 : memref<80x32xf32, #tpu.memory_space<hbm>>) dst(%dma_wait3A_84 : memref<80x32xf32, #tpu.memory_space<vmem>>)
    %run_scoped3A = arith.constant 0 : i32
    %run_scoped3A_88 = arith.constant 0 : i32
    "tpu.region"() ({
      %run_scoped3A_106 = tpu.sem_alloc : memref<!tpu.dma_semaphore, #tpu.memory_space<semaphore_mem>>
      %dma_start3A_107 = arith.constant 0 : i32
      %dma_start3A_108 = arith.constant 0 : i32
      %dma_start3A_109 = tpu.memref_slice %arg10[%run_scoped3A, %dma_start3A_107, %dma_start3A_108] : memref<2x80x128xf32, #tpu.memory_space<vmem>> -> memref<1x80x128xf32, #tpu.memory_space<vmem>>
      %dma_start3A_110 = tpu.memref_squeeze %dma_start3A_109 : memref<1x80x128xf32, #tpu.memory_space<vmem>> -> memref<80x128xf32, #tpu.memory_space<vmem>>
      %dma_start3A_111 = arith.constant 0 : i32
      %dma_start3A_112 = tpu.memref_slice %arg9[%run_scoped3A_88, %dma_start3A_111] : memref<2x80xi32, #tpu.memory_space<vmem>> -> memref<1x80xi32, #tpu.memory_space<vmem>>
      %dma_start3A_113 = tpu.memref_squeeze %dma_start3A_112 : memref<1x80xi32, #tpu.memory_space<vmem>> -> memref<80xi32, #tpu.memory_space<vmem>>
      %dma_start3A_114 = arith.constant 0 : i32
      %dma_start3A_115 = arith.constant 0 : i32
      %dma_start3A_116 = tpu.memref_slice %arg12[%dma_start3A_114, %dma_start3A_115] : memref<10000x128xf32, #tpu.memory_space<vmem_shared>> -> memref<10000x128xf32, #tpu.memory_space<vmem_shared>>
      tpu.enqueue_indirect_dma source(%dma_start3A_110 : memref<80x128xf32, #tpu.memory_space<vmem>>) target(%dma_start3A_116 : memref<10000x128xf32, #tpu.memory_space<vmem_shared>>) offsets(%dma_start3A_113 : memref<80xi32, #tpu.memory_space<vmem>>) semaphore(%run_scoped3A_106 : memref<!tpu.dma_semaphore, #tpu.memory_space<semaphore_mem>>) {add = true}
      %dma_wait3A_117 = arith.constant 0 : i32
      %dma_wait3A_118 = arith.constant 0 : i32
      %dma_wait3A_119 = tpu.memref_slice %arg10[%run_scoped3A, %dma_wait3A_117, %dma_wait3A_118] : memref<2x80x128xf32, #tpu.memory_space<vmem>> -> memref<1x80x128xf32, #tpu.memory_space<vmem>>
      %dma_wait3A_120 = tpu.memref_squeeze %dma_wait3A_119 : memref<1x80x128xf32, #tpu.memory_space<vmem>> -> memref<80x128xf32, #tpu.memory_space<vmem>>
      %dma_wait3A_121 = arith.constant 0 : i32
      %dma_wait3A_122 = tpu.memref_slice %arg9[%run_scoped3A_88, %dma_wait3A_121] : memref<2x80xi32, #tpu.memory_space<vmem>> -> memref<1x80xi32, #tpu.memory_space<vmem>>
      %dma_wait3A_123 = tpu.memref_squeeze %dma_wait3A_122 : memref<1x80xi32, #tpu.memory_space<vmem>> -> memref<80xi32, #tpu.memory_space<vmem>>
      %dma_wait3A_124 = arith.constant 0 : i32
      %dma_wait3A_125 = arith.constant 0 : i32
      %dma_wait3A_126 = tpu.memref_slice %arg12[%dma_wait3A_124, %dma_wait3A_125] : memref<10000x128xf32, #tpu.memory_space<vmem_shared>> -> memref<10000x128xf32, #tpu.memory_space<vmem_shared>>
      tpu.wait_indirect_dma semaphore(%run_scoped3A_106 : memref<!tpu.dma_semaphore, #tpu.memory_space<semaphore_mem>>) src(%dma_wait3A_120 : memref<80x128xf32, #tpu.memory_space<vmem>>) dst(%dma_wait3A_126 : memref<10000x128xf32, #tpu.memory_space<vmem_shared>>)
      tpu.yield
    }) : () -> ()
    %run_scoped3A_89 = arith.constant 0 : i32
    %run_scoped3A_90 = arith.constant 0 : i32
    "tpu.region"() ({
      %run_scoped3A_106 = tpu.sem_alloc : memref<!tpu.dma_semaphore, #tpu.memory_space<semaphore_mem>>
      %dma_start3A_107 = arith.constant 0 : i32
      %dma_start3A_108 = arith.constant 0 : i32
      %dma_start3A_109 = tpu.memref_slice %arg11[%run_scoped3A_89, %dma_start3A_107, %dma_start3A_108] : memref<2x80x32xf32, #tpu.memory_space<vmem>> -> memref<1x80x32xf32, #tpu.memory_space<vmem>>
      %dma_start3A_110 = tpu.memref_squeeze %dma_start3A_109 : memref<1x80x32xf32, #tpu.memory_space<vmem>> -> memref<80x32xf32, #tpu.memory_space<vmem>>
      %dma_start3A_111 = arith.constant 0 : i32
      %dma_start3A_112 = tpu.memref_slice %arg9[%run_scoped3A_90, %dma_start3A_111] : memref<2x80xi32, #tpu.memory_space<vmem>> -> memref<1x80xi32, #tpu.memory_space<vmem>>
      %dma_start3A_113 = tpu.memref_squeeze %dma_start3A_112 : memref<1x80xi32, #tpu.memory_space<vmem>> -> memref<80xi32, #tpu.memory_space<vmem>>
      %dma_start3A_114 = arith.constant 0 : i32
      %dma_start3A_115 = arith.constant 0 : i32
      %dma_start3A_116 = tpu.memref_slice %arg13[%dma_start3A_114, %dma_start3A_115] : memref<10000x32xf32, #tpu.memory_space<vmem_shared>> -> memref<10000x32xf32, #tpu.memory_space<vmem_shared>>
      tpu.enqueue_indirect_dma source(%dma_start3A_110 : memref<80x32xf32, #tpu.memory_space<vmem>>) target(%dma_start3A_116 : memref<10000x32xf32, #tpu.memory_space<vmem_shared>>) offsets(%dma_start3A_113 : memref<80xi32, #tpu.memory_space<vmem>>) semaphore(%run_scoped3A_106 : memref<!tpu.dma_semaphore, #tpu.memory_space<semaphore_mem>>) {add = true}
      %dma_wait3A_117 = arith.constant 0 : i32
      %dma_wait3A_118 = arith.constant 0 : i32
      %dma_wait3A_119 = tpu.memref_slice %arg11[%run_scoped3A_89, %dma_wait3A_117, %dma_wait3A_118] : memref<2x80x32xf32, #tpu.memory_space<vmem>> -> memref<1x80x32xf32, #tpu.memory_space<vmem>>
      %dma_wait3A_120 = tpu.memref_squeeze %dma_wait3A_119 : memref<1x80x32xf32, #tpu.memory_space<vmem>> -> memref<80x32xf32, #tpu.memory_space<vmem>>
      %dma_wait3A_121 = arith.constant 0 : i32
      %dma_wait3A_122 = tpu.memref_slice %arg9[%run_scoped3A_90, %dma_wait3A_121] : memref<2x80xi32, #tpu.memory_space<vmem>> -> memref<1x80xi32, #tpu.memory_space<vmem>>
      %dma_wait3A_123 = tpu.memref_squeeze %dma_wait3A_122 : memref<1x80xi32, #tpu.memory_space<vmem>> -> memref<80xi32, #tpu.memory_space<vmem>>
      %dma_wait3A_124 = arith.constant 0 : i32
      %dma_wait3A_125 = arith.constant 0 : i32
      %dma_wait3A_126 = tpu.memref_slice %arg13[%dma_wait3A_124, %dma_wait3A_125] : memref<10000x32xf32, #tpu.memory_space<vmem_shared>> -> memref<10000x32xf32, #tpu.memory_space<vmem_shared>>
      tpu.wait_indirect_dma semaphore(%run_scoped3A_106 : memref<!tpu.dma_semaphore, #tpu.memory_space<semaphore_mem>>) src(%dma_wait3A_120 : memref<80x32xf32, #tpu.memory_space<vmem>>) dst(%dma_wait3A_126 : memref<10000x32xf32, #tpu.memory_space<vmem_shared>>)
      tpu.yield
    }) : () -> ()
    %barrier3A_91 = arith.constant 0 : index
    tpu.barrier barrier_id(%barrier3A_91)
    %mul3A_92 = arith.constant 625 : i32
    %mul3A_93 = arith.muli %arg1, %mul3A_92 : i32
    %mul3A_94 = arith.constant 10000 : i32
    %mul3A_95 = arith.muli %arg0, %mul3A_94 : i32
    %mul3A_96 = arith.constant 625 : i32
    %mul3A_97 = arith.muli %arg1, %mul3A_96 : i32
    %add3A_98 = arith.addi %mul3A_95, %mul3A_97 : i32
    "tpu.region"() ({
      %run_scoped3A_106 = tpu.sem_alloc : memref<!tpu.dma_semaphore, #tpu.memory_space<semaphore_mem>>
      %dma_start3A_107 = arith.constant 0 : i32
      %dma_start3A_108 = tpu.memref_slice %arg7[%add3A_98, %dma_start3A_107] : memref<20000x128xf32, #tpu.memory_space<hbm>> -> memref<625x128xf32, #tpu.memory_space<hbm>>
      %dma_start3A_109 = arith.constant 0 : i32
      %dma_start3A_110 = tpu.memref_slice %arg12[%mul3A_93, %dma_start3A_109] : memref<10000x128xf32, #tpu.memory_space<vmem_shared>> -> memref<625x128xf32, #tpu.memory_space<vmem_shared>>
      tpu.enqueue_dma source(%dma_start3A_110 : memref<625x128xf32, #tpu.memory_space<vmem_shared>>) target(%dma_start3A_108 : memref<625x128xf32, #tpu.memory_space<hbm>>) target_semaphore(%run_scoped3A_106 : memref<!tpu.dma_semaphore, #tpu.memory_space<semaphore_mem>>)
      %dma_wait3A_111 = arith.constant 0 : i32
      %dma_wait3A_112 = tpu.memref_slice %arg7[%add3A_98, %dma_wait3A_111] : memref<20000x128xf32, #tpu.memory_space<hbm>> -> memref<625x128xf32, #tpu.memory_space<hbm>>
      %dma_wait3A_113 = arith.constant 0 : i32
      %dma_wait3A_114 = tpu.memref_slice %arg12[%mul3A_93, %dma_wait3A_113] : memref<10000x128xf32, #tpu.memory_space<vmem_shared>> -> memref<625x128xf32, #tpu.memory_space<vmem_shared>>
      tpu.wait_dma2 semaphore(%run_scoped3A_106 : memref<!tpu.dma_semaphore, #tpu.memory_space<semaphore_mem>>) src(%dma_wait3A_114 : memref<625x128xf32, #tpu.memory_space<vmem_shared>>) dst(%dma_wait3A_112 : memref<625x128xf32, #tpu.memory_space<hbm>>)
      tpu.yield
    }) : () -> ()
    %mul3A_99 = arith.constant 625 : i32
    %mul3A_100 = arith.muli %arg1, %mul3A_99 : i32
    %mul3A_101 = arith.constant 10000 : i32
    %mul3A_102 = arith.muli %arg0, %mul3A_101 : i32
    %mul3A_103 = arith.constant 625 : i32
    %mul3A_104 = arith.muli %arg1, %mul3A_103 : i32
    %add3A_105 = arith.addi %mul3A_102, %mul3A_104 : i32
    "tpu.region"() ({
      %run_scoped3A_106 = tpu.sem_alloc : memref<!tpu.dma_semaphore, #tpu.memory_space<semaphore_mem>>
      %dma_start3A_107 = arith.constant 0 : i32
      %dma_start3A_108 = tpu.memref_slice %arg8[%add3A_105, %dma_start3A_107] : memref<20000x32xf32, #tpu.memory_space<hbm>> -> memref<625x32xf32, #tpu.memory_space<hbm>>
      %dma_start3A_109 = arith.constant 0 : i32
      %dma_start3A_110 = tpu.memref_slice %arg13[%mul3A_100, %dma_start3A_109] : memref<10000x32xf32, #tpu.memory_space<vmem_shared>> -> memref<625x32xf32, #tpu.memory_space<vmem_shared>>
      tpu.enqueue_dma source(%dma_start3A_110 : memref<625x32xf32, #tpu.memory_space<vmem_shared>>) target(%dma_start3A_108 : memref<625x32xf32, #tpu.memory_space<hbm>>) target_semaphore(%run_scoped3A_106 : memref<!tpu.dma_semaphore, #tpu.memory_space<semaphore_mem>>)
      %dma_wait3A_111 = arith.constant 0 : i32
      %dma_wait3A_112 = tpu.memref_slice %arg8[%add3A_105, %dma_wait3A_111] : memref<20000x32xf32, #tpu.memory_space<hbm>> -> memref<625x32xf32, #tpu.memory_space<hbm>>
      %dma_wait3A_113 = arith.constant 0 : i32
      %dma_wait3A_114 = tpu.memref_slice %arg13[%mul3A_100, %dma_wait3A_113] : memref<10000x32xf32, #tpu.memory_space<vmem_shared>> -> memref<625x32xf32, #tpu.memory_space<vmem_shared>>
      tpu.wait_dma2 semaphore(%run_scoped3A_106 : memref<!tpu.dma_semaphore, #tpu.memory_space<semaphore_mem>>) src(%dma_wait3A_114 : memref<625x32xf32, #tpu.memory_space<vmem_shared>>) dst(%dma_wait3A_112 : memref<625x32xf32, #tpu.memory_space<hbm>>)
      tpu.yield
    }) : () -> ()
    return
  }
}

module attributes {stable_mosaic.version = 14 : i64} {
  func.func @_prep_body(%arg0: i32, %arg1: memref<1000x128xf32, #tpu.memory_space<vmem>>, %arg2: memref<128x256xf32, #tpu.memory_space<vmem>>, %arg3: memref<1x128xf32, #tpu.memory_space<vmem>>, %arg4: memref<1000x128xbf16, #tpu.memory_space<vmem>>, %arg5: memref<1000x128xbf16, #tpu.memory_space<vmem>>) attributes {dimension_semantics = [#tpu.dimension_semantics<arbitrary>], iteration_bounds = array<i64: 10>, scalar_prefetch = 0 : i64, scratch_operands = 0 : i64, tpu.core_type = #tpu.core_type<tc>, window_params = [{transform_indices = @transform_0, window_bounds = array<i64: 1000, 128>}, {pipeline_mode = #tpu.pipeline_mode<synchronous>, transform_indices = @transform_1, window_bounds = array<i64: 128, 256>}, {pipeline_mode = #tpu.pipeline_mode<synchronous>, transform_indices = @transform_2, window_bounds = array<i64: 1, 128>}, {transform_indices = @transform_3, window_bounds = array<i64: 1000, 128>}, {transform_indices = @transform_4, window_bounds = array<i64: 1000, 128>}]} {
    %get3A = arith.constant 0 : index
    %get3A_0 = arith.constant 0 : index
    %get3A_1 = vector.load %arg1[%get3A, %get3A_0] : memref<1000x128xf32, #tpu.memory_space<vmem>>, vector<1000x128xf32>
    %get3A_2 = arith.constant 0 : index
    %get3A_3 = arith.constant 0 : index
    %get3A_4 = vector.load %arg2[%get3A_2, %get3A_3] : memref<128x256xf32, #tpu.memory_space<vmem>>, vector<128x256xf32>
    %dot_general3A = arith.constant dense<0.000000e+00> : vector<1000x256xf32>
    %dot_general3A_5 = tpu.matmul %get3A_1, %get3A_4, %dot_general3A {dimension_numbers = #tpu.dot_dimension_numbers<[1], [0], [0], [1], [0, 0, 1, 1], [], []>, transpose_lhs_hint = false} : vector<1000x128xf32>, vector<128x256xf32>, vector<1000x256xf32> -> vector<1000x256xf32>
    %slice3A = vector.extract_strided_slice %dot_general3A_5 {offsets = [0, 0], sizes = [1000, 128], strides = [1, 1]} : vector<1000x256xf32> to vector<1000x128xf32>
    %convert_element_type3A = arith.truncf %slice3A : vector<1000x128xf32> to vector<1000x128xbf16>
    %swap3A = arith.constant 0 : index
    %swap3A_6 = arith.constant 0 : index
    %swap3A_7 = vector.load %arg4[%swap3A, %swap3A_6] : memref<1000x128xbf16, #tpu.memory_space<vmem>>, vector<1000x128xbf16>
    tpu.vector_store %arg4[%swap3A, %swap3A_6], %convert_element_type3A {strides = array<i32>} : memref<1000x128xbf16, #tpu.memory_space<vmem>>, vector<1000x128xbf16>,
    %slice3A_8 = vector.extract_strided_slice %dot_general3A_5 {offsets = [0, 128], sizes = [1000, 128], strides = [1, 1]} : vector<1000x256xf32> to vector<1000x128xf32>
    %get3A_9 = arith.constant 0 : index
    %get3A_10 = arith.constant 0 : index
    %get3A_11 = vector.load %arg3[%get3A_9, %get3A_10] : memref<1x128xf32, #tpu.memory_space<vmem>>, vector<1x128xf32>
    %add3A = vector.broadcast %get3A_11 : vector<1x128xf32> to vector<1000x128xf32>
    %add3A_12 = arith.addf %slice3A_8, %add3A : vector<1000x128xf32>
    %convert_element_type3A_13 = arith.truncf %add3A_12 : vector<1000x128xf32> to vector<1000x128xbf16>
    %swap3A_14 = arith.constant 0 : index
    %swap3A_15 = arith.constant 0 : index
    %swap3A_16 = vector.load %arg5[%swap3A_14, %swap3A_15] : memref<1000x128xbf16, #tpu.memory_space<vmem>>, vector<1000x128xbf16>
    tpu.vector_store %arg5[%swap3A_14, %swap3A_15], %convert_element_type3A_13 {strides = array<i32>} : memref<1000x128xbf16, #tpu.memory_space<vmem>>, vector<1000x128xbf16>,
    return
  }
  func.func @transform_0(%arg0: i32) -> (i32, i32) {
    %c0_i32 = arith.constant 0 : i32
    %c0_i32_0 = arith.constant 0 : i32
    return %arg0, %c0_i32 : i32, i32
  }
  func.func @transform_1(%arg0: i32) -> (i32, i32) {
    %c0_i32 = arith.constant 0 : i32
    %c0_i32_0 = arith.constant 0 : i32
    %c0_i32_1 = arith.constant 0 : i32
    return %c0_i32, %c0_i32_0 : i32, i32
  }
  func.func @transform_2(%arg0: i32) -> (i32, i32) {
    %c0_i32 = arith.constant 0 : i32
    %c0_i32_0 = arith.constant 0 : i32
    %c0_i32_1 = arith.constant 0 : i32
    return %c0_i32, %c0_i32_0 : i32, i32
  }
  func.func @transform_3(%arg0: i32) -> (i32, i32) {
    %c0_i32 = arith.constant 0 : i32
    %c0_i32_0 = arith.constant 0 : i32
    return %arg0, %c0_i32 : i32, i32
  }
  func.func @transform_4(%arg0: i32) -> (i32, i32) {
    %c0_i32 = arith.constant 0 : i32
    %c0_i32_0 = arith.constant 0 : i32
    return %arg0, %c0_i32 : i32, i32
  }
}

module attributes {stable_mosaic.version = 14 : i64} {
  func.func @_edge_body(%arg0: i32, %arg1: memref<512x160xbf16, #tpu.memory_space<vmem>>, %arg2: memref<512x160xbf16, #tpu.memory_space<vmem>>, %arg3: memref<1x128xf32, #tpu.memory_space<vmem>>, %arg4: memref<128x128xbf16, #tpu.memory_space<vmem>>, %arg5: memref<1x128xf32, #tpu.memory_space<vmem>>, %arg6: memref<128x128xbf16, #tpu.memory_space<vmem>>, %arg7: memref<1x128xf32, #tpu.memory_space<vmem>>, %arg8: memref<1x128xf32, #tpu.memory_space<vmem>>, %arg9: memref<512x128xf32, #tpu.memory_space<vmem>>, %arg10: memref<512x32xf32, #tpu.memory_space<vmem>>) attributes {dimension_semantics = [#tpu.dimension_semantics<arbitrary>], iteration_bounds = array<i64: 625>, scalar_prefetch = 0 : i64, scratch_operands = 0 : i64, tpu.core_type = #tpu.core_type<tc>, window_params = [{transform_indices = @transform_0, window_bounds = array<i64: 512, 160>}, {transform_indices = @transform_1, window_bounds = array<i64: 512, 160>}, {pipeline_mode = #tpu.pipeline_mode<synchronous>, transform_indices = @transform_2, window_bounds = array<i64: 1, 128>}, {pipeline_mode = #tpu.pipeline_mode<synchronous>, transform_indices = @transform_3, window_bounds = array<i64: 128, 128>}, {pipeline_mode = #tpu.pipeline_mode<synchronous>, transform_indices = @transform_4, window_bounds = array<i64: 1, 128>}, {pipeline_mode = #tpu.pipeline_mode<synchronous>, transform_indices = @transform_5, window_bounds = array<i64: 128, 128>}, {pipeline_mode = #tpu.pipeline_mode<synchronous>, transform_indices = @transform_6, window_bounds = array<i64: 1, 128>}, {pipeline_mode = #tpu.pipeline_mode<synchronous>, transform_indices = @transform_7, window_bounds = array<i64: 1, 128>}, {transform_indices = @transform_8, window_bounds = array<i64: 512, 128>}, {transform_indices = @transform_9, window_bounds = array<i64: 512, 32>}]} {
    %get3A = arith.constant 0 : index
    %get3A_0 = arith.constant 0 : index
    %get3A_1 = vector.load %arg1[%get3A, %get3A_0] : memref<512x160xbf16, #tpu.memory_space<vmem>>, vector<512x160xbf16>
    %convert_element_type3A = arith.extf %get3A_1 : vector<512x160xbf16> to vector<512x160xf32>
    %get3A_2 = arith.constant 0 : index
    %get3A_3 = arith.constant 0 : index
    %get3A_4 = vector.load %arg2[%get3A_2, %get3A_3] : memref<512x160xbf16, #tpu.memory_space<vmem>>, vector<512x160xbf16>
    %convert_element_type3A_5 = arith.extf %get3A_4 : vector<512x160xbf16> to vector<512x160xf32>
    %slice3A = vector.extract_strided_slice %convert_element_type3A {offsets = [0, 0], sizes = [512, 128], strides = [1, 1]} : vector<512x160xf32> to vector<512x128xf32>
    %slice3A_6 = vector.extract_strided_slice %convert_element_type3A_5 {offsets = [0, 0], sizes = [512, 128], strides = [1, 1]} : vector<512x160xf32> to vector<512x128xf32>
    %add3A = arith.addf %slice3A, %slice3A_6 : vector<512x128xf32>
    %slice3A_7 = vector.extract_strided_slice %convert_element_type3A {offsets = [0, 128], sizes = [512, 32], strides = [1, 1]} : vector<512x160xf32> to vector<512x32xf32>
    %slice3A_8 = vector.extract_strided_slice %convert_element_type3A_5 {offsets = [0, 128], sizes = [512, 32], strides = [1, 1]} : vector<512x160xf32> to vector<512x32xf32>
    %sub3A = arith.subf %slice3A_7, %slice3A_8 : vector<512x32xf32>
    %mul3A = arith.mulf %sub3A, %sub3A : vector<512x32xf32>
    %reduce_sum3A = arith.constant dense<0.000000e+00> : vector<512xf32>
    %reduce_sum3A_9 = vector.multi_reduction <add>, %mul3A, %reduce_sum3A [1] : vector<512x32xf32> to vector<512xf32>
    %broadcast_in_dim3A = vector.shape_cast %reduce_sum3A_9 : vector<512xf32> to vector<512x1xf32>
    %sqrt3A = math.sqrt %broadcast_in_dim3A : vector<512x1xf32>
    %get3A_10 = arith.constant 0 : index
    %get3A_11 = arith.constant 0 : index
    %get3A_12 = vector.load %arg3[%get3A_10, %get3A_11] : memref<1x128xf32, #tpu.memory_space<vmem>>, vector<1x128xf32>
    %mul3A_13 = vector.broadcast %sqrt3A : vector<512x1xf32> to vector<512x128xf32>
    %mul3A_14 = vector.broadcast %get3A_12 : vector<1x128xf32> to vector<512x128xf32>
    %mul3A_15 = arith.mulf %mul3A_13, %mul3A_14 : vector<512x128xf32>
    %add3A_16 = arith.addf %add3A, %mul3A_15 : vector<512x128xf32>
    %neg3A = arith.constant 0.000000e+00 : f32
    %neg3A_17 = vector.broadcast %neg3A : f32 to vector<512x128xf32>
    %neg3A_18 = arith.subf %neg3A_17, %add3A_16 : vector<512x128xf32>
    %exp3A = math.exp %neg3A_18 : vector<512x128xf32>
    %add3A_19 = arith.constant 1.000000e+00 : f32
    %add3A_20 = vector.broadcast %add3A_19 : f32 to vector<512x128xf32>
    %add3A_21 = arith.addf %add3A_20, %exp3A : vector<512x128xf32>
    %div3A = arith.constant 1.000000e+00 : f32
    %div3A_22 = vector.broadcast %div3A : f32 to vector<512x128xf32>
    %div3A_23 = arith.divf %div3A_22, %add3A_21 : vector<512x128xf32>
    %mul3A_24 = arith.mulf %add3A_16, %div3A_23 : vector<512x128xf32>
    %convert_element_type3A_25 = arith.truncf %mul3A_24 : vector<512x128xf32> to vector<512x128xbf16>
    %get3A_26 = arith.constant 0 : index
    %get3A_27 = arith.constant 0 : index
    %get3A_28 = vector.load %arg4[%get3A_26, %get3A_27] : memref<128x128xbf16, #tpu.memory_space<vmem>>, vector<128x128xbf16>
    %dot_general3A = arith.constant dense<0.000000e+00> : vector<512x128xf32>
    %dot_general3A_29 = tpu.matmul %convert_element_type3A_25, %get3A_28, %dot_general3A {dimension_numbers = #tpu.dot_dimension_numbers<[1], [0], [0], [1], [0, 0, 1, 1], [], []>, transpose_lhs_hint = false} : vector<512x128xbf16>, vector<128x128xbf16>, vector<512x128xf32> -> vector<512x128xf32>
    %get3A_30 = arith.constant 0 : index
    %get3A_31 = arith.constant 0 : index
    %get3A_32 = vector.load %arg5[%get3A_30, %get3A_31] : memref<1x128xf32, #tpu.memory_space<vmem>>, vector<1x128xf32>
    %add3A_33 = vector.broadcast %get3A_32 : vector<1x128xf32> to vector<512x128xf32>
    %add3A_34 = arith.addf %dot_general3A_29, %add3A_33 : vector<512x128xf32>
    %neg3A_35 = arith.constant 0.000000e+00 : f32
    %neg3A_36 = vector.broadcast %neg3A_35 : f32 to vector<512x128xf32>
    %neg3A_37 = arith.subf %neg3A_36, %add3A_34 : vector<512x128xf32>
    %exp3A_38 = math.exp %neg3A_37 : vector<512x128xf32>
    %add3A_39 = arith.constant 1.000000e+00 : f32
    %add3A_40 = vector.broadcast %add3A_39 : f32 to vector<512x128xf32>
    %add3A_41 = arith.addf %add3A_40, %exp3A_38 : vector<512x128xf32>
    %div3A_42 = arith.constant 1.000000e+00 : f32
    %div3A_43 = vector.broadcast %div3A_42 : f32 to vector<512x128xf32>
    %div3A_44 = arith.divf %div3A_43, %add3A_41 : vector<512x128xf32>
    %mul3A_45 = arith.mulf %add3A_34, %div3A_44 : vector<512x128xf32>
    %convert_element_type3A_46 = arith.truncf %mul3A_45 : vector<512x128xf32> to vector<512x128xbf16>
    %get3A_47 = arith.constant 0 : index
    %get3A_48 = arith.constant 0 : index
    %get3A_49 = vector.load %arg6[%get3A_47, %get3A_48] : memref<128x128xbf16, #tpu.memory_space<vmem>>, vector<128x128xbf16>
    %dot_general3A_50 = arith.constant dense<0.000000e+00> : vector<512x128xf32>
    %dot_general3A_51 = tpu.matmul %convert_element_type3A_46, %get3A_49, %dot_general3A_50 {dimension_numbers = #tpu.dot_dimension_numbers<[1], [0], [0], [1], [0, 0, 1, 1], [], []>, transpose_lhs_hint = false} : vector<512x128xbf16>, vector<128x128xbf16>, vector<512x128xf32> -> vector<512x128xf32>
    %get3A_52 = arith.constant 0 : index
    %get3A_53 = arith.constant 0 : index
    %get3A_54 = vector.load %arg7[%get3A_52, %get3A_53] : memref<1x128xf32, #tpu.memory_space<vmem>>, vector<1x128xf32>
    %add3A_55 = vector.broadcast %get3A_54 : vector<1x128xf32> to vector<512x128xf32>
    %add3A_56 = arith.addf %dot_general3A_51, %add3A_55 : vector<512x128xf32>
    %neg3A_57 = arith.constant 0.000000e+00 : f32
    %neg3A_58 = vector.broadcast %neg3A_57 : f32 to vector<512x128xf32>
    %neg3A_59 = arith.subf %neg3A_58, %add3A_56 : vector<512x128xf32>
    %exp3A_60 = math.exp %neg3A_59 : vector<512x128xf32>
    %add3A_61 = arith.constant 1.000000e+00 : f32
    %add3A_62 = vector.broadcast %add3A_61 : f32 to vector<512x128xf32>
    %add3A_63 = arith.addf %add3A_62, %exp3A_60 : vector<512x128xf32>
    %div3A_64 = arith.constant 1.000000e+00 : f32
    %div3A_65 = vector.broadcast %div3A_64 : f32 to vector<512x128xf32>
    %div3A_66 = arith.divf %div3A_65, %add3A_63 : vector<512x128xf32>
    %mul3A_67 = arith.mulf %add3A_56, %div3A_66 : vector<512x128xf32>
    %get3A_68 = arith.constant 0 : index
    %get3A_69 = arith.constant 0 : index
    %get3A_70 = vector.load %arg8[%get3A_68, %get3A_69] : memref<1x128xf32, #tpu.memory_space<vmem>>, vector<1x128xf32>
    %mul3A_71 = vector.broadcast %get3A_70 : vector<1x128xf32> to vector<512x128xf32>
    %mul3A_72 = arith.mulf %mul3A_67, %mul3A_71 : vector<512x128xf32>
    %reduce_sum3A_73 = arith.constant dense<0.000000e+00> : vector<512xf32>
    %reduce_sum3A_74 = vector.multi_reduction <add>, %mul3A_72, %reduce_sum3A_73 [1] : vector<512x128xf32> to vector<512xf32>
    %broadcast_in_dim3A_75 = vector.shape_cast %reduce_sum3A_74 : vector<512xf32> to vector<512x1xf32>
    %add3A_76 = arith.constant 1.000000e-07 : f32
    %add3A_77 = vector.broadcast %add3A_76 : f32 to vector<512x1xf32>
    %add3A_78 = arith.addf %sqrt3A, %add3A_77 : vector<512x1xf32>
    %div3A_79 = arith.divf %broadcast_in_dim3A_75, %add3A_78 : vector<512x1xf32>
    %mul3A_80 = vector.broadcast %div3A_79 : vector<512x1xf32> to vector<512x32xf32>
    %mul3A_81 = arith.mulf %mul3A_80, %sub3A : vector<512x32xf32>
    %iota3A = tpu.iota {dimensions = array<i32: 1>} : vector<512x32xi32>
    %swap3A = arith.constant 0 : index
    %swap3A_82 = arith.constant 0 : index
    %swap3A_83 = vector.load %arg9[%swap3A, %swap3A_82] : memref<512x128xf32, #tpu.memory_space<vmem>>, vector<512x128xf32>
    tpu.vector_store %arg9[%swap3A, %swap3A_82], %mul3A_45 {strides = array<i32>} : memref<512x128xf32, #tpu.memory_space<vmem>>, vector<512x128xf32>,
    %eq3A = arith.constant 1 : i32
    %eq3A_84 = vector.broadcast %eq3A : i32 to vector<512x32xi32>
    %eq3A_85 = arith.cmpi eq, %iota3A, %eq3A_84 : vector<512x32xi32>
    %jit3A = arith.constant 1.000000e+00 : f32
    %broadcast_in_dim3A_86 = vector.broadcast %jit3A : f32 to vector<512x32xf32>
    %select_n3A = arith.select %eq3A_85, %broadcast_in_dim3A_86, %mul3A_81 : vector<512x32xi1>, vector<512x32xf32>
    %swap3A_87 = arith.constant 0 : index
    %swap3A_88 = arith.constant 0 : index
    %swap3A_89 = vector.load %arg10[%swap3A_87, %swap3A_88] : memref<512x32xf32, #tpu.memory_space<vmem>>, vector<512x32xf32>
    tpu.vector_store %arg10[%swap3A_87, %swap3A_88], %select_n3A {strides = array<i32>} : memref<512x32xf32, #tpu.memory_space<vmem>>, vector<512x32xf32>,
    return
  }
  func.func @transform_0(%arg0: i32) -> (i32, i32) {
    %c0_i32 = arith.constant 0 : i32
    %c0_i32_0 = arith.constant 0 : i32
    return %arg0, %c0_i32 : i32, i32
  }
  func.func @transform_1(%arg0: i32) -> (i32, i32) {
    %c0_i32 = arith.constant 0 : i32
    %c0_i32_0 = arith.constant 0 : i32
    return %arg0, %c0_i32 : i32, i32
  }
  func.func @transform_2(%arg0: i32) -> (i32, i32) {
    %c0_i32 = arith.constant 0 : i32
    %c0_i32_0 = arith.constant 0 : i32
    %c0_i32_1 = arith.constant 0 : i32
    return %c0_i32, %c0_i32_0 : i32, i32
  }
  func.func @transform_3(%arg0: i32) -> (i32, i32) {
    %c0_i32 = arith.constant 0 : i32
    %c0_i32_0 = arith.constant 0 : i32
    %c0_i32_1 = arith.constant 0 : i32
    return %c0_i32, %c0_i32_0 : i32, i32
  }
  func.func @transform_4(%arg0: i32) -> (i32, i32) {
    %c0_i32 = arith.constant 0 : i32
    %c0_i32_0 = arith.constant 0 : i32
    %c0_i32_1 = arith.constant 0 : i32
    return %c0_i32, %c0_i32_0 : i32, i32
  }
  func.func @transform_5(%arg0: i32) -> (i32, i32) {
    %c0_i32 = arith.constant 0 : i32
    %c0_i32_0 = arith.constant 0 : i32
    %c0_i32_1 = arith.constant 0 : i32
    return %c0_i32, %c0_i32_0 : i32, i32
  }
  func.func @transform_6(%arg0: i32) -> (i32, i32) {
    %c0_i32 = arith.constant 0 : i32
    %c0_i32_0 = arith.constant 0 : i32
    %c0_i32_1 = arith.constant 0 : i32
    return %c0_i32, %c0_i32_0 : i32, i32
  }
  func.func @transform_7(%arg0: i32) -> (i32, i32) {
    %c0_i32 = arith.constant 0 : i32
    %c0_i32_0 = arith.constant 0 : i32
    %c0_i32_1 = arith.constant 0 : i32
    return %c0_i32, %c0_i32_0 : i32, i32
  }
  func.func @transform_8(%arg0: i32) -> (i32, i32) {
    %c0_i32 = arith.constant 0 : i32
    %c0_i32_0 = arith.constant 0 : i32
    return %arg0, %c0_i32 : i32, i32
  }
  func.func @transform_9(%arg0: i32) -> (i32, i32) {
    %c0_i32 = arith.constant 0 : i32
    %c0_i32_0 = arith.constant 0 : i32
    return %arg0, %c0_i32 : i32, i32
  }
}

module attributes {stable_mosaic.version = 14 : i64} {
  func.func @_node_body(%arg0: i32, %arg1: memref<1000x128xf32, #tpu.memory_space<vmem>>, %arg2: memref<1000x32xf32, #tpu.memory_space<vmem>>, %arg3: memref<1000x128xf32, #tpu.memory_space<vmem>>, %arg4: memref<1000x128xf32, #tpu.memory_space<vmem>>, %arg5: memref<1000x32xf32, #tpu.memory_space<vmem>>, %arg6: memref<1000x32xf32, #tpu.memory_space<vmem>>, %arg7: memref<128x128xf32, #tpu.memory_space<vmem>>, %arg8: memref<128x128xf32, #tpu.memory_space<vmem>>, %arg9: memref<1x128xf32, #tpu.memory_space<vmem>>, %arg10: memref<128x128xf32, #tpu.memory_space<vmem>>, %arg11: memref<1x128xf32, #tpu.memory_space<vmem>>, %arg12: memref<1000x128xf32, #tpu.memory_space<vmem>>, %arg13: memref<1000x32xf32, #tpu.memory_space<vmem>>) attributes {dimension_semantics = [#tpu.dimension_semantics<arbitrary>], iteration_bounds = array<i64: 10>, scalar_prefetch = 0 : i64, scratch_operands = 0 : i64, tpu.core_type = #tpu.core_type<tc>, window_params = [{transform_indices = @transform_0, window_bounds = array<i64: 1000, 128>}, {transform_indices = @transform_1, window_bounds = array<i64: 1000, 32>}, {transform_indices = @transform_2, window_bounds = array<i64: 1000, 128>}, {transform_indices = @transform_3, window_bounds = array<i64: 1000, 128>}, {transform_indices = @transform_4, window_bounds = array<i64: 1000, 32>}, {transform_indices = @transform_5, window_bounds = array<i64: 1000, 32>}, {pipeline_mode = #tpu.pipeline_mode<synchronous>, transform_indices = @transform_6, window_bounds = array<i64: 128, 128>}, {pipeline_mode = #tpu.pipeline_mode<synchronous>, transform_indices = @transform_7, window_bounds = array<i64: 128, 128>}, {pipeline_mode = #tpu.pipeline_mode<synchronous>, transform_indices = @transform_8, window_bounds = array<i64: 1, 128>}, {pipeline_mode = #tpu.pipeline_mode<synchronous>, transform_indices = @transform_9, window_bounds = array<i64: 128, 128>}, {pipeline_mode = #tpu.pipeline_mode<synchronous>, transform_indices = @transform_10, window_bounds = array<i64: 1, 128>}, {transform_indices = @transform_11, window_bounds = array<i64: 1000, 128>}, {transform_indices = @transform_12, window_bounds = array<i64: 1000, 32>}]} {
    %get3A = arith.constant 0 : index
    %get3A_0 = arith.constant 0 : index
    %get3A_1 = vector.load %arg3[%get3A, %get3A_0] : memref<1000x128xf32, #tpu.memory_space<vmem>>, vector<1000x128xf32>
    %get3A_2 = arith.constant 0 : index
    %get3A_3 = arith.constant 0 : index
    %get3A_4 = vector.load %arg4[%get3A_2, %get3A_3] : memref<1000x128xf32, #tpu.memory_space<vmem>>, vector<1000x128xf32>
    %add3A = arith.addf %get3A_1, %get3A_4 : vector<1000x128xf32>
    %get3A_5 = arith.constant 0 : index
    %get3A_6 = arith.constant 0 : index
    %get3A_7 = vector.load %arg1[%get3A_5, %get3A_6] : memref<1000x128xf32, #tpu.memory_space<vmem>>, vector<1000x128xf32>
    %get3A_8 = arith.constant 0 : index
    %get3A_9 = arith.constant 0 : index
    %get3A_10 = vector.load %arg7[%get3A_8, %get3A_9] : memref<128x128xf32, #tpu.memory_space<vmem>>, vector<128x128xf32>
    %dot_general3A = arith.constant dense<0.000000e+00> : vector<1000x128xf32>
    %dot_general3A_11 = tpu.matmul %get3A_7, %get3A_10, %dot_general3A {dimension_numbers = #tpu.dot_dimension_numbers<[1], [0], [0], [1], [0, 0, 1, 1], [], []>, transpose_lhs_hint = false} : vector<1000x128xf32>, vector<128x128xf32>, vector<1000x128xf32> -> vector<1000x128xf32>
    %get3A_12 = arith.constant 0 : index
    %get3A_13 = arith.constant 0 : index
    %get3A_14 = vector.load %arg8[%get3A_12, %get3A_13] : memref<128x128xf32, #tpu.memory_space<vmem>>, vector<128x128xf32>
    %dot_general3A_15 = arith.constant dense<0.000000e+00> : vector<1000x128xf32>
    %dot_general3A_16 = tpu.matmul %add3A, %get3A_14, %dot_general3A_15 {dimension_numbers = #tpu.dot_dimension_numbers<[1], [0], [0], [1], [0, 0, 1, 1], [], []>, transpose_lhs_hint = false} : vector<1000x128xf32>, vector<128x128xf32>, vector<1000x128xf32> -> vector<1000x128xf32>
    %add3A_17 = arith.addf %dot_general3A_11, %dot_general3A_16 : vector<1000x128xf32>
    %get3A_18 = arith.constant 0 : index
    %get3A_19 = arith.constant 0 : index
    %get3A_20 = vector.load %arg9[%get3A_18, %get3A_19] : memref<1x128xf32, #tpu.memory_space<vmem>>, vector<1x128xf32>
    %add3A_21 = vector.broadcast %get3A_20 : vector<1x128xf32> to vector<1000x128xf32>
    %add3A_22 = arith.addf %add3A_17, %add3A_21 : vector<1000x128xf32>
    %neg3A = arith.constant 0.000000e+00 : f32
    %neg3A_23 = vector.broadcast %neg3A : f32 to vector<1000x128xf32>
    %neg3A_24 = arith.subf %neg3A_23, %add3A_22 : vector<1000x128xf32>
    %exp3A = math.exp %neg3A_24 : vector<1000x128xf32>
    %add3A_25 = arith.constant 1.000000e+00 : f32
    %add3A_26 = vector.broadcast %add3A_25 : f32 to vector<1000x128xf32>
    %add3A_27 = arith.addf %add3A_26, %exp3A : vector<1000x128xf32>
    %div3A = arith.constant 1.000000e+00 : f32
    %div3A_28 = vector.broadcast %div3A : f32 to vector<1000x128xf32>
    %div3A_29 = arith.divf %div3A_28, %add3A_27 : vector<1000x128xf32>
    %mul3A = arith.mulf %add3A_22, %div3A_29 : vector<1000x128xf32>
    %get3A_30 = arith.constant 0 : index
    %get3A_31 = arith.constant 0 : index
    %get3A_32 = vector.load %arg10[%get3A_30, %get3A_31] : memref<128x128xf32, #tpu.memory_space<vmem>>, vector<128x128xf32>
    %dot_general3A_33 = arith.constant dense<0.000000e+00> : vector<1000x128xf32>
    %dot_general3A_34 = tpu.matmul %mul3A, %get3A_32, %dot_general3A_33 {dimension_numbers = #tpu.dot_dimension_numbers<[1], [0], [0], [1], [0, 0, 1, 1], [], []>, transpose_lhs_hint = false} : vector<1000x128xf32>, vector<128x128xf32>, vector<1000x128xf32> -> vector<1000x128xf32>
    %get3A_35 = arith.constant 0 : index
    %get3A_36 = arith.constant 0 : index
    %get3A_37 = vector.load %arg11[%get3A_35, %get3A_36] : memref<1x128xf32, #tpu.memory_space<vmem>>, vector<1x128xf32>
    %add3A_38 = vector.broadcast %get3A_37 : vector<1x128xf32> to vector<1000x128xf32>
    %add3A_39 = arith.addf %dot_general3A_34, %add3A_38 : vector<1000x128xf32>
    %swap3A = arith.constant 0 : index
    %swap3A_40 = arith.constant 0 : index
    %swap3A_41 = vector.load %arg12[%swap3A, %swap3A_40] : memref<1000x128xf32, #tpu.memory_space<vmem>>, vector<1000x128xf32>
    tpu.vector_store %arg12[%swap3A, %swap3A_40], %add3A_39 {strides = array<i32>} : memref<1000x128xf32, #tpu.memory_space<vmem>>, vector<1000x128xf32>,
    %get3A_42 = arith.constant 0 : index
    %get3A_43 = arith.constant 0 : index
    %get3A_44 = vector.load %arg5[%get3A_42, %get3A_43] : memref<1000x32xf32, #tpu.memory_space<vmem>>, vector<1000x32xf32>
    %get3A_45 = arith.constant 0 : index
    %get3A_46 = arith.constant 0 : index
    %get3A_47 = vector.load %arg6[%get3A_45, %get3A_46] : memref<1000x32xf32, #tpu.memory_space<vmem>>, vector<1000x32xf32>
    %add3A_48 = arith.addf %get3A_44, %get3A_47 : vector<1000x32xf32>
    %slice3A = vector.extract_strided_slice %add3A_48 {offsets = [0, 1], sizes = [1000, 1], strides = [1, 1]} : vector<1000x32xf32> to vector<1000x1xf32>
    %max3A = arith.constant 1.000000e+00 : f32
    %max3A_49 = vector.broadcast %max3A : f32 to vector<1000x1xf32>
    %max3A_50 = arith.maximumf %slice3A, %max3A_49 : vector<1000x1xf32>
    %get3A_51 = arith.constant 0 : index
    %get3A_52 = arith.constant 0 : index
    %get3A_53 = vector.load %arg2[%get3A_51, %get3A_52] : memref<1000x32xf32, #tpu.memory_space<vmem>>, vector<1000x32xf32>
    %div3A_54 = vector.broadcast %max3A_50 : vector<1000x1xf32> to vector<1000x32xf32>
    %div3A_55 = arith.divf %add3A_48, %div3A_54 : vector<1000x32xf32>
    %add3A_56 = arith.addf %get3A_53, %div3A_55 : vector<1000x32xf32>
    %swap3A_57 = arith.constant 0 : index
    %swap3A_58 = arith.constant 0 : index
    %swap3A_59 = vector.load %arg13[%swap3A_57, %swap3A_58] : memref<1000x32xf32, #tpu.memory_space<vmem>>, vector<1000x32xf32>
    tpu.vector_store %arg13[%swap3A_57, %swap3A_58], %add3A_56 {strides = array<i32>} : memref<1000x32xf32, #tpu.memory_space<vmem>>, vector<1000x32xf32>,
    return
  }
  func.func @transform_0(%arg0: i32) -> (i32, i32) {
    %c0_i32 = arith.constant 0 : i32
    %c0_i32_0 = arith.constant 0 : i32
    return %arg0, %c0_i32 : i32, i32
  }
  func.func @transform_1(%arg0: i32) -> (i32, i32) {
    %c0_i32 = arith.constant 0 : i32
    %c0_i32_0 = arith.constant 0 : i32
    return %arg0, %c0_i32 : i32, i32
  }
  func.func @transform_2(%arg0: i32) -> (i32, i32) {
    %c0_i32 = arith.constant 0 : i32
    %c0_i32_0 = arith.constant 0 : i32
    return %arg0, %c0_i32 : i32, i32
  }
  func.func @transform_3(%arg0: i32) -> (i32, i32) {
    %c0_i32 = arith.constant 0 : i32
    %c0_i32_0 = arith.constant 0 : i32
    return %arg0, %c0_i32 : i32, i32
  }
  func.func @transform_4(%arg0: i32) -> (i32, i32) {
    %c0_i32 = arith.constant 0 : i32
    %c0_i32_0 = arith.constant 0 : i32
    return %arg0, %c0_i32 : i32, i32
  }
  func.func @transform_5(%arg0: i32) -> (i32, i32) {
    %c0_i32 = arith.constant 0 : i32
    %c0_i32_0 = arith.constant 0 : i32
    return %arg0, %c0_i32 : i32, i32
  }
  func.func @transform_6(%arg0: i32) -> (i32, i32) {
    %c0_i32 = arith.constant 0 : i32
    %c0_i32_0 = arith.constant 0 : i32
    %c0_i32_1 = arith.constant 0 : i32
    return %c0_i32, %c0_i32_0 : i32, i32
  }
  func.func @transform_7(%arg0: i32) -> (i32, i32) {
    %c0_i32 = arith.constant 0 : i32
    %c0_i32_0 = arith.constant 0 : i32
    %c0_i32_1 = arith.constant 0 : i32
    return %c0_i32, %c0_i32_0 : i32, i32
  }
  func.func @transform_8(%arg0: i32) -> (i32, i32) {
    %c0_i32 = arith.constant 0 : i32
    %c0_i32_0 = arith.constant 0 : i32
    %c0_i32_1 = arith.constant 0 : i32
    return %c0_i32, %c0_i32_0 : i32, i32
  }
  func.func @transform_9(%arg0: i32) -> (i32, i32) {
    %c0_i32 = arith.constant 0 : i32
    %c0_i32_0 = arith.constant 0 : i32
    %c0_i32_1 = arith.constant 0 : i32
    return %c0_i32, %c0_i32_0 : i32, i32
  }
  func.func @transform_10(%arg0: i32) -> (i32, i32) {
    %c0_i32 = arith.constant 0 : i32
    %c0_i32_0 = arith.constant 0 : i32
    %c0_i32_1 = arith.constant 0 : i32
    return %c0_i32, %c0_i32_0 : i32, i32
  }
  func.func @transform_11(%arg0: i32) -> (i32, i32) {
    %c0_i32 = arith.constant 0 : i32
    %c0_i32_0 = arith.constant 0 : i32
    return %arg0, %c0_i32 : i32, i32
  }
  func.func @transform_12(%arg0: i32) -> (i32, i32) {
    %c0_i32 = arith.constant 0 : i32
    %c0_i32_0 = arith.constant 0 : i32
    return %arg0, %c0_i32 : i32, i32
  }
}

</mosaic_0001>

<sc_bundles>
// kernel: kernel.10.cloned.1.call-start
scs
__scs_entry_jumppad:
0x0: {  	(pc) =	sbr.rel $0x88, $3  }
0x1: {  	(tag) =	ssettag $0x0;
	lr =	simm.s32 $0x1  }
0x2: {  	[smem:$0x3F93] =	sst lr;
	_ =	strace $0xD0000000  }
0x3: {  	_ = 	snop  }
0x4: {  	_ = 	snop  }
0x5: {  	_ = 	snop  }
0x6: {  	_ = 	snop  }
0x7: {  	_ = 	snop  }
__scs_overlays_trampoline_lowered:
0x8: {  	[smem:$0x3FA2] =	sst s0  }
0x9: {  	[smem:$0x3FA3] =	sst s1  }
0xa: {  	[smem:$0x3FA4] =	sst s2  }
0xb: {  	[smem:$0x3FA5] =	sst s3  }
0xc: {  	[smem:$0x3FA6] =	sst s4  }
0xd: {  	[smem:$0x3FA7] =	sst s5  }
0xe: {  	[smem:$0x3FA8] =	sst s6  }
0xf: {  	[smem:$0x3FA9] =	sst s7  }
0x10: {  	[smem:$0x3FAA] =	sst s8  }
0x11: {  	[smem:$0x3FAB] =	sst s9;
	s0 =	simm.s32 @!p0 $0x0  }
0x12: {  	s1 =	sld [smem:$0x3F91];
	s0 =	simm.s32 @p0 $0x1  }
0x13: {  	[smem:$0x3FAC] =	sst s0;
	s0 =	simm.s32 @!p1 $0x0  }
0x14: {  	s2 =	sld [smem:$0x3F90];
	s0 =	simm.s32 @p1 $0x1  }
0x15: {  	[smem:$0x3FAD] =	sst s0;
	s0 =	simm.s32 @!p2 $0x0  }
0x16: {  	s3 =	sld [smem:$0x3FDB];
	s0 =	simm.s32 @p2 $0x1  }
0x17: {  	s4 =	simm.s32 $0x1BF5;
	[smem:$0x3FAF] =	sst s0  }
0x18: {  	s0 =	sld [smem:$0x3F92];
	_ =	swait.ge [sflag:s4], $0x0  }
0x19: {  	s7 =	sld [smem:$0x3F93]  }
0x1a: {  	s8 =	sadd.s32 $0xFFFFE003, lr  }
0x1b: {  	s9 =	sadd.s32 $0xFFFFFEF7, lr;
	s5 =	simm.s32 $0xFFFFFFFF;
	p2 =	slt.u32 s8, $0xFFFFF086  }
0x1c: {  	p1 =	slt.u32 s9, $0xF7A;
	s5 =	simm.s32 @!p2 $0x0  }
0x1d: {  	s5 =	simm.s32 @p1 $0x1;
	p0 =	seq.s32 s7, s2  }
0x1e: {  	s7 =	smul.u32 @!p0 $0xF7A, s2;
	p2 =	seq.s32 @!p0 s5, $0x0  }
0x1f: {  	s9 =	smul.u32 $0xF7A, s1;
	s8 =	simm.s32 @!p0 $0x1BF5;
	p2 =	por !p2, p0  }
0x20: {  	[sflag:s8] =	ssyncset.s32 @!p0 $0xFFFFF086;
	s6 =	sadd.s32 @!p0 s3, s7;
	s7 =	simm.s32 @!p0 $0x108  }
0x21: {  	s3 =	sadd.s32 s3, s9;
	s6 =	sadd.s32 @!p0 $0x88, s6;
	s7 =	simm.s32 @p2 $0x1082  }
0x22: {  	[simem:s7], [sflag:s8] =	dma.local @!p0 [hbm:s6], $0xF7A  }
0x23: {  	s9 =	sor.u32 $0xD0000000, s2;
	s6 =	simm.s32 $0x108;
	_ =	swait.ge @!p0 [sflag:s8], $0x0  }
0x24: {  	s3 =	sadd.s32 $0x88, s3;
	s6 =	simm.s32 @!p1 $0x1082;
	[sflag:s4] =	ssyncset.s32 $0xFFFFF086  }
0x25: {  	[simem:s6], [sflag:s4] =	dma.local [hbm:s3], $0xF7A  }
0x26: {  	[smem:$0x3F93] =	sst s1;
	(tag) =	ssettag s2;
	_ =	strace s9  }
0x27: {  	s1 =	sld [smem:$0x3FA3]  }
0x28: {  	s2 =	sld [smem:$0x3FA4]  }
0x29: {  	s4 =	sld [smem:$0x3FA6]  }
0x2a: {  	p0 =	seq.s32 s5, $0x0;
	s5 =	sld [smem:$0x3FA7]  }
0x2b: {  	s6 =	sld [smem:$0x3FA8]  }
0x2c: {  	s7 =	sld [smem:$0x3FA9]  }
0x2d: {  	s3 =	simm.s32 $0x108;
	s8 =	sld [smem:$0x3FAA]  }
0x2e: {  	s3 =	simm.s32 @!p0 $0x1082;
	s9 =	sld [smem:$0x3FAB]  }
0x2f: {  	lr =	sadd.s32 s0, s3;
	s0 =	sld [smem:$0x3FA2]  }
0x30: {  	s3 =	sld [smem:$0x3FA5]  }
0x31: {  	[smem:$0x3FAE] =	sst s10  }
0x32: {  	s10 =	sld [smem:$0x3FAC];
	_ =	sdelay $0x3  }
0x33: {  	p0 =	seq.s32 s10, $0x1;
	s10 =	sld [smem:$0x3FAE];
	_ =	sdelay $0x3  }
0x34: {  	[smem:$0x3FAE] =	sst s10  }
0x35: {  	s10 =	sld [smem:$0x3FAD];
	_ =	sdelay $0x3  }
0x36: {  	p1 =	seq.s32 s10, $0x1;
	s10 =	sld [smem:$0x3FAE];
	_ =	sdelay $0x3  }
0x37: {  	[smem:$0x3FAE] =	sst s10  }
0x38: {  	s10 =	sld [smem:$0x3FAF]  }
0x39: {  	_ = 	snop;
	(pc) =	sbr.ind lr, $3  }
0x3a: {  	_ = 	snop  }
0x3b: {  	_ = 	snop  }
0x3c: {  	p2 =	seq.s32 s10, $0x1;
	s10 =	sld [smem:$0x3FAE]  }
0x3d: {  	_ =	shalt  }
0x3e: {  	_ =	shalt  }
0x3f: {  	_ =	shalt  }
0x40: {  	_ =	shalt  }
0x41: {  	_ =	shalt  }
0x42: {  	_ =	shalt  }
0x43: {  	_ =	shalt  }
0x44: {  	_ =	shalt  }
0x45: {  	_ =	shalt  }
0x46: {  	_ =	shalt  }
0x47: {  	_ =	shalt  }
0x48: {  	_ =	shalt  }
0x49: {  	_ =	shalt  }
0x4a: {  	_ =	shalt  }
0x4b: {  	_ =	shalt  }
0x4c: {  	_ =	shalt  }
0x4d: {  	_ =	shalt  }
0x4e: {  	_ =	shalt  }
0x4f: {  	_ =	shalt  }
0x50: {  	_ =	shalt  }
0x51: {  	_ =	shalt  }
0x52: {  	_ =	shalt  }
0x53: {  	_ =	shalt  }
0x54: {  	_ =	shalt  }
0x55: {  	_ =	shalt  }
0x56: {  	_ =	shalt  }
0x57: {  	_ =	shalt  }
0x58: {  	_ =	shalt  }
0x59: {  	_ =	shalt  }
0x5a: {  	_ =	shalt  }
0x5b: {  	_ =	shalt  }
0x5c: {  	_ =	shalt  }
0x5d: {  	_ =	shalt  }
0x5e: {  	_ =	shalt  }
0x5f: {  	_ =	shalt  }
0x60: {  	_ =	shalt  }
0x61: {  	_ =	shalt  }
0x62: {  	_ =	shalt  }
0x63: {  	_ =	shalt  }
0x64: {  	_ =	shalt  }
0x65: {  	_ =	shalt  }
0x66: {  	_ =	shalt  }
0x67: {  	_ =	shalt  }
0x68: {  	_ =	shalt  }
0x69: {  	_ =	shalt  }
0x6a: {  	_ =	shalt  }
0x6b: {  	_ =	shalt  }
0x6c: {  	_ =	shalt  }
0x6d: {  	_ =	shalt  }
0x6e: {  	_ =	shalt  }
0x6f: {  	_ =	shalt  }
0x70: {  	_ =	shalt  }
0x71: {  	_ =	shalt  }
0x72: {  	_ =	shalt  }
0x73: {  	_ =	shalt  }
0x74: {  	_ =	shalt  }
0x75: {  	_ =	shalt  }
0x76: {  	_ =	shalt  }
0x77: {  	_ =	shalt  }
0x78: {  	_ =	shalt  }
0x79: {  	_ =	shalt  }
0x7a: {  	_ =	shalt  }
0x7b: {  	_ =	shalt  }
0x7c: {  	_ =	shalt  }
0x7d: {  	_ =	shalt  }
0x7e: {  	_ =	shalt  }
0x7f: {  	_ =	shalt  }
0x80: {  	_ =	shalt  }
0x81: {  	_ =	shalt  }
0x82: {  	_ =	shalt  }
0x83: {  	_ =	shalt  }
0x84: {  	_ =	shalt  }
0x85: {  	_ =	shalt  }
0x86: {  	_ =	shalt  }
0x87: {  	_ =	shalt  }
.Lfunc_end0:
.L_simem_size_0:
called_computation.1_lowered:
.L_overlay_start_0:
0x88: {  	s2 =	sld [smem:$0x3FD9]  }
0x89: {  	s3 =	sld [smem:$0x3FFE];
	_ =	sdelay $0x1  }
0x8a: {  	s1 =	srdreg.scid  }
0x8b: {  	s0 =	sand.u32 $0x1, s1  }
0x8c: {  	s14 =	sshll.u32 s0, $0xA;
	s2 =	sadd.s32 s3, s2  }
0x8d: {  	s2 =	sadd.s32 s2, s14  }
0x8e: {  	[smem:$0x3FBA] =	sst s2  }
0x8f: {  	_ = 	snop  }
0x90: {  	s2 =	sld [smem:$0x3FD0];
	_ =	sdelay $0x2  }
0x91: {  	s15 =	simm.s32 $0xA;
	s4 =	simm.s32 $0x10  }
0x92: {  	[smem:s4], [sflag:s15] =	dma.local [hbm:s2], $0x1  }
0x93: {  	_ =	swait.eq [sflag:s15], $0x1  }
0x94: {  	[sflag:s15] =	ssyncset.done $0x0  }
0x95: {  	s16 =	sld [smem:$0x10];
	[sflag:s15] =	ssyncadd.s32 $0xFFFFFFFF  }
0x96: {  	s17 =	sld [smem:$0x11];
	(tm) =	ssettm $0x1  }
0x97: {  	s18 =	sld [smem:$0x3FFB];
	_ =	sdelay $0x3  }
0x98: {  	_ =	strace s18  }
0x99: {  	s4 =	sld [smem:$0x3FFC];
	_ =	sdelay $0x3  }
0x9a: {  	_ =	strace s4  }
0x9b: {  	s4 =	sld [smem:$0x3FFD];
	_ =	sdelay $0x3  }
0x9c: {  	_ =	strace s4  }
0x9d: {  	_ =	strace $0x8FFFFFFF  }
0x9e: {  	s19 =	sld [smem:$0x3FDB];
	_ =	sdelay $0x1  }
0x9f: {  	s5 =	simm.s32 $_scs_section_size  }
0xa0: {  	s6 =	simm.s32 $_size__tile_overlayer_lowered;
	s7 =	simm.s32 $_tile_overlayer_lowered  }
0xa1: {  	s22 =	simm.s32 $0x1BFF;
	s21 =	sshll.u32 s7, $0x1;
	s4 =	sadd.s32 s5, s19  }
0xa2: {  	s8 =	simm.s32 $0x0;
	s20 =	sshll.u32 s6, $0x1;
	s6 =	sadd.s32 s21, s4  }
0xa3: {  	[timem:s8], [sflag:s22] =	dma.local [hbm:s6], s20  }
0xa4: {  	_ =	swait.ge [sflag:s22], s20  }
0xa5: {  	s5 =	ssub.s32 $0x0, s20;
	[sflag:s22] =	ssyncset.done $0x0  }
0xa6: {  	[sflag:s22] =	ssyncadd.s32 s5;
	_ =	sdelay $0x1  }
0xa7: {  	s23 =	simm.s32 $0x1B8B  }
0xa8: {  	_ =	swait.ge [sflag:s23], $0x1  }
0xa9: {  	[sflag:s23] =	ssyncset.done $0x0  }
0xaa: {  	s25 =	simm.s32 $0x1B8E;
	s24 =	sld [smem:$0x3FFE];
	[sflag:s23] =	ssyncadd.s32 $0xFFFFFFFF  }
0xab: {  	s26 =	simm.s32 $execute0_lowered;
	[smem:$0x3FD2] =	sst s25  }
0xac: {  	s6 =	sshll.u32 s26, $0x1;
	_ =	strace $0x80000049;
	[dreg:$0x1] =	wrdreg $0xFFFFFFFF  }
0xad: {  	s28 =	simm.s32 $_size_execute0_lowered;
	s4 =	sadd.s32 s4, s6;
	[dreg:$0x0] =	wrdreg $0x0  }
0xae: {  	s6 =	sshll.u32 s28, $0x1;
	[dreg:$0x2] =	wrdreg s4  }
0xaf: {  	[dreg:$0x3] =	wrdreg s6  }
0xb0: {  	[dreg:$0x4] =	wrdreg $0xC0  }
0xb1: {  	_ =	task [dreg:s8], $0x5FFFF  }
0xb2: {  	[dreg:$0x1] =	wrdreg $0xFFFFFFFF  }
0xb3: {  	[dreg:$0x0] =	wrdreg $0x60  }
0xb4: {  	[dreg:$0x2] =	wrdreg s24  }
0xb5: {  	[dreg:$0x3] =	wrdreg s17  }
0xb6: {  	[dreg:$0x4] =	wrdreg s16  }
0xb7: {  	[dreg:$0x5] =	wrdreg $0x64A00  }
0xb8: {  	[dreg:$0x6] =	wrdreg $0x19D200  }
0xb9: {  	[dreg:$0x7] =	wrdreg $0x9  }
0xba: {  	_ =	task.clear_ibuf [dreg:s8], $0x8FFFF;
	_ =	strace $0x90000049  }
0xbb: {  	s29 =	simm.s32 $0x9;
	_ =	strace $0x8000004B  }
0xbc: {  	_ =	swait.ge [sflag:s29], $0x1  }
0xbd: {  	[sflag:s29] =	ssyncadd.s32 $0xFFFFFFFF  }
0xbe: {  	_ =	strace $0x9000004B  }
0xbf: {  	_ =	sfence  }
0xc0: {  	s30 =	sld [smem:$0x0];
	_ =	sdelay $0x2  }
0xc1: {  	s31 =	sshll.u32 s1, $0xD;
	s1 =	sshrl.u32 s1, $0x2  }
0xc2: {  	s3 =	sand.u32 $0x4000, s31;
	s1 =	sadd.s32 s1, s30  }
0xc3: {  	s0 =	sor.u32 s3, s0;
	s1 =	sshll.u32 s1, $0x11  }
0xc4: {  	s0 =	sor.u32 s1, s0  }
0xc5: {  	s0 =	sadd.s32 $0x8F2B, s0  }
0xc6: {  	[sflag:s0] =	ssyncadd.remote.s32 $0x1  }
0xc7: {  	_ =	sfence.sel $0xFFFF  }
0xc8: {  	[dreg:$0x0] =	wrdreg $0xFFFFFFFF;
	(pc) =	sbr.abs _section_cstart, $3  }
0xc9: {  	[dreg:$0x1] =	wrdreg $0xFFFFFFFF  }
0xca: {  	_ =	task.clear_ibuf [dreg:s8], $0x2FFFF;
	_ =	strace $0x9FFFFFFF  }
0xcb: {  	(tm) =	ssettm $0x7FFFFFFF  }
tec
execute0_lowered:
.L_overlay_start_1:
0x0: {  	(tag) =	ssettag $0x1  }
0x1: {  	s0 =	rddreg [dreg:$0x0]  }
0x2: {  	s1 =	rddreg [dreg:$0x2]  }
0x3: {  	s2 =	rddreg [dreg:$0x3]  }
0x4: {  	s3 =	rddreg [dreg:$0x4];
	s5 =	simm.s32 $0x0;
	s4 =	srdreg.scid  }
0x5: {  	s17 =	stileid.u32;
	s28 =	simm.s32 $0x28A0;
	s29 =	simm.s32 $0x5AA0  }
0x6: {  	s30 =	simm.s32 $0x1;
	s31 =	simm.s32 $0x2;
	s7 =	smul.u32 $0x271, s17  }
0x7: {  	[smem:$0x7FF] =	sst s5;
	s4 =	sand.u32 $0x1, s4;
	s13 =	smul.u32 $0x4E200, s17  }
0x8: {  	s8 =	sadd.s32 $0x1028000, s0;
	s9 =	sshll.u32 s17, $0x1;
	s14 =	smul.u32 $0x13880, s17  }
0x9: {  	s15 =	sadd.s32 $0x512200, s0;
	s26 =	sshll.u32 s17, $0x6;
	s17 =	smul.u32 $0x4E20, s17  }
0xa: {  	s6 =	sadd.s32 $0x26400, s0;
	s10 =	smul.u32 $0x2710, s4;
	s9 =	sor.u32 s4, s9  }
0xb: {  	s11 =	sadd.s32 $0x3E00, s0;
	_ =	strace $0x8000004A;
	s22 =	smul.u32 $0x2710, s9  }
0xc: {  	[dreg:$0x6] =	wrdreg s11;
	s4 =	ssub.s32 $0x2, s4;
	s25 =	smul.u32 $0x27100, s9  }
0xd: {  	s23 =	sshrl.u32 s4, $0x1;
	s24 =	sshrl.u32 s13, $0x2;
	s16 =	smul.u32 $0x9C40, s9  }
0xe: {  	s14 =	sshrl.u32 s14, $0x2;
	s9 =	sor.u32 $0x1C03, s26;
	s7 =	sadd.s32 s7, s10  }
0xf: {  	s4 =	ssub.s32 s4, s23;
	s18 =	sadd.s32 s14, s3;
	s10 =	sadd.s32 s10, s17  }
0x10: {  	s12 =	sshll.u32 s7, $0x4;
	s11 =	sshrl.u32 s22, $0x3;
	[dreg:$0x8] =	wrdreg s18  }
0x11: {  	s19 =	sadd.s32 s8, s25;
	s20 =	sadd.s32 s15, s16;
	s21 =	sshll.u32 s7, $0x2  }
0x12: {  	s17 =	smax.u32 s4, $0x1;
	s0 =	sadd.s32 s12, s0;
	[dreg:$0xa] =	wrdreg s19  }
0x13: {  	s12 =	sadd.s32 s24, s2;
	s11 =	sadd.s32 s6, s11;
	[dreg:$0xb] =	wrdreg s20  }
0x14: {  	s16 =	sadd.s32 s1, s21;
	s24 =	sadd.s32 $0x50, s10;
	[dreg:$0x7] =	wrdreg s12  }
0x15: {  	[dreg:$0x9] =	wrdreg s11;
	s0 =	sadd.s32 $0x30200, s0;
	s12 =	sadd.s32 $0xA0, s10  }
0x16: {  	s25 =	sshrl.u32 s24, $0x4;
	s4 =	sshrl.u32 s24, $0x3;
	s24 =	simm.s32 $0xA0  }
0x17: {  	[dreg:$0xc] =	wrdreg s0;
	s22 =	sshrl.u32 s12, $0x4;
	s26 =	sshll.u32 s25, $0x6  }
0x18: {  	s23 =	sshll.u32 s22, $0x6;
	s0 =	sshll.u32 s22, $0x8;
	s20 =	sadd.s32 s26, s15  }
0x19: {  	s22 =	sadd.s32 s4, s6;
	s26 =	simm.s32 $0x50;
	s18 =	sadd.s32 s23, s15  }
0x1a: {  	s11 =	sadd.s32 s0, s8;
	s0 =	sshll.u32 s25, $0x8;
	s23 =	simm.s32 $0x3  }
0x1b: {  	s25 =	simm.s32 $0x50A0;
	s21 =	sadd.s32 s0, s8;
	s0 =	simm.s32 $0x0  }
.LBB2_1:
0x1c: {  	s1 =	rddreg [dreg:$0x7]  }
0x1d: {  	s19 =	rddreg [dreg:$0x6];
	s4 =	sshrl.u32 s1, $0x3  }
0x1e: {  	[spmem:s4], [sflag:s9] =	dma.local [hbm:s19], $0x2710  }
0x1f: {  	_ =	swait.ge [sflag:s23], $0x2710  }
0x20: {  	[sflag:s23] =	ssyncset.done $0x0  }
0x21: {  	s7 =	rddreg [dreg:$0x8];
	[sflag:s23] =	ssyncadd.s32 $0xFFFFD8F0  }
0x22: {  	s1 =	sshrl.u32 s7, $0x3;
	s7 =	rddreg [dreg:$0x1]  }
0x23: {  	[spmem:s1], [sflag:s9] =	dma.local [hbm:s7], $0x9C4  }
0x24: {  	_ =	swait.ge [sflag:s23], $0x9C4  }
0x25: {  	[sflag:s23] =	ssyncset.done $0x0  }
0x26: {  	[sflag:s23] =	ssyncadd.s32 $0xFFFFF63C  }
0x27: {  	[bflag:$0x0] =	sbarrier.arrive $0xFFFF  }
0x28: {  	s8 =	rddreg [dreg:$0x9]  }
0x29: {  	[tilespmem:s5], [sflag:$0x1] =	stream.linear.gather [hbm4b:s8+s5], $0x50, $0x38;
	[tilespmem:$0x1EB40] =	vst v63  }
0x2a: {  	s10 =	rddreg [dreg:$0xa]  }
0x2b: {  	[tilespmem:s24], [sflag:$0x1] =	stream.linear.gather [hbm4b:s10+s5], $0x2800, $0x38;
	[tilespmem:$0x1EB40] =	vst v63  }
0x2c: {  	s13 =	rddreg [dreg:$0xb]  }
0x2d: {  	[tilespmem:s25], [sflag:$0x1] =	stream.linear.gather [hbm4b:s13+s5], $0xA00, $0x38;
	[tilespmem:$0x1EB40] =	vst v63  }
0x2e: {  	_ = 	snop  }
0x2f: {  	[tilespmem:s26], [sflag:$0x2] =	stream.linear.gather [hbm4b:s22+s5], $0x50, $0x38;
	[tilespmem:$0x1EB40] =	vst v63  }
0x30: {  	_ = 	snop  }
0x31: {  	[tilespmem:s28], [sflag:$0x2] =	stream.linear.gather [hbm4b:s21+s5], $0x2800, $0x38;
	[tilespmem:$0x1EB40] =	vst v63  }
0x32: {  	s14 =	sadd.s32 $0x0, s20  }
0x33: {  	[tilespmem:s29], [sflag:$0x2] =	stream.linear.gather [hbm4b:s14+s5], $0xA00, $0x38;
	[tilespmem:$0x1EB40] =	vst v63  }
0x34: {  	_ =	swait.ge [sflag:s30], $0x50  }
0x35: {  	[sflag:s30] =	ssyncset.done $0x0  }
0x36: {  	[sflag:s30] =	ssyncadd.s32 $0xFFFFFFB0  }
0x37: {  	_ =	swait.ge [sflag:s30], $0x2800  }
0x38: {  	[sflag:s30] =	ssyncset.done $0x0  }
0x39: {  	[sflag:s30] =	ssyncadd.s32 $0xFFFFD800  }
0x3a: {  	_ =	swait.ge [sflag:s30], $0xA00  }
0x3b: {  	[sflag:s30] =	ssyncset.done $0x0  }
0x3c: {  	[sflag:s30] =	ssyncadd.s32 $0xFFFFF600  }
0x3d: {  	[spmem:s2] =	stream.indirect.scatter.add.f32 [tilespmem:s24], [sflag:$0x3], $0x80, s5, s26, $0xb8;
	[tilespmem:$0x1EB40] =	vst v63  }
0x3e: {  	_ =	swait.ge [sflag:s23], $0x2800  }
0x3f: {  	[sflag:s23] =	ssyncset.done $0x0  }
0x40: {  	[sflag:s23] =	ssyncadd.s32 $0xFFFFD800  }
0x41: {  	[spmem:s3] =	stream.indirect.scatter.add.f32 [tilespmem:s25], [sflag:$0x3], $0x20, s5, s26, $0xb8;
	[tilespmem:$0x1EB40] =	vst v63  }
0x42: {  	_ =	swait.ge [sflag:s23], $0xA00  }
0x43: {  	s15 =	sshrl.u32 s12, $0x3;
	[sflag:s23] =	ssyncset.done $0x0  }
0x44: {  	s7 =	sadd.s32 s6, s15;
	[sflag:s23] =	ssyncadd.s32 $0xFFFFF600  }
0x45: {  	[tilespmem:s5], [sflag:$0x1] =	stream.linear.gather [hbm4b:s7+s5], $0x50, $0x38;
	[tilespmem:$0x1EB40] =	vst v63  }
0x46: {  	_ = 	snop  }
0x47: {  	[tilespmem:s24], [sflag:$0x1] =	stream.linear.gather [hbm4b:s11+s5], $0x2800, $0x38;
	[tilespmem:$0x1EB40] =	vst v63  }
0x48: {  	s19 =	sadd.s32 $0x0, s18  }
0x49: {  	[tilespmem:s25], [sflag:$0x1] =	stream.linear.gather [hbm4b:s19+s5], $0xA00, $0x38;
	[tilespmem:$0x1EB40] =	vst v63  }
0x4a: {  	_ =	swait.ge [sflag:s31], $0x50  }
0x4b: {  	[sflag:s31] =	ssyncset.done $0x0  }
0x4c: {  	[sflag:s31] =	ssyncadd.s32 $0xFFFFFFB0  }
0x4d: {  	_ =	swait.ge [sflag:s31], $0x2800  }
0x4e: {  	[sflag:s31] =	ssyncset.done $0x0  }
0x4f: {  	[sflag:s31] =	ssyncadd.s32 $0xFFFFD800  }
0x50: {  	_ =	swait.ge [sflag:s31], $0xA00  }
0x51: {  	[sflag:s31] =	ssyncset.done $0x0  }
0x52: {  	[sflag:s31] =	ssyncadd.s32 $0xFFFFF600  }
0x53: {  	[spmem:s2] =	stream.indirect.scatter.add.f32 [tilespmem:s28], [sflag:$0x3], $0x80, s26, s26, $0xb8;
	[tilespmem:$0x1EB40] =	vst v63  }
0x54: {  	_ =	swait.ge [sflag:s23], $0x2800  }
0x55: {  	[sflag:s23] =	ssyncset.done $0x0  }
0x56: {  	s15 =	smov.u32 s12;
	[sflag:s23] =	ssyncadd.s32 $0xFFFFD800  }
0x57: {  	[spmem:s3] =	stream.indirect.scatter.add.f32 [tilespmem:s29], [sflag:$0x3], $0x20, s26, s26, $0xb8;
	[tilespmem:$0x1EB40] =	vst v63  }
0x58: {  	s8 =	sadd.s32 $0xA00, s21;
	s10 =	sadd.s32 $0x14, s22;
	_ =	swait.ge [sflag:s23], $0xA00  }
0x59: {  	s7 =	simm.s32 $0x280;
	s19 =	smov.u32 s11;
	[sflag:s23] =	ssyncset.done $0x0  }
.LBB2_2:
0x5a: {  	[sflag:s23] =	ssyncadd.s32 $0xFFFFF600;
	s19 =	sadd.s32 $0xA00, s19;
	s15 =	sadd.s32 $0xA0, s15  }
0x5b: {  	[tilespmem:s26], [sflag:$0x2] =	stream.linear.gather [hbm4b:s10+s5], $0x50, $0x38;
	[tilespmem:$0x1EB40] =	vst v63  }
0x5c: {  	p0 =	sne.s32 s7, $0x9880;
	s13 =	smov.u32 s7;
	s7 =	sadd.s32 $0x280, s7  }
0x5d: {  	[tilespmem:s28], [sflag:$0x2] =	stream.linear.gather [hbm4b:s8+s5], $0x2800, $0x38;
	[tilespmem:$0x1EB40] =	vst v63  }
0x5e: {  	s14 =	sadd.s32 s13, s20  }
0x5f: {  	[tilespmem:s29], [sflag:$0x2] =	stream.linear.gather [hbm4b:s14+s5], $0xA00, $0x38;
	[tilespmem:$0x1EB40] =	vst v63  }
0x60: {  	_ =	swait.ge [sflag:s30], $0x50  }
0x61: {  	[sflag:s30] =	ssyncset.done $0x0  }
0x62: {  	[sflag:s30] =	ssyncadd.s32 $0xFFFFFFB0  }
0x63: {  	_ =	swait.ge [sflag:s30], $0x2800  }
0x64: {  	[sflag:s30] =	ssyncset.done $0x0  }
0x65: {  	[sflag:s30] =	ssyncadd.s32 $0xFFFFD800  }
0x66: {  	_ =	swait.ge [sflag:s30], $0xA00  }
0x67: {  	[sflag:s30] =	ssyncset.done $0x0  }
0x68: {  	[sflag:s30] =	ssyncadd.s32 $0xFFFFF600  }
0x69: {  	[spmem:s2] =	stream.indirect.scatter.add.f32 [tilespmem:s24], [sflag:$0x3], $0x80, s5, s26, $0xb8;
	[tilespmem:$0x1EB40] =	vst v63  }
0x6a: {  	_ =	swait.ge [sflag:s23], $0x2800  }
0x6b: {  	[sflag:s23] =	ssyncset.done $0x0  }
0x6c: {  	[sflag:s23] =	ssyncadd.s32 $0xFFFFD800  }
0x6d: {  	[spmem:s3] =	stream.indirect.scatter.add.f32 [tilespmem:s25], [sflag:$0x3], $0x20, s5, s26, $0xb8;
	[tilespmem:$0x1EB40] =	vst v63  }
0x6e: {  	_ =	swait.ge [sflag:s23], $0xA00  }
0x6f: {  	s14 =	sshrl.u32 s15, $0x3;
	[sflag:s23] =	ssyncset.done $0x0  }
0x70: {  	s14 =	sadd.s32 s6, s14;
	[sflag:s23] =	ssyncadd.s32 $0xFFFFF600  }
0x71: {  	[tilespmem:s5], [sflag:$0x1] =	stream.linear.gather [hbm4b:s14+s5], $0x50, $0x38;
	[tilespmem:$0x1EB40] =	vst v63  }
0x72: {  	_ = 	snop  }
0x73: {  	[tilespmem:s24], [sflag:$0x1] =	stream.linear.gather [hbm4b:s19+s5], $0x2800, $0x38;
	[tilespmem:$0x1EB40] =	vst v63  }
0x74: {  	s13 =	sadd.s32 s13, s18  }
0x75: {  	[tilespmem:s25], [sflag:$0x1] =	stream.linear.gather [hbm4b:s13+s5], $0xA00, $0x38;
	[tilespmem:$0x1EB40] =	vst v63  }
0x76: {  	_ =	swait.ge [sflag:s31], $0x50  }
0x77: {  	[sflag:s31] =	ssyncset.done $0x0  }
0x78: {  	[sflag:s31] =	ssyncadd.s32 $0xFFFFFFB0  }
0x79: {  	_ =	swait.ge [sflag:s31], $0x2800  }
0x7a: {  	[sflag:s31] =	ssyncset.done $0x0  }
0x7b: {  	[sflag:s31] =	ssyncadd.s32 $0xFFFFD800  }
0x7c: {  	_ =	swait.ge [sflag:s31], $0xA00  }
0x7d: {  	[sflag:s31] =	ssyncset.done $0x0  }
0x7e: {  	[sflag:s31] =	ssyncadd.s32 $0xFFFFF600  }
0x7f: {  	[spmem:s2] =	stream.indirect.scatter.add.f32 [tilespmem:s28], [sflag:$0x3], $0x80, s26, s26, $0xb8;
	[tilespmem:$0x1EB40] =	vst v63  }
0x80: {  	_ =	swait.ge [sflag:s23], $0x2800  }
.Ltmp0:
0x81: {  	[sflag:s23] =	ssyncset.done $0x0;
	(pc) =	sbr.rel @p0 .LBB2_2-.Ltmp0, $4  }
0x82: {  	[sflag:s23] =	ssyncadd.s32 $0xFFFFD800  }
0x83: {  	[spmem:s3] =	stream.indirect.scatter.add.f32 [tilespmem:s29], [sflag:$0x3], $0x20, s26, s26, $0xb8;
	[tilespmem:$0x1EB40] =	vst v63  }
0x84: {  	_ =	swait.ge [sflag:s23], $0xA00  }
0x85: {  	s10 =	sadd.s32 $0x14, s10;
	s8 =	sadd.s32 $0xA00, s8;
	[sflag:s23] =	ssyncset.done $0x0  }
0x86: {  	[sflag:s23] =	ssyncadd.s32 $0xFFFFF600  }
0x87: {  	_ =	swait.ge [sflag:s30], $0x50  }
0x88: {  	[sflag:s30] =	ssyncset.done $0x0  }
0x89: {  	[sflag:s30] =	ssyncadd.s32 $0xFFFFFFB0  }
0x8a: {  	_ =	swait.ge [sflag:s30], $0x2800  }
0x8b: {  	[sflag:s30] =	ssyncset.done $0x0  }
0x8c: {  	[sflag:s30] =	ssyncadd.s32 $0xFFFFD800  }
0x8d: {  	_ =	swait.ge [sflag:s30], $0xA00  }
0x8e: {  	[sflag:s30] =	ssyncset.done $0x0  }
0x8f: {  	[sflag:s30] =	ssyncadd.s32 $0xFFFFF600  }
0x90: {  	[spmem:s2] =	stream.indirect.scatter.add.f32 [tilespmem:s24], [sflag:$0x3], $0x80, s5, s26, $0xb8;
	[tilespmem:$0x1EB40] =	vst v63  }
0x91: {  	_ =	swait.ge [sflag:s23], $0x2800  }
0x92: {  	[sflag:s23] =	ssyncset.done $0x0  }
0x93: {  	[sflag:s23] =	ssyncadd.s32 $0xFFFFD800  }
0x94: {  	[spmem:s3] =	stream.indirect.scatter.add.f32 [tilespmem:s25], [sflag:$0x3], $0x20, s5, s26, $0xb8;
	[tilespmem:$0x1EB40] =	vst v63  }
0x95: {  	_ =	swait.ge [sflag:s23], $0xA00  }
0x96: {  	[sflag:s23] =	ssyncset.done $0x0  }
0x97: {  	[sflag:s23] =	ssyncadd.s32 $0xFFFFF600  }
0x98: {  	[bflag:$0x0] =	sbarrier.arrive $0xFFFF  }
0x99: {  	s7 =	rddreg [dreg:$0xc]  }
0x9a: {  	[hbm:s7], [sflag:s9] =	dma.local [spmem:s4], $0x2710  }
0x9b: {  	s0 =	sadd.s32 $0x1, s0;
	_ =	swait.ge [sflag:s23], $0x2710  }
0x9c: {  	p0 =	sne.s32 s0, s17;
	[sflag:s23] =	ssyncset.done $0x0  }
.Ltmp1:
0x9d: {  	[sflag:s23] =	ssyncadd.s32 $0xFFFFD8F0;
	(pc) =	sbr.rel @p0 .LBB2_1-.Ltmp1, $4  }
0x9e: {  	[hbm:s16], [sflag:s9] =	dma.local [spmem:s1], $0x9C4  }
0x9f: {  	_ =	swait.ge [sflag:s23], $0x9C4  }
0xa0: {  	[sflag:s23] =	ssyncset.done $0x0  }
0xa1: {  	[sflag:s23] =	ssyncadd.s32 $0xFFFFF63C  }
0xa2: {  	_ =	sfence.sel $0x180000  }
0xa3: {  	[bflag:$0x0] =	sbarrier.arrive $0xFFFF  }
0xa4: {  	_ =	strace $0x9000004A  }
0xa5: {  	s0 =	stileid.u32;
	[bflag:$0x2] =	sbarrier.arrive $0xFFFF  }
0xa6: {  	p0 =	sne.s32 s0, $0x0;
	s0 =	rddreg [dreg:$0x5]  }
0xa7: {  	s0 =	sadd.s32 @!p0 $0x100000, s0  }
0xa8: {  	[sflag:s0] =	ssyncadd.tile.s32 @!p0 $0x1;
	_ =	shalt  }
.Lfunc_end2:
_tile_overlayer_lowered:
.L_overlay_start_2:
0xa9: {  	(tag) =	ssettag $0x2  }
0xaa: {  	s0 =	rddreg [dreg:$0x0];
	s2 =	stileid.u32  }
0xab: {  	s1 =	rddreg [dreg:$0x1];
	p0 =	sne.s32 s2, $0x0  }
0xac: {  	s3 =	rddreg [dreg:$0x2];
	[bflag:$0x3] =	sbarrier.arrive $0xFFFF;
	s2 =	simm.s32 @!p0 $0x1C03  }
0xad: {  	[timem:s3], [sflag:s2] =	dma.local @!p0 [hbm:s0], s1  }
0xae: {  	s0 =	simm.s32 @!p0 $0x3  }
0xaf: {  	_ =	swait.ge @!p0 [sflag:s0], s1  }
0xb0: {  	s1 =	ssub.s32 @!p0 $0x0, s1;
	[sflag:s0] =	ssyncset.done @!p0 $0x0  }
0xb1: {  	[sflag:s0] =	ssyncadd.s32 @!p0 s1  }
0xb2: {  	[bflag:$0x3] =	sbarrier.arrive $0xFFFF  }
0xb3: {  	_ =	shalt  }

// kernel: kernel.7.cloned.1.call-start
scs
__scs_entry_jumppad:
0x0: {  	(pc) =	sbr.rel $0x88, $3  }
0x1: {  	(tag) =	ssettag $0x0;
	lr =	simm.s32 $0x1  }
0x2: {  	[smem:$0x3F93] =	sst lr;
	_ =	strace $0xD0000000  }
0x3: {  	_ = 	snop  }
0x4: {  	_ = 	snop  }
0x5: {  	_ = 	snop  }
0x6: {  	_ = 	snop  }
0x7: {  	_ = 	snop  }
__scs_overlays_trampoline_lowered:
0x8: {  	[smem:$0x3FA2] =	sst s0  }
0x9: {  	[smem:$0x3FA3] =	sst s1  }
0xa: {  	[smem:$0x3FA4] =	sst s2  }
0xb: {  	[smem:$0x3FA5] =	sst s3  }
0xc: {  	[smem:$0x3FA6] =	sst s4  }
0xd: {  	[smem:$0x3FA7] =	sst s5  }
0xe: {  	[smem:$0x3FA8] =	sst s6  }
0xf: {  	[smem:$0x3FA9] =	sst s7  }
0x10: {  	[smem:$0x3FAA] =	sst s8  }
0x11: {  	[smem:$0x3FAB] =	sst s9;
	s0 =	simm.s32 @!p0 $0x0  }
0x12: {  	s1 =	sld [smem:$0x3F91];
	s0 =	simm.s32 @p0 $0x1  }
0x13: {  	[smem:$0x3FAC] =	sst s0;
	s0 =	simm.s32 @!p1 $0x0  }
0x14: {  	s2 =	sld [smem:$0x3F90];
	s0 =	simm.s32 @p1 $0x1  }
0x15: {  	[smem:$0x3FAD] =	sst s0;
	s0 =	simm.s32 @!p2 $0x0  }
0x16: {  	s3 =	sld [smem:$0x3FDB];
	s0 =	simm.s32 @p2 $0x1  }
0x17: {  	s4 =	simm.s32 $0x1BF5;
	[smem:$0x3FAF] =	sst s0  }
0x18: {  	s0 =	sld [smem:$0x3F92];
	_ =	swait.ge [sflag:s4], $0x0  }
0x19: {  	s7 =	sld [smem:$0x3F93]  }
0x1a: {  	s8 =	sadd.s32 $0xFFFFE003, lr  }
0x1b: {  	s9 =	sadd.s32 $0xFFFFFEF7, lr;
	s5 =	simm.s32 $0xFFFFFFFF;
	p2 =	slt.u32 s8, $0xFFFFF086  }
0x1c: {  	p1 =	slt.u32 s9, $0xF7A;
	s5 =	simm.s32 @!p2 $0x0  }
0x1d: {  	s5 =	simm.s32 @p1 $0x1;
	p0 =	seq.s32 s7, s2  }
0x1e: {  	s7 =	smul.u32 @!p0 $0xF7A, s2;
	p2 =	seq.s32 @!p0 s5, $0x0  }
0x1f: {  	s9 =	smul.u32 $0xF7A, s1;
	s8 =	simm.s32 @!p0 $0x1BF5;
	p2 =	por !p2, p0  }
0x20: {  	[sflag:s8] =	ssyncset.s32 @!p0 $0xFFFFF086;
	s6 =	sadd.s32 @!p0 s3, s7;
	s7 =	simm.s32 @!p0 $0x108  }
0x21: {  	s3 =	sadd.s32 s3, s9;
	s6 =	sadd.s32 @!p0 $0x88, s6;
	s7 =	simm.s32 @p2 $0x1082  }
0x22: {  	[simem:s7], [sflag:s8] =	dma.local @!p0 [hbm:s6], $0xF7A  }
0x23: {  	s9 =	sor.u32 $0xD0000000, s2;
	s6 =	simm.s32 $0x108;
	_ =	swait.ge @!p0 [sflag:s8], $0x0  }
0x24: {  	s3 =	sadd.s32 $0x88, s3;
	s6 =	simm.s32 @!p1 $0x1082;
	[sflag:s4] =	ssyncset.s32 $0xFFFFF086  }
0x25: {  	[simem:s6], [sflag:s4] =	dma.local [hbm:s3], $0xF7A  }
0x26: {  	[smem:$0x3F93] =	sst s1;
	(tag) =	ssettag s2;
	_ =	strace s9  }
0x27: {  	s1 =	sld [smem:$0x3FA3]  }
0x28: {  	s2 =	sld [smem:$0x3FA4]  }
0x29: {  	s4 =	sld [smem:$0x3FA6]  }
0x2a: {  	p0 =	seq.s32 s5, $0x0;
	s5 =	sld [smem:$0x3FA7]  }
0x2b: {  	s6 =	sld [smem:$0x3FA8]  }
0x2c: {  	s7 =	sld [smem:$0x3FA9]  }
0x2d: {  	s3 =	simm.s32 $0x108;
	s8 =	sld [smem:$0x3FAA]  }
0x2e: {  	s3 =	simm.s32 @!p0 $0x1082;
	s9 =	sld [smem:$0x3FAB]  }
0x2f: {  	lr =	sadd.s32 s0, s3;
	s0 =	sld [smem:$0x3FA2]  }
0x30: {  	s3 =	sld [smem:$0x3FA5]  }
0x31: {  	[smem:$0x3FAE] =	sst s10  }
0x32: {  	s10 =	sld [smem:$0x3FAC];
	_ =	sdelay $0x3  }
0x33: {  	p0 =	seq.s32 s10, $0x1;
	s10 =	sld [smem:$0x3FAE];
	_ =	sdelay $0x3  }
0x34: {  	[smem:$0x3FAE] =	sst s10  }
0x35: {  	s10 =	sld [smem:$0x3FAD];
	_ =	sdelay $0x3  }
0x36: {  	p1 =	seq.s32 s10, $0x1;
	s10 =	sld [smem:$0x3FAE];
	_ =	sdelay $0x3  }
0x37: {  	[smem:$0x3FAE] =	sst s10  }
0x38: {  	s10 =	sld [smem:$0x3FAF]  }
0x39: {  	_ = 	snop;
	(pc) =	sbr.ind lr, $3  }
0x3a: {  	_ = 	snop  }
0x3b: {  	_ = 	snop  }
0x3c: {  	p2 =	seq.s32 s10, $0x1;
	s10 =	sld [smem:$0x3FAE]  }
0x3d: {  	_ =	shalt  }
0x3e: {  	_ =	shalt  }
0x3f: {  	_ =	shalt  }
0x40: {  	_ =	shalt  }
0x41: {  	_ =	shalt  }
0x42: {  	_ =	shalt  }
0x43: {  	_ =	shalt  }
0x44: {  	_ =	shalt  }
0x45: {  	_ =	shalt  }
0x46: {  	_ =	shalt  }
0x47: {  	_ =	shalt  }
0x48: {  	_ =	shalt  }
0x49: {  	_ =	shalt  }
0x4a: {  	_ =	shalt  }
0x4b: {  	_ =	shalt  }
0x4c: {  	_ =	shalt  }
0x4d: {  	_ =	shalt  }
0x4e: {  	_ =	shalt  }
0x4f: {  	_ =	shalt  }
0x50: {  	_ =	shalt  }
0x51: {  	_ =	shalt  }
0x52: {  	_ =	shalt  }
0x53: {  	_ =	shalt  }
0x54: {  	_ =	shalt  }
0x55: {  	_ =	shalt  }
0x56: {  	_ =	shalt  }
0x57: {  	_ =	shalt  }
0x58: {  	_ =	shalt  }
0x59: {  	_ =	shalt  }
0x5a: {  	_ =	shalt  }
0x5b: {  	_ =	shalt  }
0x5c: {  	_ =	shalt  }
0x5d: {  	_ =	shalt  }
0x5e: {  	_ =	shalt  }
0x5f: {  	_ =	shalt  }
0x60: {  	_ =	shalt  }
0x61: {  	_ =	shalt  }
0x62: {  	_ =	shalt  }
0x63: {  	_ =	shalt  }
0x64: {  	_ =	shalt  }
0x65: {  	_ =	shalt  }
0x66: {  	_ =	shalt  }
0x67: {  	_ =	shalt  }
0x68: {  	_ =	shalt  }
0x69: {  	_ =	shalt  }
0x6a: {  	_ =	shalt  }
0x6b: {  	_ =	shalt  }
0x6c: {  	_ =	shalt  }
0x6d: {  	_ =	shalt  }
0x6e: {  	_ =	shalt  }
0x6f: {  	_ =	shalt  }
0x70: {  	_ =	shalt  }
0x71: {  	_ =	shalt  }
0x72: {  	_ =	shalt  }
0x73: {  	_ =	shalt  }
0x74: {  	_ =	shalt  }
0x75: {  	_ =	shalt  }
0x76: {  	_ =	shalt  }
0x77: {  	_ =	shalt  }
0x78: {  	_ =	shalt  }
0x79: {  	_ =	shalt  }
0x7a: {  	_ =	shalt  }
0x7b: {  	_ =	shalt  }
0x7c: {  	_ =	shalt  }
0x7d: {  	_ =	shalt  }
0x7e: {  	_ =	shalt  }
0x7f: {  	_ =	shalt  }
0x80: {  	_ =	shalt  }
0x81: {  	_ =	shalt  }
0x82: {  	_ =	shalt  }
0x83: {  	_ =	shalt  }
0x84: {  	_ =	shalt  }
0x85: {  	_ =	shalt  }
0x86: {  	_ =	shalt  }
0x87: {  	_ =	shalt  }
.Lfunc_end0:
.L_simem_size_0:
called_computation_lowered:
.L_overlay_start_0:
0x88: {  	s2 =	sld [smem:$0x3FD9]  }
0x89: {  	s3 =	sld [smem:$0x3FFE];
	_ =	sdelay $0x1  }
0x8a: {  	s1 =	srdreg.scid  }
0x8b: {  	s0 =	sand.u32 $0x1, s1  }
0x8c: {  	s14 =	sshll.u32 s0, $0xA;
	s2 =	sadd.s32 s3, s2  }
0x8d: {  	s2 =	sadd.s32 s2, s14  }
0x8e: {  	[smem:$0x3FBA] =	sst s2  }
0x8f: {  	_ = 	snop  }
0x90: {  	s2 =	sld [smem:$0x3FD0];
	_ =	sdelay $0x2  }
0x91: {  	s15 =	simm.s32 $0xA;
	s4 =	simm.s32 $0x10  }
0x92: {  	[smem:s4], [sflag:s15] =	dma.local [hbm:s2], $0x1  }
0x93: {  	_ =	swait.eq [sflag:s15], $0x1  }
0x94: {  	[sflag:s15] =	ssyncset.done $0x0  }
0x95: {  	[sflag:s15] =	ssyncadd.s32 $0xFFFFFFFF  }
0x96: {  	s16 =	sld [smem:$0x10];
	(tm) =	ssettm $0x1  }
0x97: {  	s17 =	sld [smem:$0x3FFB];
	_ =	sdelay $0x3  }
0x98: {  	_ =	strace s17  }
0x99: {  	s3 =	sld [smem:$0x3FFC];
	_ =	sdelay $0x3  }
0x9a: {  	_ =	strace s3  }
0x9b: {  	s3 =	sld [smem:$0x3FFD];
	_ =	sdelay $0x3  }
0x9c: {  	_ =	strace s3  }
0x9d: {  	_ =	strace $0x8FFFFFFF  }
0x9e: {  	s18 =	sld [smem:$0x3FDB];
	_ =	sdelay $0x1  }
0x9f: {  	s19 =	simm.s32 $_scs_section_size  }
0xa0: {  	s5 =	simm.s32 $_size__tile_overlayer_lowered;
	s6 =	simm.s32 $_tile_overlayer_lowered  }
0xa1: {  	s22 =	simm.s32 $0x1BFF;
	s21 =	sshll.u32 s6, $0x1;
	s3 =	sadd.s32 s19, s18  }
0xa2: {  	s7 =	simm.s32 $0x0;
	s20 =	sshll.u32 s5, $0x1;
	s5 =	sadd.s32 s21, s3  }
0xa3: {  	[timem:s7], [sflag:s22] =	dma.local [hbm:s5], s20  }
0xa4: {  	_ =	swait.ge [sflag:s22], s20  }
0xa5: {  	s4 =	ssub.s32 $0x0, s20;
	[sflag:s22] =	ssyncset.done $0x0  }
0xa6: {  	[sflag:s22] =	ssyncadd.s32 s4;
	_ =	sdelay $0x1  }
0xa7: {  	s23 =	simm.s32 $0x1B8B  }
0xa8: {  	_ =	swait.ge [sflag:s23], $0x1  }
0xa9: {  	[sflag:s23] =	ssyncset.done $0x0  }
0xaa: {  	s25 =	simm.s32 $0x1B8E;
	s24 =	sld [smem:$0x3FFE];
	[sflag:s23] =	ssyncadd.s32 $0xFFFFFFFF  }
0xab: {  	s26 =	simm.s32 $execute0_lowered;
	[smem:$0x3FD2] =	sst s25  }
0xac: {  	s5 =	sshll.u32 s26, $0x1;
	_ =	strace $0x80000046;
	[dreg:$0x1] =	wrdreg $0xFFFFFFFF  }
0xad: {  	s28 =	simm.s32 $_size_execute0_lowered;
	s3 =	sadd.s32 s3, s5;
	[dreg:$0x0] =	wrdreg $0x0  }
0xae: {  	s5 =	sshll.u32 s28, $0x1;
	[dreg:$0x2] =	wrdreg s3  }
0xaf: {  	[dreg:$0x3] =	wrdreg s5  }
0xb0: {  	[dreg:$0x4] =	wrdreg $0xC0  }
0xb1: {  	_ =	task [dreg:s7], $0x5FFFF  }
0xb2: {  	[dreg:$0x1] =	wrdreg $0xFFFFFFFF  }
0xb3: {  	[dreg:$0x0] =	wrdreg $0x60  }
0xb4: {  	[dreg:$0x2] =	wrdreg s16  }
0xb5: {  	[dreg:$0x3] =	wrdreg s24  }
0xb6: {  	[dreg:$0x4] =	wrdreg $0x65400  }
0xb7: {  	[dreg:$0x5] =	wrdreg $0x128900  }
0xb8: {  	[dreg:$0x6] =	wrdreg $0x9  }
0xb9: {  	_ =	task.clear_ibuf [dreg:s7], $0x7FFFF;
	_ =	strace $0x90000046  }
0xba: {  	s29 =	simm.s32 $0x9;
	_ =	strace $0x80000048  }
0xbb: {  	_ =	swait.ge [sflag:s29], $0x1  }
0xbc: {  	[sflag:s29] =	ssyncadd.s32 $0xFFFFFFFF  }
0xbd: {  	_ =	strace $0x90000048  }
0xbe: {  	_ =	sfence  }
0xbf: {  	s30 =	sld [smem:$0x0];
	_ =	sdelay $0x2  }
0xc0: {  	s31 =	sshll.u32 s1, $0xD;
	s1 =	sshrl.u32 s1, $0x2  }
0xc1: {  	s3 =	sand.u32 $0x4000, s31;
	s1 =	sadd.s32 s1, s30  }
0xc2: {  	s0 =	sor.u32 s3, s0;
	s1 =	sshll.u32 s1, $0x11  }
0xc3: {  	s0 =	sor.u32 s1, s0  }
0xc4: {  	s0 =	sadd.s32 $0x8F2B, s0  }
0xc5: {  	[sflag:s0] =	ssyncadd.remote.s32 $0x1  }
0xc6: {  	_ =	sfence.sel $0xFFFF  }
0xc7: {  	[dreg:$0x0] =	wrdreg $0xFFFFFFFF;
	(pc) =	sbr.abs _section_cstart, $3  }
0xc8: {  	[dreg:$0x1] =	wrdreg $0xFFFFFFFF  }
0xc9: {  	_ =	task.clear_ibuf [dreg:s7], $0x2FFFF;
	_ =	strace $0x9FFFFFFF  }
0xca: {  	(tm) =	ssettm $0x7FFFFFFF  }
0xcb: {  	_ =	shalt  }
tec
execute0_lowered:
.L_overlay_start_1:
0x0: {  	(tag) =	ssettag $0x1  }
0x1: {  	s0 =	rddreg [dreg:$0x0]  }
0x2: {  	s1 =	rddreg [dreg:$0x1]  }
0x3: {  	s2 =	rddreg [dreg:$0x2];
	s20 =	stileid.u32  }
0x4: {  	s3 =	rddreg [dreg:$0x3];
	s4 =	simm.s32 $0x0;
	s10 =	srdreg.scid  }
0x5: {  	s28 =	simm.s32 $0x3340;
	s29 =	simm.s32 $0x1A40;
	s30 =	simm.s32 $0x4C40  }
0x6: {  	s31 =	simm.s32 $0xA0;
	s7 =	smul.u32 $0x186A0, s20;
	[smem:$0x7FF] =	sst s4  }
0x7: {  	s5 =	sadd.s32 $0x1C600, s1;
	s6 =	sadd.s32 $0x26400, s1;
	s11 =	sadd.s32 $0x356600, s1  }
0x8: {  	s12 =	sadd.s32 $0x49200, s1;
	s10 =	sand.u32 $0x1, s10;
	s13 =	sadd.s32 $0x30200, s1  }
0x9: {  	s15 =	sshll.u32 s20, $0x1;
	s18 =	sshll.u32 s20, $0x6;
	s26 =	smul.u32 $0x4E20, s20  }
0xa: {  	s20 =	smul.u32 $0x30D40, s20;
	_ =	strace $0x80000047;
	s14 =	ssub.s32 $0x2, s10  }
0xb: {  	s15 =	sor.u32 s10, s15;
	s18 =	sor.u32 $0x1C06, s18;
	s8 =	sshrl.u32 s7, $0x4  }
0xc: {  	s16 =	sshrl.u32 s14, $0x1;
	s7 =	sshrl.u32 s7, $0x1;
	s19 =	smul.u32 $0x6400, s15  }
0xd: {  	[dreg:$0x7] =	wrdreg s18;
	s21 =	smul.u32 $0x640, s15;
	s9 =	sadd.s32 s8, s1  }
0xe: {  	s1 =	sadd.s32 $0x3CA00, s1;
	s14 =	ssub.s32 s14, s16;
	s16 =	smul.u32 $0x2710, s15  }
0xf: {  	s17 =	sadd.s32 s7, s2;
	s0 =	sadd.s32 s0, s8;
	s7 =	sadd.s32 s7, s3  }
0x10: {  	s15 =	smul.u32 $0x186A00, s15;
	[dreg:$0x6] =	wrdreg s0;
	s22 =	sadd.s32 $0x3E00, s9  }
0x11: {  	s23 =	sshrl.u32 s19, $0x4;
	s24 =	sadd.s32 s13, s21;
	[dreg:$0x8] =	wrdreg s22  }
0x12: {  	s0 =	sadd.s32 s1, s21;
	[dreg:$0x9] =	wrdreg s24;
	s9 =	sadd.s32 $0x320, s23  }
0x13: {  	[dreg:$0xa] =	wrdreg s0;
	s19 =	sshrl.u32 s15, $0x4;
	s22 =	smul.u32 $0x186A0, s10  }
0x14: {  	s23 =	smax.u32 s14, $0x1;
	s24 =	sadd.s32 s20, s11;
	s25 =	sadd.s32 s13, s9  }
0x15: {  	s1 =	sadd.s32 s1, s9;
	s13 =	sshrl.u32 s16, $0x3;
	[dreg:$0x11] =	wrdreg s23  }
0x16: {  	s16 =	smul.u32 $0x2710, s10;
	s9 =	sadd.s32 s20, s12;
	[dreg:$0xb] =	wrdreg s25  }
0x17: {  	[dreg:$0xc] =	wrdreg s1;
	s18 =	sadd.s32 s5, s13;
	s1 =	sadd.s32 s6, s13  }
0x18: {  	s10 =	sadd.s32 s22, s24;
	s20 =	sadd.s32 s22, s9;
	[dreg:$0xd] =	wrdreg s18  }
0x19: {  	s25 =	sshrl.u32 s17, $0x3;
	s24 =	simm.s32 $0x6;
	[dreg:$0xe] =	wrdreg s1  }
0x1a: {  	s9 =	simm.s32 $0x1;
	s13 =	simm.s32 $0x0;
	[dreg:$0x5] =	wrdreg s10  }
0x1b: {  	s1 =	sadd.s32 $0x18380, s19;
	s0 =	sadd.s32 s16, s26;
	[dreg:$0x12] =	wrdreg s25  }
0x1c: {  	s26 =	sshrl.u32 s7, $0x3;
	s7 =	simm.s32 $0x4;
	s10 =	simm.s32 $0x3  }
0x1d: {  	s21 =	sadd.s32 s11, s1;
	s1 =	sadd.s32 s12, s1;
	s19 =	sadd.s32 $0xA0, s0  }
0x1e: {  	s0 =	sadd.s32 $0x50, s0;
	[dreg:$0x13] =	wrdreg s26;
	s26 =	simm.s32 $0x140  }
0x1f: {  	s11 =	simm.s32 $0x5;
	s12 =	simm.s32 $0x2;
	[dreg:$0xf] =	wrdreg s21  }
0x20: {  	[dreg:$0x10] =	wrdreg s1;
	s0 =	sshrl.u32 s0, $0x3;
	s1 =	simm.s32 $0x50  }
0x21: {  	s21 =	sadd.s32 s0, s6;
	s22 =	sadd.s32 s0, s5;
	s0 =	simm.s32 $0xF0  }
.LBB2_1:
0x22: {  	s8 =	rddreg [dreg:$0x6]  }
0x23: {  	s14 =	rddreg [dreg:$0x7]  }
0x24: {  	s15 =	rddreg [dreg:$0x12]  }
0x25: {  	[spmem:s15], [sflag:s14] =	dma.local [hbm:s8], $0x186A  }
0x26: {  	_ =	swait.ge [sflag:s24], $0x186A  }
0x27: {  	[sflag:s24] =	ssyncset.done $0x0;
	s18 =	rddreg [dreg:$0x8]  }
0x28: {  	s23 =	rddreg [dreg:$0x13];
	[sflag:s24] =	ssyncadd.s32 $0xFFFFE796  }
0x29: {  	[spmem:s23], [sflag:s14] =	dma.local [hbm:s18], $0x186A  }
0x2a: {  	_ =	swait.ge [sflag:s24], $0x186A  }
0x2b: {  	[sflag:s24] =	ssyncset.done $0x0  }
0x2c: {  	[sflag:s24] =	ssyncadd.s32 $0xFFFFE796  }
0x2d: {  	[bflag:$0x0] =	sbarrier.arrive $0xFFFF  }
0x2e: {  	s25 =	rddreg [dreg:$0x9]  }
0x2f: {  	[hbm4b:s25+s4] =	stream.linear.scatter [tilespmem:s26], [sflag:$0x4], $0x1900, $0x38;
	[tilespmem:$0x1EBE0] =	vst v63  }
0x30: {  	s14 =	rddreg [dreg:$0xa]  }
0x31: {  	[hbm4b:s14+s4] =	stream.linear.scatter [tilespmem:s28], [sflag:$0x4], $0x1900, $0x38;
	[tilespmem:$0x1EBE0] =	vst v63  }
0x32: {  	s15 =	rddreg [dreg:$0xb]  }
0x33: {  	[hbm4b:s15+s4] =	stream.linear.scatter [tilespmem:s29], [sflag:$0x5], $0x1900, $0x38;
	[tilespmem:$0x1EBE0] =	vst v63  }
0x34: {  	s16 =	rddreg [dreg:$0xc]  }
0x35: {  	[hbm4b:s16+s4] =	stream.linear.scatter [tilespmem:s30], [sflag:$0x5], $0x1900, $0x38;
	[tilespmem:$0x1EBE0] =	vst v63  }
0x36: {  	s17 =	rddreg [dreg:$0xd]  }
0x37: {  	[tilespmem:s4], [sflag:$0x1] =	stream.linear.gather [hbm4b:s17+s4], $0x50, $0x38;
	[tilespmem:$0x1EBE0] =	vst v63  }
0x38: {  	s18 =	rddreg [dreg:$0xe]  }
0x39: {  	[tilespmem:s31], [sflag:$0x1] =	stream.linear.gather [hbm4b:s18+s4], $0x50, $0x38;
	[tilespmem:$0x1EBE0] =	vst v63  }
0x3a: {  	_ = 	snop  }
0x3b: {  	[tilespmem:s1], [sflag:$0x2] =	stream.linear.gather [hbm4b:s22+s4], $0x50, $0x38;
	[tilespmem:$0x1EBE0] =	vst v63  }
0x3c: {  	_ = 	snop  }
0x3d: {  	[tilespmem:s0], [sflag:$0x2] =	stream.linear.gather [hbm4b:s21+s4], $0x50, $0x38;
	[tilespmem:$0x1EBE0] =	vst v63  }
0x3e: {  	_ =	swait.ge [sflag:s7], $0x1900  }
0x3f: {  	[sflag:s7] =	ssyncset.done $0x0  }
0x40: {  	[sflag:s7] =	ssyncadd.s32 $0xFFFFE700  }
0x41: {  	_ =	swait.ge [sflag:s7], $0x1900  }
0x42: {  	[sflag:s7] =	ssyncset.done $0x0  }
0x43: {  	[sflag:s7] =	ssyncadd.s32 $0xFFFFE700  }
0x44: {  	_ =	swait.ge [sflag:s9], $0x50  }
0x45: {  	[sflag:s9] =	ssyncset.done $0x0  }
0x46: {  	[sflag:s9] =	ssyncadd.s32 $0xFFFFFFB0  }
0x47: {  	_ =	swait.ge [sflag:s9], $0x50  }
0x48: {  	[sflag:s9] =	ssyncset.done $0x0  }
0x49: {  	[sflag:s9] =	ssyncadd.s32 $0xFFFFFFB0  }
0x4a: {  	[tilespmem:s26], [sflag:$0x3] =	stream.indirect.gather [spmem:s2], $0x50, s4, s1, $0xb8;
	[tilespmem:$0x1EBE0] =	vst v63  }
0x4b: {  	_ = 	snop  }
0x4c: {  	[tilespmem:s28], [sflag:$0x3] =	stream.indirect.gather [spmem:s3], $0x50, s31, s1, $0xb8;
	[tilespmem:$0x1EBE0] =	vst v63  }
0x4d: {  	_ =	swait.ge [sflag:s10], $0x1900  }
0x4e: {  	[sflag:s10] =	ssyncset.done $0x0  }
0x4f: {  	[sflag:s10] =	ssyncadd.s32 $0xFFFFE700  }
0x50: {  	_ =	swait.ge [sflag:s10], $0x1900  }
0x51: {  	s23 =	rddreg [dreg:$0x5];
	[sflag:s10] =	ssyncset.done $0x0  }
0x52: {  	[sflag:s10] =	ssyncadd.s32 $0xFFFFE700;
	s14 =	sadd.s32 $0x0, s23  }
0x53: {  	[hbm4b:s14+s4] =	stream.linear.scatter [tilespmem:s26], [sflag:$0x4], $0x1900, $0x38;
	[tilespmem:$0x1EBE0] =	vst v63  }
0x54: {  	s25 =	sshrl.u32 s19, $0x3;
	s16 =	sadd.s32 $0x0, s20  }
0x55: {  	[hbm4b:s16+s4] =	stream.linear.scatter [tilespmem:s28], [sflag:$0x4], $0x1900, $0x38;
	[tilespmem:$0x1EBE0] =	vst v63  }
0x56: {  	s17 =	sadd.s32 s5, s25  }
0x57: {  	[tilespmem:s4], [sflag:$0x1] =	stream.linear.gather [hbm4b:s17+s4], $0x50, $0x38;
	[tilespmem:$0x1EBE0] =	vst v63  }
0x58: {  	s15 =	sadd.s32 s6, s25  }
0x59: {  	[tilespmem:s31], [sflag:$0x1] =	stream.linear.gather [hbm4b:s15+s4], $0x50, $0x38;
	[tilespmem:$0x1EBE0] =	vst v63  }
0x5a: {  	_ =	swait.ge [sflag:s11], $0x1900  }
0x5b: {  	[sflag:s11] =	ssyncset.done $0x0  }
0x5c: {  	[sflag:s11] =	ssyncadd.s32 $0xFFFFE700  }
0x5d: {  	_ =	swait.ge [sflag:s11], $0x1900  }
0x5e: {  	[sflag:s11] =	ssyncset.done $0x0  }
0x5f: {  	[sflag:s11] =	ssyncadd.s32 $0xFFFFE700  }
0x60: {  	_ =	swait.ge [sflag:s12], $0x50  }
0x61: {  	[sflag:s12] =	ssyncset.done $0x0  }
0x62: {  	[sflag:s12] =	ssyncadd.s32 $0xFFFFFFB0  }
0x63: {  	_ =	swait.ge [sflag:s12], $0x50  }
0x64: {  	[sflag:s12] =	ssyncset.done $0x0  }
0x65: {  	[sflag:s12] =	ssyncadd.s32 $0xFFFFFFB0  }
0x66: {  	[tilespmem:s29], [sflag:$0x3] =	stream.indirect.gather [spmem:s2], $0x50, s1, s1, $0xb8;
	[tilespmem:$0x1EBE0] =	vst v63  }
0x67: {  	_ = 	snop  }
0x68: {  	[tilespmem:s30], [sflag:$0x3] =	stream.indirect.gather [spmem:s3], $0x50, s0, s1, $0xb8;
	[tilespmem:$0x1EBE0] =	vst v63  }
0x69: {  	_ =	swait.ge [sflag:s10], $0x1900  }
0x6a: {  	[sflag:s10] =	ssyncset.done $0x0  }
0x6b: {  	[sflag:s10] =	ssyncadd.s32 $0xFFFFE700  }
0x6c: {  	_ =	swait.ge [sflag:s10], $0x1900  }
0x6d: {  	s18 =	sadd.s32 $0x320, s16;
	[sflag:s10] =	ssyncset.done $0x0  }
0x6e: {  	s14 =	sadd.s32 $0x320, s14;
	s16 =	sadd.s32 $0xA0, s19;
	[sflag:s10] =	ssyncadd.s32 $0xFFFFE700  }
0x6f: {  	[hbm4b:s14+s4] =	stream.linear.scatter [tilespmem:s29], [sflag:$0x5], $0x1900, $0x38;
	[tilespmem:$0x1EBE0] =	vst v63  }
0x70: {  	s17 =	sadd.s32 $0x14, s21;
	s15 =	sadd.s32 $0x14, s22;
	s14 =	simm.s32 $0x640  }
.LBB2_2:
0x71: {  	[hbm4b:s18+s4] =	stream.linear.scatter [tilespmem:s30], [sflag:$0x5], $0x1900, $0x38;
	[tilespmem:$0x1EBE0] =	vst v63  }
0x72: {  	_ = 	snop  }
0x73: {  	[tilespmem:s1], [sflag:$0x2] =	stream.linear.gather [hbm4b:s15+s4], $0x50, $0x38;
	[tilespmem:$0x1EBE0] =	vst v63  }
0x74: {  	_ = 	snop  }
0x75: {  	[tilespmem:s0], [sflag:$0x2] =	stream.linear.gather [hbm4b:s17+s4], $0x50, $0x38;
	[tilespmem:$0x1EBE0] =	vst v63  }
0x76: {  	_ =	swait.ge [sflag:s7], $0x1900  }
0x77: {  	[sflag:s7] =	ssyncset.done $0x0  }
0x78: {  	[sflag:s7] =	ssyncadd.s32 $0xFFFFE700  }
0x79: {  	_ =	swait.ge [sflag:s7], $0x1900  }
0x7a: {  	[sflag:s7] =	ssyncset.done $0x0  }
0x7b: {  	[sflag:s7] =	ssyncadd.s32 $0xFFFFE700  }
0x7c: {  	_ =	swait.ge [sflag:s9], $0x50  }
0x7d: {  	[sflag:s9] =	ssyncset.done $0x0  }
0x7e: {  	[sflag:s9] =	ssyncadd.s32 $0xFFFFFFB0  }
0x7f: {  	_ =	swait.ge [sflag:s9], $0x50  }
0x80: {  	[sflag:s9] =	ssyncset.done $0x0  }
0x81: {  	[sflag:s9] =	ssyncadd.s32 $0xFFFFFFB0  }
0x82: {  	[tilespmem:s26], [sflag:$0x3] =	stream.indirect.gather [spmem:s2], $0x50, s4, s1, $0xb8;
	[tilespmem:$0x1EBE0] =	vst v63  }
0x83: {  	_ = 	snop  }
0x84: {  	[tilespmem:s28], [sflag:$0x3] =	stream.indirect.gather [spmem:s3], $0x50, s31, s1, $0xb8;
	[tilespmem:$0x1EBE0] =	vst v63  }
0x85: {  	_ =	swait.ge [sflag:s10], $0x1900  }
0x86: {  	[sflag:s10] =	ssyncset.done $0x0  }
0x87: {  	[sflag:s10] =	ssyncadd.s32 $0xFFFFE700  }
0x88: {  	_ =	swait.ge [sflag:s10], $0x1900  }
0x89: {  	s8 =	smov.u32 s14;
	s23 =	rddreg [dreg:$0x5];
	[sflag:s10] =	ssyncset.done $0x0  }
0x8a: {  	[sflag:s10] =	ssyncadd.s32 $0xFFFFE700;
	s23 =	sadd.s32 s8, s23  }
0x8b: {  	[hbm4b:s23+s4] =	stream.linear.scatter [tilespmem:s26], [sflag:$0x4], $0x1900, $0x38;
	[tilespmem:$0x1EBE0] =	vst v63  }
0x8c: {  	s25 =	sshrl.u32 s16, $0x3;
	s18 =	sadd.s32 s8, s20  }
0x8d: {  	[hbm4b:s18+s4] =	stream.linear.scatter [tilespmem:s28], [sflag:$0x4], $0x1900, $0x38;
	[tilespmem:$0x1EBE0] =	vst v63  }
0x8e: {  	s8 =	sadd.s32 s5, s25  }
0x8f: {  	[tilespmem:s4], [sflag:$0x1] =	stream.linear.gather [hbm4b:s8+s4], $0x50, $0x38;
	[tilespmem:$0x1EBE0] =	vst v63  }
0x90: {  	s25 =	sadd.s32 s6, s25  }
0x91: {  	[tilespmem:s31], [sflag:$0x1] =	stream.linear.gather [hbm4b:s25+s4], $0x50, $0x38;
	[tilespmem:$0x1EBE0] =	vst v63  }
0x92: {  	_ =	swait.ge [sflag:s11], $0x1900  }
0x93: {  	[sflag:s11] =	ssyncset.done $0x0  }
0x94: {  	[sflag:s11] =	ssyncadd.s32 $0xFFFFE700  }
0x95: {  	_ =	swait.ge [sflag:s11], $0x1900  }
0x96: {  	[sflag:s11] =	ssyncset.done $0x0  }
0x97: {  	[sflag:s11] =	ssyncadd.s32 $0xFFFFE700  }
0x98: {  	_ =	swait.ge [sflag:s12], $0x50  }
0x99: {  	[sflag:s12] =	ssyncset.done $0x0  }
0x9a: {  	[sflag:s12] =	ssyncadd.s32 $0xFFFFFFB0  }
0x9b: {  	_ =	swait.ge [sflag:s12], $0x50  }
0x9c: {  	[sflag:s12] =	ssyncset.done $0x0  }
0x9d: {  	[sflag:s12] =	ssyncadd.s32 $0xFFFFFFB0  }
0x9e: {  	[tilespmem:s29], [sflag:$0x3] =	stream.indirect.gather [spmem:s2], $0x50, s1, s1, $0xb8;
	[tilespmem:$0x1EBE0] =	vst v63  }
0x9f: {  	_ = 	snop  }
0xa0: {  	[tilespmem:s30], [sflag:$0x3] =	stream.indirect.gather [spmem:s3], $0x50, s0, s1, $0xb8;
	[tilespmem:$0x1EBE0] =	vst v63  }
0xa1: {  	_ =	swait.ge [sflag:s10], $0x1900  }
0xa2: {  	p0 =	sne.s32 s14, $0x17D40;
	[sflag:s10] =	ssyncset.done $0x0  }
.Ltmp0:
0xa3: {  	[sflag:s10] =	ssyncadd.s32 $0xFFFFE700;
	(pc) =	sbr.rel @p0 .LBB2_2-.Ltmp0, $4  }
0xa4: {  	s14 =	sadd.s32 $0x640, s14;
	s16 =	sadd.s32 $0xA0, s16;
	_ =	swait.ge [sflag:s10], $0x1900  }
0xa5: {  	s15 =	sadd.s32 $0x14, s15;
	s17 =	sadd.s32 $0x14, s17;
	[sflag:s10] =	ssyncset.done $0x0  }
0xa6: {  	s18 =	sadd.s32 $0x320, s18;
	s25 =	sadd.s32 $0x320, s23;
	[sflag:s10] =	ssyncadd.s32 $0xFFFFE700  }
0xa7: {  	[hbm4b:s25+s4] =	stream.linear.scatter [tilespmem:s29], [sflag:$0x5], $0x1900, $0x38;
	[tilespmem:$0x1EBE0] =	vst v63  }
0xa8: {  	[hbm4b:s18+s4] =	stream.linear.scatter [tilespmem:s30], [sflag:$0x5], $0x1900, $0x38;
	[tilespmem:$0x1EBE0] =	vst v63  }
0xa9: {  	_ =	swait.ge [sflag:s7], $0x1900  }
0xaa: {  	[sflag:s7] =	ssyncset.done $0x0  }
0xab: {  	[sflag:s7] =	ssyncadd.s32 $0xFFFFE700  }
0xac: {  	_ =	swait.ge [sflag:s7], $0x1900  }
0xad: {  	[sflag:s7] =	ssyncset.done $0x0  }
0xae: {  	[sflag:s7] =	ssyncadd.s32 $0xFFFFE700  }
0xaf: {  	_ =	swait.ge [sflag:s9], $0x50  }
0xb0: {  	[sflag:s9] =	ssyncset.done $0x0  }
0xb1: {  	[sflag:s9] =	ssyncadd.s32 $0xFFFFFFB0  }
0xb2: {  	_ =	swait.ge [sflag:s9], $0x50  }
0xb3: {  	[sflag:s9] =	ssyncset.done $0x0  }
0xb4: {  	[sflag:s9] =	ssyncadd.s32 $0xFFFFFFB0  }
0xb5: {  	[tilespmem:s26], [sflag:$0x3] =	stream.indirect.gather [spmem:s2], $0x50, s4, s1, $0xb8;
	[tilespmem:$0x1EBE0] =	vst v63  }
0xb6: {  	_ = 	snop  }
0xb7: {  	[tilespmem:s28], [sflag:$0x3] =	stream.indirect.gather [spmem:s3], $0x50, s31, s1, $0xb8;
	[tilespmem:$0x1EBE0] =	vst v63  }
0xb8: {  	_ =	swait.ge [sflag:s10], $0x1900  }
0xb9: {  	[sflag:s10] =	ssyncset.done $0x0  }
0xba: {  	[sflag:s10] =	ssyncadd.s32 $0xFFFFE700  }
0xbb: {  	_ =	swait.ge [sflag:s10], $0x1900  }
0xbc: {  	[sflag:s10] =	ssyncset.done $0x0  }
0xbd: {  	s8 =	rddreg [dreg:$0xf];
	[sflag:s10] =	ssyncadd.s32 $0xFFFFE700  }
0xbe: {  	[hbm4b:s8+s4] =	stream.linear.scatter [tilespmem:s26], [sflag:$0x4], $0x1900, $0x38;
	[tilespmem:$0x1EBE0] =	vst v63  }
0xbf: {  	s23 =	rddreg [dreg:$0x10]  }
0xc0: {  	[hbm4b:s23+s4] =	stream.linear.scatter [tilespmem:s28], [sflag:$0x4], $0x1900, $0x38;
	[tilespmem:$0x1EBE0] =	vst v63  }
0xc1: {  	_ =	swait.ge [sflag:s7], $0x1900  }
0xc2: {  	[sflag:s7] =	ssyncset.done $0x0  }
0xc3: {  	[sflag:s7] =	ssyncadd.s32 $0xFFFFE700  }
0xc4: {  	_ =	swait.ge [sflag:s7], $0x1900  }
0xc5: {  	[sflag:s7] =	ssyncset.done $0x0  }
0xc6: {  	[sflag:s7] =	ssyncadd.s32 $0xFFFFE700  }
0xc7: {  	_ =	swait.ge [sflag:s11], $0x1900  }
0xc8: {  	[sflag:s11] =	ssyncset.done $0x0  }
0xc9: {  	[sflag:s11] =	ssyncadd.s32 $0xFFFFE700  }
0xca: {  	_ =	swait.ge [sflag:s11], $0x1900  }
0xcb: {  	s13 =	sadd.s32 $0x1, s13;
	s25 =	rddreg [dreg:$0x11]  }
0xcc: {  	p0 =	sne.s32 s13, s25  }
.Ltmp1:
0xcd: {  	_ = 	snop;
	(pc) =	sbr.rel @p0 .LBB2_1-.Ltmp1, $3  }
0xce: {  	_ =	sdelay $0x1  }
0xcf: {  	[sflag:s11] =	ssyncset.done $0x0  }
0xd0: {  	[sflag:s11] =	ssyncadd.s32 $0xFFFFE700  }
0xd1: {  	_ =	sfence.sel $0x180000  }
0xd2: {  	[bflag:$0x0] =	sbarrier.arrive $0xFFFF  }
0xd3: {  	_ =	strace $0x90000047  }
0xd4: {  	s0 =	stileid.u32;
	[bflag:$0x2] =	sbarrier.arrive $0xFFFF  }
0xd5: {  	p0 =	sne.s32 s0, $0x0;
	s0 =	rddreg [dreg:$0x4]  }
0xd6: {  	s0 =	sadd.s32 @!p0 $0x100000, s0  }
0xd7: {  	[sflag:s0] =	ssyncadd.tile.s32 @!p0 $0x1;
	_ =	shalt  }
.Lfunc_end2:
_tile_overlayer_lowered:
.L_overlay_start_2:
0xd8: {  	(tag) =	ssettag $0x2  }
0xd9: {  	s0 =	rddreg [dreg:$0x0];
	s2 =	stileid.u32  }
0xda: {  	s1 =	rddreg [dreg:$0x1];
	p0 =	sne.s32 s2, $0x0  }
0xdb: {  	s3 =	rddreg [dreg:$0x2];
	[bflag:$0x3] =	sbarrier.arrive $0xFFFF;
	s2 =	simm.s32 @!p0 $0x1C06  }
0xdc: {  	[timem:s3], [sflag:s2] =	dma.local @!p0 [hbm:s0], s1  }
0xdd: {  	s0 =	simm.s32 @!p0 $0x6  }
0xde: {  	_ =	swait.ge @!p0 [sflag:s0], s1  }
0xdf: {  	s1 =	ssub.s32 @!p0 $0x0, s1;
	[sflag:s0] =	ssyncset.done @!p0 $0x0  }
0xe0: {  	[sflag:s0] =	ssyncadd.s32 @!p0 s1  }
0xe1: {  	[bflag:$0x3] =	sbarrier.arrive $0xFFFF  }
0xe2: {  	_ =	shalt  }

</sc_bundles>
